<compile_context>
chip_gen: v7x
topology: tpu7x:2x2x1
jax: 0.10.2.dev20260603
libtpu: 0.0.44.dev20260713+nightly
codegen_flags: <defaults>
</compile_context>

<pallas_src>
import functools

import jax
import jax.numpy as jnp
from jax import lax
from jax.experimental import pallas as pl
from jax.experimental.pallas import tpu as pltpu
from jax.experimental.pallas import tpu_sc as plsc

_N = 10000
_E = 320000
_D = 128
_DE = 16
_H = 8
_DH = _D // _H
_FFN = 512

_BN = 512
_BE = 4096
_CA = 1600
_CC = 800
_EQ = _E // 4

_f32 = jnp.float32
_i32 = jnp.int32

_SC_PARAMS = pltpu.CompilerParams(use_tc_tiling_on_sc=False,
                                  needs_layout_passes=False)



def _rne_bf16_bits(v):
    iv = jax.lax.bitcast_convert_type(v, _i32)
    return ((iv + 0x7FFF + ((iv >> 16) & 1)) >> 16) & 0xFFFF


def _node_pre_body(x_ref, w_ref, s_ref, hsp_ref):
    p = jnp.dot(x_ref[...], w_ref[...], preferred_element_type=_f32)
    s_ref[...] = p[:, _D:].T
    lo = _rne_bf16_bits(p[:, :_D // 2])
    hi = _rne_bf16_bits(p[:, _D // 2:_D])
    hsp_ref[...] = (lo | (hi << 16)).T


def _node_pre(x, w_cat):
    k = w_cat.shape[1]
    return pl.pallas_call(
        _node_pre_body,
        grid=(pl.cdiv(_N, _BN),),
        in_specs=[
            pl.BlockSpec((_BN, _D), lambda i: (i, 0)),
            pl.BlockSpec((_D, k), lambda i: (0, 0)),
        ],
        out_specs=[
            pl.BlockSpec((2 * _H, _BN), lambda i: (0, i)),
            pl.BlockSpec((_D // 2, _BN), lambda i: (0, i)),
        ],
        out_shape=[
            jax.ShapeDtypeStruct((2 * _H, _N), _f32),
            jax.ShapeDtypeStruct((_D // 2, _N), _i32),
        ],
    )(x, w_cat)


def _edge_pre_body(eat_ref, vt_ref, se_ref, eap_ref):
    ea = eat_ref[...]
    se_ref[...] = jnp.dot(vt_ref[...], ea,
                          preferred_element_type=_f32)
    lo = _rne_bf16_bits(ea[:_DE // 2])
    hi = _rne_bf16_bits(ea[_DE // 2:])
    eap_ref[...] = lo | (hi << 16)


def _edge_pre(eaT, v_edgeT):
    return pl.pallas_call(
        _edge_pre_body,
        grid=(pl.cdiv(_E, _BE),),
        in_specs=[
            pl.BlockSpec((_DE, _BE), lambda i: (0, i)),
            pl.BlockSpec((_H, _DE), lambda i: (0, 0)),
        ],
        out_specs=[
            pl.BlockSpec((_H, _BE), lambda i: (0, i)),
            pl.BlockSpec((_DE // 2, _BE), lambda i: (0, i)),
        ],
        out_shape=[
            jax.ShapeDtypeStruct((_H, _E), _f32),
            jax.ShapeDtypeStruct((_DE // 2, _E), _i32),
        ],
    )(eaT, v_edgeT)


def _denred_body(p_ref, o_ref):
    p = p_ref[...].reshape(2, 4, 4, _N).sum(axis=1).reshape(_H, _N)
    o_ref[...] = 1.0 / (p + 1e-9)


def _denred(partials):
    return pl.pallas_call(
        _denred_body,
        out_shape=jax.ShapeDtypeStruct((_H, _N), _f32),
    )(partials)


def _ffn_body(x_ref, aggt_ref, bt_ref, wbd_ref, w1_ref, b1_ref, w2_ref,
              b2_ref, o_ref):
    a = aggt_ref[...].T + jnp.dot(bt_ref[...].T, wbd_ref[...],
                                  preferred_element_type=_f32)
    elu = jnp.where(a > 0, a, jnp.exp(jnp.minimum(a, 0.0)) - 1.0)
    h1 = x_ref[...] + elu
    t = jnp.maximum(
        jnp.dot(h1, w1_ref[...], preferred_element_type=_f32)
        + b1_ref[...], 0.0)
    o_ref[...] = h1 + jnp.dot(t, w2_ref[...],
                              preferred_element_type=_f32) + b2_ref[...]


def _ffn(x, aggT, bT, w_bd, w1, b1, w2, b2):
    return pl.pallas_call(
        _ffn_body,
        grid=(pl.cdiv(_N, _BN),),
        in_specs=[
            pl.BlockSpec((_BN, _D), lambda i: (i, 0)),
            pl.BlockSpec((_D, _BN), lambda i: (0, i)),
            pl.BlockSpec((_D, _BN), lambda i: (0, i)),
            pl.BlockSpec((_D, _D), lambda i: (0, 0)),
            pl.BlockSpec((_D, _FFN), lambda i: (0, 0)),
            pl.BlockSpec((1, _FFN), lambda i: (0, 0)),
            pl.BlockSpec((_FFN, _D), lambda i: (0, 0)),
            pl.BlockSpec((1, _D), lambda i: (0, 0)),
        ],
        out_specs=pl.BlockSpec((_BN, _D), lambda i: (i, 0)),
        out_shape=jax.ShapeDtypeStruct((_N, _D), _f32),
    )(x, aggT, bT, w_bd, w1, b1.reshape(1, _FFN), w2, b2.reshape(1, _D))



_MESH = plsc.VectorSubcoreMesh(core_axis_name="c", subcore_axis_name="s",
                               num_cores=2, num_subcores=16)


@functools.partial(
    pl.kernel,
    out_type=(
        jax.ShapeDtypeStruct((_H, _E), _f32),
        jax.ShapeDtypeStruct((2, 16, _N), _f32),
    ),
    mesh=_MESH,
    compiler_params=_SC_PARAMS,
    scratch_types=[
        pltpu.VMEM((_N,), _f32),
        pltpu.VMEM((_N,), _f32),
        pltpu.VMEM((_N,), _f32),
        pltpu.VMEM((_CA,), _i32),
        pltpu.VMEM((_CA,), _i32),
        pltpu.VMEM((_CA,), _f32),
        pltpu.VMEM((_CA,), _i32),
        pltpu.VMEM((_CA,), _i32),
        pltpu.VMEM((_CA,), _f32),
        pltpu.VMEM((_CA,), _f32),
        pltpu.SemaphoreType.DMA,
        pltpu.SemaphoreType.DMA,
    ],
)
def _sc_pass_a(nodeS, seT, src_e, dst_e, exT_out, den_out,
               ssrc_v, sdst_v, den_v,
               srcA0, dstA0, seA0, srcA1, dstA1, seA1, ex_v, semA0, semA1):
    c = lax.axis_index("c")
    s = lax.axis_index("s")
    h = 4 * c + lax.rem(s, 4)
    q = lax.div(s, 4)

    pltpu.sync_copy(nodeS.at[h], ssrc_v)
    pltpu.sync_copy(nodeS.at[_H + h], sdst_v)

    def zero(i, carry):
        den_v[pl.ds(i * 16, 16)] = jnp.zeros((16,), _f32)
        return carry
    lax.fori_loop(0, _N // 16, zero, 0)

    bufs = [(srcA0, dstA0, seA0, semA0), (srcA1, dstA1, seA1, semA1)]
    nch = _EQ // _CA

    def start(k, b):
        sv, dv, sev, sem = bufs[b]
        e0 = q * _EQ + k * _CA
        pltpu.async_copy(src_e.at[pl.ds(e0, _CA)], sv, sem)
        pltpu.async_copy(dst_e.at[pl.ds(e0, _CA)], dv, sem)
        pltpu.async_copy(seT.at[h, pl.ds(e0, _CA)], sev, sem)

    def wait(b):
        sv, dv, sev, sem = bufs[b]
        pltpu.make_async_copy(src_e.at[pl.ds(0, _CA)], sv, sem).wait()
        pltpu.make_async_copy(dst_e.at[pl.ds(0, _CA)], dv, sem).wait()
        pltpu.make_async_copy(seT.at[0, pl.ds(0, _CA)], sev, sem).wait()

    _GA = 4

    def process(b, k):
        sv, dv, sev, _sem = bufs[b]

        def grp(g, carry2):
            srcs, dsts, ses, gs, gd = [], [], [], [], []
            for u in range(_GA):
                sl = pl.ds((g * _GA + u) * 16, 16)
                srcv = sv[sl]
                dstv = dv[sl]
                srcs.append(srcv)
                dsts.append(dstv)
                ses.append(sev[sl])
                gs.append(plsc.load_gather(ssrc_v, [srcv]))
                gd.append(plsc.load_gather(sdst_v, [dstv]))
            for u in range(_GA):
                sl = pl.ds((g * _GA + u) * 16, 16)
                sc = gs[u] + gd[u] + ses[u]
                sc = jnp.maximum(sc, 0.2 * sc)
                ex = jnp.exp(sc)
                ex_v[sl] = ex
                plsc.addupdate_scatter(den_v, [dsts[u]], ex)
            return carry2
        lax.fori_loop(0, _CA // (16 * _GA), grp, 0)
        e0 = q * _EQ + k * _CA
        pltpu.sync_copy(ex_v, exT_out.at[h, pl.ds(e0, _CA)])

    start(0, 0)
    start(1, 1)

    def body(i, carry):
        for b in (0, 1):
            k = 2 * i + b
            wait(b)
            process(b, k)

            @pl.when(k + 2 < nch)
            def _():
                start(k + 2, b)
        return carry
    lax.fori_loop(0, nch // 2, body, 0)

    pltpu.sync_copy(den_v, den_out.at[c, s])


@functools.partial(
    pl.kernel,
    out_type=(
        jax.ShapeDtypeStruct((_D, _N), _f32),
        jax.ShapeDtypeStruct((_D, _N), _f32),
    ),
    mesh=_MESH,
    compiler_params=_SC_PARAMS,
    scratch_types=[
        pltpu.VMEM((2, _N), _i32),
        pltpu.VMEM((4, _N), _f32),
        pltpu.VMEM((2, _N), _f32),
        pltpu.VMEM((2, _N), _f32),
        pltpu.VMEM((_N,), _f32),
        pltpu.VMEM((_CC,), _i32),
        pltpu.VMEM((_CC,), _i32),
        pltpu.VMEM((_CC,), _f32),
        pltpu.VMEM((2, _CC), _i32),
        pltpu.VMEM((_CC,), _i32),
        pltpu.VMEM((_CC,), _i32),
        pltpu.VMEM((_CC,), _f32),
        pltpu.VMEM((2, _CC), _i32),
        pltpu.SemaphoreType.DMA,
        pltpu.SemaphoreType.DMA,
    ],
)
def _sc_pass_c(hsP, eaP, src_e, dst_e, rdenT, exT_in, aggT_out, bT_out,
               hs_v, agg_v, blo_v, bhi_v, rden_v,
               src0, dst0, ex0, ea0, src1, dst1, ex1, ea1, sem0, sem1):
    c = lax.axis_index("c")
    s = lax.axis_index("s")
    f0 = 64 * c + 4 * s
    h = lax.div(16 * c + s, 4)
    wq0 = 2 * lax.rem(s, 4)
    bq0 = 16 * h + wq0

    pltpu.sync_copy(hsP.at[pl.ds(lax.div(f0, 2), 2)], hs_v)
    pltpu.sync_copy(rdenT.at[h], rden_v)

    def zero(i, carry):
        z = jnp.zeros((16,), _f32)
        agg_v[0, pl.ds(i * 16, 16)] = z
        agg_v[1, pl.ds(i * 16, 16)] = z
        agg_v[2, pl.ds(i * 16, 16)] = z
        agg_v[3, pl.ds(i * 16, 16)] = z
        blo_v[0, pl.ds(i * 16, 16)] = z
        blo_v[1, pl.ds(i * 16, 16)] = z
        bhi_v[0, pl.ds(i * 16, 16)] = z
        bhi_v[1, pl.ds(i * 16, 16)] = z
        return carry
    lax.fori_loop(0, _N // 16, zero, 0)

    jv = [jnp.full((16,), j, _i32) for j in range(4)]
    jw = [jnp.full((16,), j, _i32) for j in range(2)]
    bufs = [(src0, dst0, ex0, ea0, sem0), (src1, dst1, ex1, ea1, sem1)]
    nch = _E // _CC

    def start(k, b):
        sv, dv, ev, eav, sem = bufs[b]
        e0 = k * _CC
        pltpu.async_copy(src_e.at[pl.ds(e0, _CC)], sv, sem)
        pltpu.async_copy(dst_e.at[pl.ds(e0, _CC)], dv, sem)
        pltpu.async_copy(exT_in.at[h, pl.ds(e0, _CC)], ev, sem)
        pltpu.async_copy(eaP.at[pl.ds(wq0, 2), pl.ds(e0, _CC)], eav, sem)

    def wait(b):
        sv, dv, ev, eav, sem = bufs[b]
        pltpu.make_async_copy(src_e.at[pl.ds(0, _CC)], sv, sem).wait()
        pltpu.make_async_copy(dst_e.at[pl.ds(0, _CC)], dv, sem).wait()
        pltpu.make_async_copy(exT_in.at[0, pl.ds(0, _CC)], ev, sem).wait()
        pltpu.make_async_copy(eaP.at[pl.ds(0, 2), pl.ds(0, _CC)], eav,
                              sem).wait()

    _GC = 5

    def process(b):
        sv, dv, ev, eav, _sem = bufs[b]

        def grp(g, carry2):
            dsts, exs, hsp, eas = [], [], [], []
            for u in range(_GC):
                sl = pl.ds((g * _GC + u) * 16, 16)
                srcv = sv[sl]
                dsts.append(dv[sl])
                exs.append(ev[sl])
                hsp.append([plsc.load_gather(hs_v, [jw[w], srcv])
                            for w in range(2)])
                eas.append([eav[w, sl] for w in range(2)])
            for u in range(_GC):
                exv = exs[u]
                for w in range(2):
                    g16 = hsp[u][w]
                    lo = plsc.bitcast(jnp.left_shift(g16, 16), _f32)
                    hi = plsc.bitcast(
                        jnp.bitwise_and(g16, jnp.int32(-65536)), _f32)
                    plsc.addupdate_scatter(agg_v, [jv[2 * w], dsts[u]],
                                           lo * exv)
                    plsc.addupdate_scatter(agg_v, [jv[2 * w + 1], dsts[u]],
                                           hi * exv)
                    e16 = eas[u][w]
                    elo = plsc.bitcast(jnp.left_shift(e16, 16), _f32)
                    ehi = plsc.bitcast(
                        jnp.bitwise_and(e16, jnp.int32(-65536)), _f32)
                    plsc.addupdate_scatter(blo_v, [jw[w], dsts[u]],
                                           elo * exv)
                    plsc.addupdate_scatter(bhi_v, [jw[w], dsts[u]],
                                           ehi * exv)
            return carry2
        lax.fori_loop(0, _CC // (16 * _GC), grp, 0)

    start(0, 0)
    start(1, 1)

    def body(i, carry):
        for b in (0, 1):
            k = 2 * i + b
            wait(b)
            process(b)

            @pl.when(k + 2 < nch)
            def _():
                start(k + 2, b)
        return carry
    lax.fori_loop(0, nch // 2, body, 0)

    def scale(i, carry):
        sl = pl.ds(i * 16, 16)
        rv = rden_v[sl]
        for r in range(4):
            agg_v[r, sl] = agg_v[r, sl] * rv
        for r in range(2):
            blo_v[r, sl] = blo_v[r, sl] * rv
            bhi_v[r, sl] = bhi_v[r, sl] * rv
        return carry
    lax.fori_loop(0, _N // 16, scale, 0)

    pltpu.sync_copy(agg_v, aggT_out.at[pl.ds(f0, 4)])
    pltpu.sync_copy(blo_v, bT_out.at[pl.ds(bq0, 2)])
    pltpu.sync_copy(bhi_v, bT_out.at[pl.ds(bq0 + 8, 2)])



def kernel(x, edge_index, edge_attr, W_src, W_dst, W_edge, a_src, a_dst,
           a_edge, W1, b1, W2, b2):
    v_src = (W_src.reshape(_D, _H, _DH) * a_src[None]).sum(-1)
    v_dst = (W_dst.reshape(_D, _H, _DH) * a_dst[None]).sum(-1)
    v_edge = (W_edge.reshape(_DE, _H, _DH) * a_edge[None]).sum(-1)
    w_src_p = jnp.concatenate([W_src[:, 0::2], W_src[:, 1::2]], axis=1)
    w_node = jnp.concatenate([w_src_p, v_src, v_dst], axis=1)
    w_bd = jax.scipy.linalg.block_diag(
        *[W_edge[:, 16 * hh:16 * hh + 16] for hh in range(_H)])

    nodeS, hsP = _node_pre(x, w_node)
    eaT = edge_attr.T
    seT, eaP = _edge_pre(eaT, v_edge.T)

    src_e = edge_index[0]
    dst_e = edge_index[1]
    exT, den_part = _sc_pass_a(nodeS, seT, src_e, dst_e)
    rdenT = _denred(den_part)
    aggT, bT = _sc_pass_c(hsP, eaP, src_e, dst_e, rdenT, exT)

    return _ffn(x, aggT, bT, w_bd, W1, b1, W2, b2)

# --- scband reference (transcript-rebuilt; emitter-appended) ---
"""Pipeline reference for scband-conv-encoder-10093173145809 (READ-ONLY COPY).

The authoritative reference and input builder live on the scoring server;
editing this copy changes nothing except your own understanding.
"""

import jax, jax.numpy as jnp
import numpy as np

N = 10000
E = 320000
D = 128
DE = 16
H = 8
DH = D // H
FFN = 512


def setup_inputs(seed: int = 0) -> dict:
    key = jax.random.key(seed)
    ks = jax.random.split(key, 14)
    inp = {}
    inp["x"] = jax.random.normal(ks[0], (N, D), dtype=jnp.float32)
    src = jax.random.randint(ks[1], (E,), 0, N, dtype=jnp.int32)
    dst = jax.random.randint(ks[2], (E,), 0, N, dtype=jnp.int32)
    inp["edge_index"] = jnp.stack([src, dst], axis=0)
    inp["edge_attr"] = jax.random.normal(ks[3], (E, DE), dtype=jnp.float32)
    s = 1.0 / np.sqrt(D)
    se = 1.0 / np.sqrt(DE)
    inp["W_src"] = jax.random.normal(ks[4], (D, D), dtype=jnp.float32) * s
    inp["W_dst"] = jax.random.normal(ks[5], (D, D), dtype=jnp.float32) * s
    inp["W_edge"] = jax.random.normal(ks[6], (DE, D), dtype=jnp.float32) * se
    inp["a_src"] = jax.random.normal(ks[7], (H, DH), dtype=jnp.float32) * s
    inp["a_dst"] = jax.random.normal(ks[8], (H, DH), dtype=jnp.float32) * s
    inp["a_edge"] = jax.random.normal(ks[9], (H, DH), dtype=jnp.float32) * s
    inp["W1"] = jax.random.normal(ks[10], (D, FFN), dtype=jnp.float32) * s
    inp["b1"] = jnp.zeros((FFN,), dtype=jnp.float32)
    inp["W2"] = jax.random.normal(ks[11], (FFN, D), dtype=jnp.float32) * (1.0 / np.sqrt(FFN))
    inp["b2"] = jnp.zeros((D,), dtype=jnp.float32)
    return inp


def reference(x, edge_index, edge_attr, W_src, W_dst, W_edge, a_src, a_dst, a_edge, W1, b1, W2, b2):
    src = edge_index[0]
    dst = edge_index[1]
    # project node / edge features per head (WSWGAT-style multi-head graph attention)
    hs = (x @ W_src).reshape(N, H, DH)
    hd = (x @ W_dst).reshape(N, H, DH)
    he = (edge_attr @ W_edge).reshape(E, H, DH)
    hse = hs[src]                      # gather [E, H, DH]
    hde = hd[dst]                      # gather [E, H, DH]
    # GAT attention logits with edge-feature term
    score = (jnp.sum(hse * a_src, axis=-1)
             + jnp.sum(hde * a_dst, axis=-1)
             + jnp.sum(he * a_edge, axis=-1))    # [E, H]
    score = jax.nn.leaky_relu(score, negative_slope=0.2)
    # edge-softmax over incoming edges of each dst node
    m = jax.ops.segment_max(score, dst, num_segments=N)
    m = jnp.where(jnp.isfinite(m), m, 0.0)
    ex = jnp.exp(score - m[dst])
    denom = jax.ops.segment_sum(ex, dst, num_segments=N)
    alpha = ex / (denom[dst] + 1e-9)             # [E, H]
    # attention-weighted message aggregation (scatter-add)
    msg = (hse + he) * alpha[:, :, None]
    agg = jax.ops.segment_sum(msg, dst, num_segments=N).reshape(N, D)
    # residual connection around attention, then position-wise FFN with residual
    h1 = x + jax.nn.elu(agg)
    ffn = jax.nn.relu(h1 @ W1 + b1) @ W2 + b2
    return h1 + ffn

if __name__ == "__main__":
    import jax
    _d = setup_inputs()
    print(jax.jit(kernel)(*tuple(_d.values())))

</pallas_src>

<mosaic_0001>
#map = affine_map<(d0, d1) -> (0, 0)>
#map1 = affine_map<(d0, d1) -> (0)>
module attributes {stable_mosaic.version = 14 : i64} {
  func.func @_sc_pass_c(%arg0: i32, %arg1: i32, %arg2: memref<64x10000xi32, #tpu.memory_space<hbm>>, %arg3: memref<8x320000xi32, #tpu.memory_space<hbm>>, %arg4: memref<320000xi32, #tpu.memory_space<hbm>>, %arg5: memref<320000xi32, #tpu.memory_space<hbm>>, %arg6: memref<8x10000xf32, #tpu.memory_space<hbm>>, %arg7: memref<8x320000xf32, #tpu.memory_space<hbm>>, %arg8: memref<128x10000xf32, #tpu.memory_space<hbm>>, %arg9: memref<128x10000xf32, #tpu.memory_space<hbm>>, %arg10: memref<2x10000xi32, #tpu.memory_space<vmem>>, %arg11: memref<4x10000xf32, #tpu.memory_space<vmem>>, %arg12: memref<2x10000xf32, #tpu.memory_space<vmem>>, %arg13: memref<2x10000xf32, #tpu.memory_space<vmem>>, %arg14: memref<10000xf32, #tpu.memory_space<vmem>>, %arg15: memref<800xi32, #tpu.memory_space<vmem>>, %arg16: memref<800xi32, #tpu.memory_space<vmem>>, %arg17: memref<800xf32, #tpu.memory_space<vmem>>, %arg18: memref<2x800xi32, #tpu.memory_space<vmem>>, %arg19: memref<800xi32, #tpu.memory_space<vmem>>, %arg20: memref<800xi32, #tpu.memory_space<vmem>>, %arg21: memref<800xf32, #tpu.memory_space<vmem>>, %arg22: memref<2x800xi32, #tpu.memory_space<vmem>>, %arg23: memref<!tpu.dma_semaphore, #tpu.memory_space<semaphore_mem>>, %arg24: memref<!tpu.dma_semaphore, #tpu.memory_space<semaphore_mem>>) attributes {dimension_semantics = [#tpu.dimension_semantics<core_parallel>, #tpu.dimension_semantics<subcore_parallel>], iteration_bounds = array<i64: 2, 16>, scalar_prefetch = 0 : i64, scratch_operands = 15 : i64, tpu.core_type = #tpu.core_type<sc_vector_subcore>, window_params = [{transform_indices = #map}, {transform_indices = #map}, {transform_indices = #map1}, {transform_indices = #map1}, {transform_indices = #map}, {transform_indices = #map}, {transform_indices = #map}, {transform_indices = #map}]} {
    %mul3A = arith.constant 64 : i32
    %mul3A_0 = arith.muli %mul3A, %arg0 : i32
    %mul3A_1 = arith.constant 4 : i32
    %mul3A_2 = arith.muli %mul3A_1, %arg1 : i32
    %add3A = arith.addi %mul3A_0, %mul3A_2 : i32
    %mul3A_3 = arith.constant 16 : i32
    %mul3A_4 = arith.muli %mul3A_3, %arg0 : i32
    %add3A_5 = arith.addi %mul3A_4, %arg1 : i32
    %div3A = arith.constant 4 : i32
    %div3A_6 = arith.divsi %add3A_5, %div3A : i32
    %rem3A = arith.constant 4 : i32
    %rem3A_7 = arith.remsi %arg1, %rem3A : i32
    %mul3A_8 = arith.constant 2 : i32
    %mul3A_9 = arith.muli %mul3A_8, %rem3A_7 : i32
    %mul3A_10 = arith.constant 16 : i32
    %mul3A_11 = arith.muli %mul3A_10, %div3A_6 : i32
    %add3A_12 = arith.addi %mul3A_11, %mul3A_9 : i32
    %div3A_13 = arith.constant 2 : i32
    %div3A_14 = arith.divsi %add3A, %div3A_13 : i32
    "tpu.region"() ({
      %run_scoped3A = tpu.sem_alloc : memref<!tpu.dma_semaphore, #tpu.memory_space<semaphore_mem>>
      %dma_start3A_80 = arith.constant 0 : i32
      %dma_start3A_81 = tpu.memref_slice %arg2[%div3A_14, %dma_start3A_80] : memref<64x10000xi32, #tpu.memory_space<hbm>> -> memref<2x10000xi32, #tpu.memory_space<hbm>>
      %dma_start3A_82 = arith.constant 0 : i32
      %dma_start3A_83 = tpu.memref_slice %arg2[%div3A_14, %dma_start3A_82] : memref<64x10000xi32, #tpu.memory_space<hbm>> -> memref<2x10000xi32, #tpu.memory_space<hbm>>
      tpu.enqueue_dma source(%dma_start3A_83 : memref<2x10000xi32, #tpu.memory_space<hbm>>) target(%arg10 : memref<2x10000xi32, #tpu.memory_space<vmem>>) target_semaphore(%run_scoped3A : memref<!tpu.dma_semaphore, #tpu.memory_space<semaphore_mem>>)
      %dma_wait3A = arith.constant 0 : i32
      %dma_wait3A_84 = tpu.memref_slice %arg2[%div3A_14, %dma_wait3A] : memref<64x10000xi32, #tpu.memory_space<hbm>> -> memref<2x10000xi32, #tpu.memory_space<hbm>>
      %dma_wait3A_85 = arith.constant 0 : i32
      %dma_wait3A_86 = tpu.memref_slice %arg2[%div3A_14, %dma_wait3A_85] : memref<64x10000xi32, #tpu.memory_space<hbm>> -> memref<2x10000xi32, #tpu.memory_space<hbm>>
      tpu.wait_dma2 semaphore(%run_scoped3A : memref<!tpu.dma_semaphore, #tpu.memory_space<semaphore_mem>>) src(%dma_wait3A_86 : memref<2x10000xi32, #tpu.memory_space<hbm>>) dst(%arg10 : memref<2x10000xi32, #tpu.memory_space<vmem>>)
      tpu.yield
    }) : () -> ()
    "tpu.region"() ({
      %run_scoped3A = tpu.sem_alloc : memref<!tpu.dma_semaphore, #tpu.memory_space<semaphore_mem>>
      %dma_start3A_80 = arith.constant 0 : i32
      %dma_start3A_81 = tpu.memref_slice %arg6[%div3A_6, %dma_start3A_80] : memref<8x10000xf32, #tpu.memory_space<hbm>> -> memref<1x10000xf32, #tpu.memory_space<hbm>>
      %dma_start3A_82 = tpu.memref_squeeze %dma_start3A_81 : memref<1x10000xf32, #tpu.memory_space<hbm>> -> memref<10000xf32, #tpu.memory_space<hbm>>
      %dma_start3A_83 = arith.constant 0 : i32
      %dma_start3A_84 = tpu.memref_slice %arg6[%div3A_6, %dma_start3A_83] : memref<8x10000xf32, #tpu.memory_space<hbm>> -> memref<1x10000xf32, #tpu.memory_space<hbm>>
      %dma_start3A_85 = tpu.memref_squeeze %dma_start3A_84 : memref<1x10000xf32, #tpu.memory_space<hbm>> -> memref<10000xf32, #tpu.memory_space<hbm>>
      tpu.enqueue_dma source(%dma_start3A_85 : memref<10000xf32, #tpu.memory_space<hbm>>) target(%arg14 : memref<10000xf32, #tpu.memory_space<vmem>>) target_semaphore(%run_scoped3A : memref<!tpu.dma_semaphore, #tpu.memory_space<semaphore_mem>>)
      %dma_wait3A = arith.constant 0 : i32
      %dma_wait3A_86 = tpu.memref_slice %arg6[%div3A_6, %dma_wait3A] : memref<8x10000xf32, #tpu.memory_space<hbm>> -> memref<1x10000xf32, #tpu.memory_space<hbm>>
      %dma_wait3A_87 = tpu.memref_squeeze %dma_wait3A_86 : memref<1x10000xf32, #tpu.memory_space<hbm>> -> memref<10000xf32, #tpu.memory_space<hbm>>
      %dma_wait3A_88 = arith.constant 0 : i32
      %dma_wait3A_89 = tpu.memref_slice %arg6[%div3A_6, %dma_wait3A_88] : memref<8x10000xf32, #tpu.memory_space<hbm>> -> memref<1x10000xf32, #tpu.memory_space<hbm>>
      %dma_wait3A_90 = tpu.memref_squeeze %dma_wait3A_89 : memref<1x10000xf32, #tpu.memory_space<hbm>> -> memref<10000xf32, #tpu.memory_space<hbm>>
      tpu.wait_dma2 semaphore(%run_scoped3A : memref<!tpu.dma_semaphore, #tpu.memory_space<semaphore_mem>>) src(%dma_wait3A_90 : memref<10000xf32, #tpu.memory_space<hbm>>) dst(%arg14 : memref<10000xf32, #tpu.memory_space<vmem>>)
      tpu.yield
    }) : () -> ()
    %scan3A = arith.constant 0 : i32
    %scan3A_15 = arith.constant 0 : i32
    %scan3A_16 = arith.constant 625 : i32
    %scan3A_17 = arith.addi %scan3A_15, %scan3A_16 : i32
    %scan3A_18 = arith.constant 1 : i32
    scf.for %scan3A_80 = %scan3A_15 to %scan3A_17 step %scan3A_18  : i32 {
      %broadcast_in_dim3A_81 = arith.constant 0.000000e+00 : f32
      %broadcast_in_dim3A_82 = vector.broadcast %broadcast_in_dim3A_81 : f32 to vector<16xf32>
      %mul3A_83 = arith.constant 16 : i32
      %mul3A_84 = arith.muli %scan3A_80, %mul3A_83 : i32
      %swap3A = arith.constant 0 : i32
      %swap3A_85 = arith.index_cast %swap3A : i32 to index
      %swap3A_86 = arith.index_cast %mul3A_84 : i32 to index
      %swap3A_87 = tpu.vector_load %arg11[%swap3A_85, %swap3A_86] {strides = array<i32>} : memref<4x10000xf32, #tpu.memory_space<vmem>>, vector<16xf32>,
      tpu.vector_store %arg11[%swap3A_85, %swap3A_86], %broadcast_in_dim3A_82 {strides = array<i32>} : memref<4x10000xf32, #tpu.memory_space<vmem>>, vector<16xf32>,
      %mul3A_88 = arith.constant 16 : i32
      %mul3A_89 = arith.muli %scan3A_80, %mul3A_88 : i32
      %swap3A_90 = arith.constant 1 : i32
      %swap3A_91 = arith.index_cast %swap3A_90 : i32 to index
      %swap3A_92 = arith.index_cast %mul3A_89 : i32 to index
      %swap3A_93 = tpu.vector_load %arg11[%swap3A_91, %swap3A_92] {strides = array<i32>} : memref<4x10000xf32, #tpu.memory_space<vmem>>, vector<16xf32>,
      tpu.vector_store %arg11[%swap3A_91, %swap3A_92], %broadcast_in_dim3A_82 {strides = array<i32>} : memref<4x10000xf32, #tpu.memory_space<vmem>>, vector<16xf32>,
      %mul3A_94 = arith.constant 16 : i32
      %mul3A_95 = arith.muli %scan3A_80, %mul3A_94 : i32
      %swap3A_96 = arith.constant 2 : i32
      %swap3A_97 = arith.index_cast %swap3A_96 : i32 to index
      %swap3A_98 = arith.index_cast %mul3A_95 : i32 to index
      %swap3A_99 = tpu.vector_load %arg11[%swap3A_97, %swap3A_98] {strides = array<i32>} : memref<4x10000xf32, #tpu.memory_space<vmem>>, vector<16xf32>,
      tpu.vector_store %arg11[%swap3A_97, %swap3A_98], %broadcast_in_dim3A_82 {strides = array<i32>} : memref<4x10000xf32, #tpu.memory_space<vmem>>, vector<16xf32>,
      %mul3A_100 = arith.constant 16 : i32
      %mul3A_101 = arith.muli %scan3A_80, %mul3A_100 : i32
      %swap3A_102 = arith.constant 3 : i32
      %swap3A_103 = arith.index_cast %swap3A_102 : i32 to index
      %swap3A_104 = arith.index_cast %mul3A_101 : i32 to index
      %swap3A_105 = tpu.vector_load %arg11[%swap3A_103, %swap3A_104] {strides = array<i32>} : memref<4x10000xf32, #tpu.memory_space<vmem>>, vector<16xf32>,
      tpu.vector_store %arg11[%swap3A_103, %swap3A_104], %broadcast_in_dim3A_82 {strides = array<i32>} : memref<4x10000xf32, #tpu.memory_space<vmem>>, vector<16xf32>,
      %mul3A_106 = arith.constant 16 : i32
      %mul3A_107 = arith.muli %scan3A_80, %mul3A_106 : i32
      %swap3A_108 = arith.constant 0 : i32
      %swap3A_109 = arith.index_cast %swap3A_108 : i32 to index
      %swap3A_110 = arith.index_cast %mul3A_107 : i32 to index
      %swap3A_111 = tpu.vector_load %arg12[%swap3A_109, %swap3A_110] {strides = array<i32>} : memref<2x10000xf32, #tpu.memory_space<vmem>>, vector<16xf32>,
      tpu.vector_store %arg12[%swap3A_109, %swap3A_110], %broadcast_in_dim3A_82 {strides = array<i32>} : memref<2x10000xf32, #tpu.memory_space<vmem>>, vector<16xf32>,
      %mul3A_112 = arith.constant 16 : i32
      %mul3A_113 = arith.muli %scan3A_80, %mul3A_112 : i32
      %swap3A_114 = arith.constant 1 : i32
      %swap3A_115 = arith.index_cast %swap3A_114 : i32 to index
      %swap3A_116 = arith.index_cast %mul3A_113 : i32 to index
      %swap3A_117 = tpu.vector_load %arg12[%swap3A_115, %swap3A_116] {strides = array<i32>} : memref<2x10000xf32, #tpu.memory_space<vmem>>, vector<16xf32>,
      tpu.vector_store %arg12[%swap3A_115, %swap3A_116], %broadcast_in_dim3A_82 {strides = array<i32>} : memref<2x10000xf32, #tpu.memory_space<vmem>>, vector<16xf32>,
      %mul3A_118 = arith.constant 16 : i32
      %mul3A_119 = arith.muli %scan3A_80, %mul3A_118 : i32
      %swap3A_120 = arith.constant 0 : i32
      %swap3A_121 = arith.index_cast %swap3A_120 : i32 to index
      %swap3A_122 = arith.index_cast %mul3A_119 : i32 to index
      %swap3A_123 = tpu.vector_load %arg13[%swap3A_121, %swap3A_122] {strides = array<i32>} : memref<2x10000xf32, #tpu.memory_space<vmem>>, vector<16xf32>,
      tpu.vector_store %arg13[%swap3A_121, %swap3A_122], %broadcast_in_dim3A_82 {strides = array<i32>} : memref<2x10000xf32, #tpu.memory_space<vmem>>, vector<16xf32>,
      %mul3A_124 = arith.constant 16 : i32
      %mul3A_125 = arith.muli %scan3A_80, %mul3A_124 : i32
      %swap3A_126 = arith.constant 1 : i32
      %swap3A_127 = arith.index_cast %swap3A_126 : i32 to index
      %swap3A_128 = arith.index_cast %mul3A_125 : i32 to index
      %swap3A_129 = tpu.vector_load %arg13[%swap3A_127, %swap3A_128] {strides = array<i32>} : memref<2x10000xf32, #tpu.memory_space<vmem>>, vector<16xf32>,
      tpu.vector_store %arg13[%swap3A_127, %swap3A_128], %broadcast_in_dim3A_82 {strides = array<i32>} : memref<2x10000xf32, #tpu.memory_space<vmem>>, vector<16xf32>,
    }
    %scan3A_19 = arith.constant 625 : i32
    %broadcast_in_dim3A = arith.constant 0 : i32
    %broadcast_in_dim3A_20 = vector.broadcast %broadcast_in_dim3A : i32 to vector<16xi32>
    %broadcast_in_dim3A_21 = arith.constant 1 : i32
    %broadcast_in_dim3A_22 = vector.broadcast %broadcast_in_dim3A_21 : i32 to vector<16xi32>
    %broadcast_in_dim3A_23 = arith.constant 2 : i32
    %broadcast_in_dim3A_24 = vector.broadcast %broadcast_in_dim3A_23 : i32 to vector<16xi32>
    %broadcast_in_dim3A_25 = arith.constant 3 : i32
    %broadcast_in_dim3A_26 = vector.broadcast %broadcast_in_dim3A_25 : i32 to vector<16xi32>
    %broadcast_in_dim3A_27 = arith.constant 0 : i32
    %broadcast_in_dim3A_28 = vector.broadcast %broadcast_in_dim3A_27 : i32 to vector<16xi32>
    %broadcast_in_dim3A_29 = arith.constant 1 : i32
    %broadcast_in_dim3A_30 = vector.broadcast %broadcast_in_dim3A_29 : i32 to vector<16xi32>
    %dma_start3A = arith.constant 0 : i32
    %dma_start3A_31 = tpu.memref_slice %arg4[%dma_start3A] : memref<320000xi32, #tpu.memory_space<hbm>> -> memref<800xi32, #tpu.memory_space<hbm>>
    %dma_start3A_32 = arith.constant 0 : i32
    %dma_start3A_33 = tpu.memref_slice %arg4[%dma_start3A_32] : memref<320000xi32, #tpu.memory_space<hbm>> -> memref<800xi32, #tpu.memory_space<hbm>>
    tpu.enqueue_dma source(%dma_start3A_33 : memref<800xi32, #tpu.memory_space<hbm>>) target(%arg15 : memref<800xi32, #tpu.memory_space<vmem>>) target_semaphore(%arg23 : memref<!tpu.dma_semaphore, #tpu.memory_space<semaphore_mem>>)
    %dma_start3A_34 = arith.constant 0 : i32
    %dma_start3A_35 = tpu.memref_slice %arg5[%dma_start3A_34] : memref<320000xi32, #tpu.memory_space<hbm>> -> memref<800xi32, #tpu.memory_space<hbm>>
    %dma_start3A_36 = arith.constant 0 : i32
    %dma_start3A_37 = tpu.memref_slice %arg5[%dma_start3A_36] : memref<320000xi32, #tpu.memory_space<hbm>> -> memref<800xi32, #tpu.memory_space<hbm>>
    tpu.enqueue_dma source(%dma_start3A_37 : memref<800xi32, #tpu.memory_space<hbm>>) target(%arg16 : memref<800xi32, #tpu.memory_space<vmem>>) target_semaphore(%arg23 : memref<!tpu.dma_semaphore, #tpu.memory_space<semaphore_mem>>)
    %dma_start3A_38 = arith.constant 0 : i32
    %dma_start3A_39 = tpu.memref_slice %arg7[%div3A_6, %dma_start3A_38] : memref<8x320000xf32, #tpu.memory_space<hbm>> -> memref<1x800xf32, #tpu.memory_space<hbm>>
    %dma_start3A_40 = tpu.memref_squeeze %dma_start3A_39 : memref<1x800xf32, #tpu.memory_space<hbm>> -> memref<800xf32, #tpu.memory_space<hbm>>
    %dma_start3A_41 = arith.constant 0 : i32
    %dma_start3A_42 = tpu.memref_slice %arg7[%div3A_6, %dma_start3A_41] : memref<8x320000xf32, #tpu.memory_space<hbm>> -> memref<1x800xf32, #tpu.memory_space<hbm>>
    %dma_start3A_43 = tpu.memref_squeeze %dma_start3A_42 : memref<1x800xf32, #tpu.memory_space<hbm>> -> memref<800xf32, #tpu.memory_space<hbm>>
    tpu.enqueue_dma source(%dma_start3A_43 : memref<800xf32, #tpu.memory_space<hbm>>) target(%arg17 : memref<800xf32, #tpu.memory_space<vmem>>) target_semaphore(%arg23 : memref<!tpu.dma_semaphore, #tpu.memory_space<semaphore_mem>>)
    %dma_start3A_44 = arith.constant 0 : i32
    %dma_start3A_45 = tpu.memref_slice %arg3[%mul3A_9, %dma_start3A_44] : memref<8x320000xi32, #tpu.memory_space<hbm>> -> memref<2x800xi32, #tpu.memory_space<hbm>>
    %dma_start3A_46 = arith.constant 0 : i32
    %dma_start3A_47 = tpu.memref_slice %arg3[%mul3A_9, %dma_start3A_46] : memref<8x320000xi32, #tpu.memory_space<hbm>> -> memref<2x800xi32, #tpu.memory_space<hbm>>
    tpu.enqueue_dma source(%dma_start3A_47 : memref<2x800xi32, #tpu.memory_space<hbm>>) target(%arg18 : memref<2x800xi32, #tpu.memory_space<vmem>>) target_semaphore(%arg23 : memref<!tpu.dma_semaphore, #tpu.memory_space<semaphore_mem>>)
    %dma_start3A_48 = arith.constant 800 : i32
    %dma_start3A_49 = tpu.memref_slice %arg4[%dma_start3A_48] : memref<320000xi32, #tpu.memory_space<hbm>> -> memref<800xi32, #tpu.memory_space<hbm>>
    %dma_start3A_50 = arith.constant 800 : i32
    %dma_start3A_51 = tpu.memref_slice %arg4[%dma_start3A_50] : memref<320000xi32, #tpu.memory_space<hbm>> -> memref<800xi32, #tpu.memory_space<hbm>>
    tpu.enqueue_dma source(%dma_start3A_51 : memref<800xi32, #tpu.memory_space<hbm>>) target(%arg19 : memref<800xi32, #tpu.memory_space<vmem>>) target_semaphore(%arg24 : memref<!tpu.dma_semaphore, #tpu.memory_space<semaphore_mem>>)
    %dma_start3A_52 = arith.constant 800 : i32
    %dma_start3A_53 = tpu.memref_slice %arg5[%dma_start3A_52] : memref<320000xi32, #tpu.memory_space<hbm>> -> memref<800xi32, #tpu.memory_space<hbm>>
    %dma_start3A_54 = arith.constant 800 : i32
    %dma_start3A_55 = tpu.memref_slice %arg5[%dma_start3A_54] : memref<320000xi32, #tpu.memory_space<hbm>> -> memref<800xi32, #tpu.memory_space<hbm>>
    tpu.enqueue_dma source(%dma_start3A_55 : memref<800xi32, #tpu.memory_space<hbm>>) target(%arg20 : memref<800xi32, #tpu.memory_space<vmem>>) target_semaphore(%arg24 : memref<!tpu.dma_semaphore, #tpu.memory_space<semaphore_mem>>)
    %dma_start3A_56 = arith.constant 800 : i32
    %dma_start3A_57 = tpu.memref_slice %arg7[%div3A_6, %dma_start3A_56] : memref<8x320000xf32, #tpu.memory_space<hbm>> -> memref<1x800xf32, #tpu.memory_space<hbm>>
    %dma_start3A_58 = tpu.memref_squeeze %dma_start3A_57 : memref<1x800xf32, #tpu.memory_space<hbm>> -> memref<800xf32, #tpu.memory_space<hbm>>
    %dma_start3A_59 = arith.constant 800 : i32
    %dma_start3A_60 = tpu.memref_slice %arg7[%div3A_6, %dma_start3A_59] : memref<8x320000xf32, #tpu.memory_space<hbm>> -> memref<1x800xf32, #tpu.memory_space<hbm>>
    %dma_start3A_61 = tpu.memref_squeeze %dma_start3A_60 : memref<1x800xf32, #tpu.memory_space<hbm>> -> memref<800xf32, #tpu.memory_space<hbm>>
    tpu.enqueue_dma source(%dma_start3A_61 : memref<800xf32, #tpu.memory_space<hbm>>) target(%arg21 : memref<800xf32, #tpu.memory_space<vmem>>) target_semaphore(%arg24 : memref<!tpu.dma_semaphore, #tpu.memory_space<semaphore_mem>>)
    %dma_start3A_62 = arith.constant 800 : i32
    %dma_start3A_63 = tpu.memref_slice %arg3[%mul3A_9, %dma_start3A_62] : memref<8x320000xi32, #tpu.memory_space<hbm>> -> memref<2x800xi32, #tpu.memory_space<hbm>>
    %dma_start3A_64 = arith.constant 800 : i32
    %dma_start3A_65 = tpu.memref_slice %arg3[%mul3A_9, %dma_start3A_64] : memref<8x320000xi32, #tpu.memory_space<hbm>> -> memref<2x800xi32, #tpu.memory_space<hbm>>
    tpu.enqueue_dma source(%dma_start3A_65 : memref<2x800xi32, #tpu.memory_space<hbm>>) target(%arg22 : memref<2x800xi32, #tpu.memory_space<vmem>>) target_semaphore(%arg24 : memref<!tpu.dma_semaphore, #tpu.memory_space<semaphore_mem>>)
    %scan3A_66 = arith.constant 0 : i32
    %scan3A_67 = arith.constant 0 : i32
    %scan3A_68 = arith.constant 200 : i32
    %scan3A_69 = arith.addi %scan3A_67, %scan3A_68 : i32
    %scan3A_70 = arith.constant 1 : i32
    scf.for %scan3A_80 = %scan3A_67 to %scan3A_69 step %scan3A_70  : i32 {
      %mul3A_81 = arith.constant 2 : i32
      %mul3A_82 = arith.muli %mul3A_81, %scan3A_80 : i32
      %add3A_83 = arith.constant 0 : i32
      %add3A_84 = arith.addi %mul3A_82, %add3A_83 : i32
      %dma_wait3A = arith.constant 0 : i32
      %dma_wait3A_85 = tpu.memref_slice %arg4[%dma_wait3A] : memref<320000xi32, #tpu.memory_space<hbm>> -> memref<800xi32, #tpu.memory_space<hbm>>
      %dma_wait3A_86 = arith.constant 0 : i32
      %dma_wait3A_87 = tpu.memref_slice %arg4[%dma_wait3A_86] : memref<320000xi32, #tpu.memory_space<hbm>> -> memref<800xi32, #tpu.memory_space<hbm>>
      tpu.wait_dma2 semaphore(%arg23 : memref<!tpu.dma_semaphore, #tpu.memory_space<semaphore_mem>>) src(%dma_wait3A_87 : memref<800xi32, #tpu.memory_space<hbm>>) dst(%arg15 : memref<800xi32, #tpu.memory_space<vmem>>)
      %dma_wait3A_88 = arith.constant 0 : i32
      %dma_wait3A_89 = tpu.memref_slice %arg5[%dma_wait3A_88] : memref<320000xi32, #tpu.memory_space<hbm>> -> memref<800xi32, #tpu.memory_space<hbm>>
      %dma_wait3A_90 = arith.constant 0 : i32
      %dma_wait3A_91 = tpu.memref_slice %arg5[%dma_wait3A_90] : memref<320000xi32, #tpu.memory_space<hbm>> -> memref<800xi32, #tpu.memory_space<hbm>>
      tpu.wait_dma2 semaphore(%arg23 : memref<!tpu.dma_semaphore, #tpu.memory_space<semaphore_mem>>) src(%dma_wait3A_91 : memref<800xi32, #tpu.memory_space<hbm>>) dst(%arg16 : memref<800xi32, #tpu.memory_space<vmem>>)
      %dma_wait3A_92 = arith.constant 0 : i32
      %dma_wait3A_93 = arith.constant 0 : i32
      %dma_wait3A_94 = tpu.memref_slice %arg7[%dma_wait3A_92, %dma_wait3A_93] : memref<8x320000xf32, #tpu.memory_space<hbm>> -> memref<1x800xf32, #tpu.memory_space<hbm>>
      %dma_wait3A_95 = tpu.memref_squeeze %dma_wait3A_94 : memref<1x800xf32, #tpu.memory_space<hbm>> -> memref<800xf32, #tpu.memory_space<hbm>>
      %dma_wait3A_96 = arith.constant 0 : i32
      %dma_wait3A_97 = tpu.memref_slice %arg7[%dma_wait3A_92, %dma_wait3A_96] : memref<8x320000xf32, #tpu.memory_space<hbm>> -> memref<1x800xf32, #tpu.memory_space<hbm>>
      %dma_wait3A_98 = tpu.memref_squeeze %dma_wait3A_97 : memref<1x800xf32, #tpu.memory_space<hbm>> -> memref<800xf32, #tpu.memory_space<hbm>>
      tpu.wait_dma2 semaphore(%arg23 : memref<!tpu.dma_semaphore, #tpu.memory_space<semaphore_mem>>) src(%dma_wait3A_98 : memref<800xf32, #tpu.memory_space<hbm>>) dst(%arg17 : memref<800xf32, #tpu.memory_space<vmem>>)
      %dma_wait3A_99 = arith.constant 0 : i32
      %dma_wait3A_100 = arith.constant 0 : i32
      %dma_wait3A_101 = tpu.memref_slice %arg3[%dma_wait3A_99, %dma_wait3A_100] : memref<8x320000xi32, #tpu.memory_space<hbm>> -> memref<2x800xi32, #tpu.memory_space<hbm>>
      %dma_wait3A_102 = arith.constant 0 : i32
      %dma_wait3A_103 = arith.constant 0 : i32
      %dma_wait3A_104 = tpu.memref_slice %arg3[%dma_wait3A_102, %dma_wait3A_103] : memref<8x320000xi32, #tpu.memory_space<hbm>> -> memref<2x800xi32, #tpu.memory_space<hbm>>
      tpu.wait_dma2 semaphore(%arg23 : memref<!tpu.dma_semaphore, #tpu.memory_space<semaphore_mem>>) src(%dma_wait3A_104 : memref<2x800xi32, #tpu.memory_space<hbm>>) dst(%arg18 : memref<2x800xi32, #tpu.memory_space<vmem>>)
      %scan3A_105 = arith.constant 0 : i32
      %scan3A_106 = arith.constant 0 : i32
      %scan3A_107 = arith.constant 10 : i32
      %scan3A_108 = arith.addi %scan3A_106, %scan3A_107 : i32
      %scan3A_109 = arith.constant 1 : i32
      scf.for %scan3A_153 = %scan3A_106 to %scan3A_108 step %scan3A_109  : i32 {
        %mul3A_154 = arith.constant 5 : i32
        %mul3A_155 = arith.muli %scan3A_153, %mul3A_154 : i32
        %add3A_156 = arith.constant 0 : i32
        %add3A_157 = arith.addi %mul3A_155, %add3A_156 : i32
        %mul3A_158 = arith.constant 16 : i32
        %mul3A_159 = arith.muli %add3A_157, %mul3A_158 : i32
        %get3A = arith.index_cast %mul3A_159 : i32 to index
        %get3A_160 = tpu.vector_load %arg15[%get3A] {strides = array<i32>} : memref<800xi32, #tpu.memory_space<vmem>>, vector<16xi32>,
        %get3A_161 = arith.index_cast %mul3A_159 : i32 to index
        %get3A_162 = tpu.vector_load %arg16[%get3A_161] {strides = array<i32>} : memref<800xi32, #tpu.memory_space<vmem>>, vector<16xi32>,
        %get3A_163 = arith.index_cast %mul3A_159 : i32 to index
        %get3A_164 = tpu.vector_load %arg17[%get3A_163] {strides = array<i32>} : memref<800xf32, #tpu.memory_space<vmem>>, vector<16xf32>,
        %gather3A = tpu.vector_load_idx %arg10[%broadcast_in_dim3A_28, %get3A_160] : memref<2x10000xi32, #tpu.memory_space<vmem>>[vector<16xi32>, vector<16xi32>], vector<16xi32>,
        %gather3A_165 = tpu.vector_load_idx %arg10[%broadcast_in_dim3A_30, %get3A_160] : memref<2x10000xi32, #tpu.memory_space<vmem>>[vector<16xi32>, vector<16xi32>], vector<16xi32>,
        %get3A_166 = arith.constant 0 : i32
        %get3A_167 = arith.index_cast %get3A_166 : i32 to index
        %get3A_168 = arith.index_cast %mul3A_159 : i32 to index
        %get3A_169 = tpu.vector_load %arg18[%get3A_167, %get3A_168] {strides = array<i32>} : memref<2x800xi32, #tpu.memory_space<vmem>>, vector<16xi32>,
        %get3A_170 = arith.constant 1 : i32
        %get3A_171 = arith.index_cast %get3A_170 : i32 to index
        %get3A_172 = arith.index_cast %mul3A_159 : i32 to index
        %get3A_173 = tpu.vector_load %arg18[%get3A_171, %get3A_172] {strides = array<i32>} : memref<2x800xi32, #tpu.memory_space<vmem>>, vector<16xi32>,
        %mul3A_174 = arith.constant 5 : i32
        %mul3A_175 = arith.muli %scan3A_153, %mul3A_174 : i32
        %add3A_176 = arith.constant 1 : i32
        %add3A_177 = arith.addi %mul3A_175, %add3A_176 : i32
        %mul3A_178 = arith.constant 16 : i32
        %mul3A_179 = arith.muli %add3A_177, %mul3A_178 : i32
        %get3A_180 = arith.index_cast %mul3A_179 : i32 to index
        %get3A_181 = tpu.vector_load %arg15[%get3A_180] {strides = array<i32>} : memref<800xi32, #tpu.memory_space<vmem>>, vector<16xi32>,
        %get3A_182 = arith.index_cast %mul3A_179 : i32 to index
        %get3A_183 = tpu.vector_load %arg16[%get3A_182] {strides = array<i32>} : memref<800xi32, #tpu.memory_space<vmem>>, vector<16xi32>,
        %get3A_184 = arith.index_cast %mul3A_179 : i32 to index
        %get3A_185 = tpu.vector_load %arg17[%get3A_184] {strides = array<i32>} : memref<800xf32, #tpu.memory_space<vmem>>, vector<16xf32>,
        %gather3A_186 = tpu.vector_load_idx %arg10[%broadcast_in_dim3A_28, %get3A_181] : memref<2x10000xi32, #tpu.memory_space<vmem>>[vector<16xi32>, vector<16xi32>], vector<16xi32>,
        %gather3A_187 = tpu.vector_load_idx %arg10[%broadcast_in_dim3A_30, %get3A_181] : memref<2x10000xi32, #tpu.memory_space<vmem>>[vector<16xi32>, vector<16xi32>], vector<16xi32>,
        %get3A_188 = arith.constant 0 : i32
        %get3A_189 = arith.index_cast %get3A_188 : i32 to index
        %get3A_190 = arith.index_cast %mul3A_179 : i32 to index
        %get3A_191 = tpu.vector_load %arg18[%get3A_189, %get3A_190] {strides = array<i32>} : memref<2x800xi32, #tpu.memory_space<vmem>>, vector<16xi32>,
        %get3A_192 = arith.constant 1 : i32
        %get3A_193 = arith.index_cast %get3A_192 : i32 to index
        %get3A_194 = arith.index_cast %mul3A_179 : i32 to index
        %get3A_195 = tpu.vector_load %arg18[%get3A_193, %get3A_194] {strides = array<i32>} : memref<2x800xi32, #tpu.memory_space<vmem>>, vector<16xi32>,
        %mul3A_196 = arith.constant 5 : i32
        %mul3A_197 = arith.muli %scan3A_153, %mul3A_196 : i32
        %add3A_198 = arith.constant 2 : i32
        %add3A_199 = arith.addi %mul3A_197, %add3A_198 : i32
        %mul3A_200 = arith.constant 16 : i32
        %mul3A_201 = arith.muli %add3A_199, %mul3A_200 : i32
        %get3A_202 = arith.index_cast %mul3A_201 : i32 to index
        %get3A_203 = tpu.vector_load %arg15[%get3A_202] {strides = array<i32>} : memref<800xi32, #tpu.memory_space<vmem>>, vector<16xi32>,
        %get3A_204 = arith.index_cast %mul3A_201 : i32 to index
        %get3A_205 = tpu.vector_load %arg16[%get3A_204] {strides = array<i32>} : memref<800xi32, #tpu.memory_space<vmem>>, vector<16xi32>,
        %get3A_206 = arith.index_cast %mul3A_201 : i32 to index
        %get3A_207 = tpu.vector_load %arg17[%get3A_206] {strides = array<i32>} : memref<800xf32, #tpu.memory_space<vmem>>, vector<16xf32>,
        %gather3A_208 = tpu.vector_load_idx %arg10[%broadcast_in_dim3A_28, %get3A_203] : memref<2x10000xi32, #tpu.memory_space<vmem>>[vector<16xi32>, vector<16xi32>], vector<16xi32>,
        %gather3A_209 = tpu.vector_load_idx %arg10[%broadcast_in_dim3A_30, %get3A_203] : memref<2x10000xi32, #tpu.memory_space<vmem>>[vector<16xi32>, vector<16xi32>], vector<16xi32>,
        %get3A_210 = arith.constant 0 : i32
        %get3A_211 = arith.index_cast %get3A_210 : i32 to index
        %get3A_212 = arith.index_cast %mul3A_201 : i32 to index
        %get3A_213 = tpu.vector_load %arg18[%get3A_211, %get3A_212] {strides = array<i32>} : memref<2x800xi32, #tpu.memory_space<vmem>>, vector<16xi32>,
        %get3A_214 = arith.constant 1 : i32
        %get3A_215 = arith.index_cast %get3A_214 : i32 to index
        %get3A_216 = arith.index_cast %mul3A_201 : i32 to index
        %get3A_217 = tpu.vector_load %arg18[%get3A_215, %get3A_216] {strides = array<i32>} : memref<2x800xi32, #tpu.memory_space<vmem>>, vector<16xi32>,
        %mul3A_218 = arith.constant 5 : i32
        %mul3A_219 = arith.muli %scan3A_153, %mul3A_218 : i32
        %add3A_220 = arith.constant 3 : i32
        %add3A_221 = arith.addi %mul3A_219, %add3A_220 : i32
        %mul3A_222 = arith.constant 16 : i32
        %mul3A_223 = arith.muli %add3A_221, %mul3A_222 : i32
        %get3A_224 = arith.index_cast %mul3A_223 : i32 to index
        %get3A_225 = tpu.vector_load %arg15[%get3A_224] {strides = array<i32>} : memref<800xi32, #tpu.memory_space<vmem>>, vector<16xi32>,
        %get3A_226 = arith.index_cast %mul3A_223 : i32 to index
        %get3A_227 = tpu.vector_load %arg16[%get3A_226] {strides = array<i32>} : memref<800xi32, #tpu.memory_space<vmem>>, vector<16xi32>,
        %get3A_228 = arith.index_cast %mul3A_223 : i32 to index
        %get3A_229 = tpu.vector_load %arg17[%get3A_228] {strides = array<i32>} : memref<800xf32, #tpu.memory_space<vmem>>, vector<16xf32>,
        %gather3A_230 = tpu.vector_load_idx %arg10[%broadcast_in_dim3A_28, %get3A_225] : memref<2x10000xi32, #tpu.memory_space<vmem>>[vector<16xi32>, vector<16xi32>], vector<16xi32>,
        %gather3A_231 = tpu.vector_load_idx %arg10[%broadcast_in_dim3A_30, %get3A_225] : memref<2x10000xi32, #tpu.memory_space<vmem>>[vector<16xi32>, vector<16xi32>], vector<16xi32>,
        %get3A_232 = arith.constant 0 : i32
        %get3A_233 = arith.index_cast %get3A_232 : i32 to index
        %get3A_234 = arith.index_cast %mul3A_223 : i32 to index
        %get3A_235 = tpu.vector_load %arg18[%get3A_233, %get3A_234] {strides = array<i32>} : memref<2x800xi32, #tpu.memory_space<vmem>>, vector<16xi32>,
        %get3A_236 = arith.constant 1 : i32
        %get3A_237 = arith.index_cast %get3A_236 : i32 to index
        %get3A_238 = arith.index_cast %mul3A_223 : i32 to index
        %get3A_239 = tpu.vector_load %arg18[%get3A_237, %get3A_238] {strides = array<i32>} : memref<2x800xi32, #tpu.memory_space<vmem>>, vector<16xi32>,
        %mul3A_240 = arith.constant 5 : i32
        %mul3A_241 = arith.muli %scan3A_153, %mul3A_240 : i32
        %add3A_242 = arith.constant 4 : i32
        %add3A_243 = arith.addi %mul3A_241, %add3A_242 : i32
        %mul3A_244 = arith.constant 16 : i32
        %mul3A_245 = arith.muli %add3A_243, %mul3A_244 : i32
        %get3A_246 = arith.index_cast %mul3A_245 : i32 to index
        %get3A_247 = tpu.vector_load %arg15[%get3A_246] {strides = array<i32>} : memref<800xi32, #tpu.memory_space<vmem>>, vector<16xi32>,
        %get3A_248 = arith.index_cast %mul3A_245 : i32 to index
        %get3A_249 = tpu.vector_load %arg16[%get3A_248] {strides = array<i32>} : memref<800xi32, #tpu.memory_space<vmem>>, vector<16xi32>,
        %get3A_250 = arith.index_cast %mul3A_245 : i32 to index
        %get3A_251 = tpu.vector_load %arg17[%get3A_250] {strides = array<i32>} : memref<800xf32, #tpu.memory_space<vmem>>, vector<16xf32>,
        %gather3A_252 = tpu.vector_load_idx %arg10[%broadcast_in_dim3A_28, %get3A_247] : memref<2x10000xi32, #tpu.memory_space<vmem>>[vector<16xi32>, vector<16xi32>], vector<16xi32>,
        %gather3A_253 = tpu.vector_load_idx %arg10[%broadcast_in_dim3A_30, %get3A_247] : memref<2x10000xi32, #tpu.memory_space<vmem>>[vector<16xi32>, vector<16xi32>], vector<16xi32>,
        %get3A_254 = arith.constant 0 : i32
        %get3A_255 = arith.index_cast %get3A_254 : i32 to index
        %get3A_256 = arith.index_cast %mul3A_245 : i32 to index
        %get3A_257 = tpu.vector_load %arg18[%get3A_255, %get3A_256] {strides = array<i32>} : memref<2x800xi32, #tpu.memory_space<vmem>>, vector<16xi32>,
        %get3A_258 = arith.constant 1 : i32
        %get3A_259 = arith.index_cast %get3A_258 : i32 to index
        %get3A_260 = arith.index_cast %mul3A_245 : i32 to index
        %get3A_261 = tpu.vector_load %arg18[%get3A_259, %get3A_260] {strides = array<i32>} : memref<2x800xi32, #tpu.memory_space<vmem>>, vector<16xi32>,
        %shift_left3A = arith.constant 16 : i32
        %shift_left3A_262 = vector.broadcast %shift_left3A : i32 to vector<16xi32>
        %shift_left3A_263 = arith.shli %gather3A, %shift_left3A_262 : vector<16xi32>
        %bitcast3A = vector.bitcast %shift_left3A_263 : vector<16xi32> to vector<16xf32>
        %and3A = arith.constant -65536 : i32
        %and3A_264 = vector.broadcast %and3A : i32 to vector<16xi32>
        %and3A_265 = arith.andi %gather3A, %and3A_264 : vector<16xi32>
        %bitcast3A_266 = vector.bitcast %and3A_265 : vector<16xi32> to vector<16xf32>
        %mul3A_267 = arith.mulf %bitcast3A, %get3A_164 : vector<16xf32>
        tpu.vector_store_idx %arg11[%broadcast_in_dim3A_20, %get3A_162], %mul3A_267 {add = true} : memref<4x10000xf32, #tpu.memory_space<vmem>>[vector<16xi32>, vector<16xi32>], vector<16xf32>,
        %mul3A_268 = arith.mulf %bitcast3A_266, %get3A_164 : vector<16xf32>
        tpu.vector_store_idx %arg11[%broadcast_in_dim3A_22, %get3A_162], %mul3A_268 {add = true} : memref<4x10000xf32, #tpu.memory_space<vmem>>[vector<16xi32>, vector<16xi32>], vector<16xf32>,
        %shift_left3A_269 = arith.constant 16 : i32
        %shift_left3A_270 = vector.broadcast %shift_left3A_269 : i32 to vector<16xi32>
        %shift_left3A_271 = arith.shli %get3A_169, %shift_left3A_270 : vector<16xi32>
        %bitcast3A_272 = vector.bitcast %shift_left3A_271 : vector<16xi32> to vector<16xf32>
        %and3A_273 = arith.constant -65536 : i32
        %and3A_274 = vector.broadcast %and3A_273 : i32 to vector<16xi32>
        %and3A_275 = arith.andi %get3A_169, %and3A_274 : vector<16xi32>
        %bitcast3A_276 = vector.bitcast %and3A_275 : vector<16xi32> to vector<16xf32>
        %mul3A_277 = arith.mulf %bitcast3A_272, %get3A_164 : vector<16xf32>
        tpu.vector_store_idx %arg12[%broadcast_in_dim3A_28, %get3A_162], %mul3A_277 {add = true} : memref<2x10000xf32, #tpu.memory_space<vmem>>[vector<16xi32>, vector<16xi32>], vector<16xf32>,
        %mul3A_278 = arith.mulf %bitcast3A_276, %get3A_164 : vector<16xf32>
        tpu.vector_store_idx %arg13[%broadcast_in_dim3A_28, %get3A_162], %mul3A_278 {add = true} : memref<2x10000xf32, #tpu.memory_space<vmem>>[vector<16xi32>, vector<16xi32>], vector<16xf32>,
        %shift_left3A_279 = arith.constant 16 : i32
        %shift_left3A_280 = vector.broadcast %shift_left3A_279 : i32 to vector<16xi32>
        %shift_left3A_281 = arith.shli %gather3A_165, %shift_left3A_280 : vector<16xi32>
        %bitcast3A_282 = vector.bitcast %shift_left3A_281 : vector<16xi32> to vector<16xf32>
        %and3A_283 = arith.constant -65536 : i32
        %and3A_284 = vector.broadcast %and3A_283 : i32 to vector<16xi32>
        %and3A_285 = arith.andi %gather3A_165, %and3A_284 : vector<16xi32>
        %bitcast3A_286 = vector.bitcast %and3A_285 : vector<16xi32> to vector<16xf32>
        %mul3A_287 = arith.mulf %bitcast3A_282, %get3A_164 : vector<16xf32>
        tpu.vector_store_idx %arg11[%broadcast_in_dim3A_24, %get3A_162], %mul3A_287 {add = true} : memref<4x10000xf32, #tpu.memory_space<vmem>>[vector<16xi32>, vector<16xi32>], vector<16xf32>,
        %mul3A_288 = arith.mulf %bitcast3A_286, %get3A_164 : vector<16xf32>
        tpu.vector_store_idx %arg11[%broadcast_in_dim3A_26, %get3A_162], %mul3A_288 {add = true} : memref<4x10000xf32, #tpu.memory_space<vmem>>[vector<16xi32>, vector<16xi32>], vector<16xf32>,
        %shift_left3A_289 = arith.constant 16 : i32
        %shift_left3A_290 = vector.broadcast %shift_left3A_289 : i32 to vector<16xi32>
        %shift_left3A_291 = arith.shli %get3A_173, %shift_left3A_290 : vector<16xi32>
        %bitcast3A_292 = vector.bitcast %shift_left3A_291 : vector<16xi32> to vector<16xf32>
        %and3A_293 = arith.constant -65536 : i32
        %and3A_294 = vector.broadcast %and3A_293 : i32 to vector<16xi32>
        %and3A_295 = arith.andi %get3A_173, %and3A_294 : vector<16xi32>
        %bitcast3A_296 = vector.bitcast %and3A_295 : vector<16xi32> to vector<16xf32>
        %mul3A_297 = arith.mulf %bitcast3A_292, %get3A_164 : vector<16xf32>
        tpu.vector_store_idx %arg12[%broadcast_in_dim3A_30, %get3A_162], %mul3A_297 {add = true} : memref<2x10000xf32, #tpu.memory_space<vmem>>[vector<16xi32>, vector<16xi32>], vector<16xf32>,
        %mul3A_298 = arith.mulf %bitcast3A_296, %get3A_164 : vector<16xf32>
        tpu.vector_store_idx %arg13[%broadcast_in_dim3A_30, %get3A_162], %mul3A_298 {add = true} : memref<2x10000xf32, #tpu.memory_space<vmem>>[vector<16xi32>, vector<16xi32>], vector<16xf32>,
        %shift_left3A_299 = arith.constant 16 : i32
        %shift_left3A_300 = vector.broadcast %shift_left3A_299 : i32 to vector<16xi32>
        %shift_left3A_301 = arith.shli %gather3A_186, %shift_left3A_300 : vector<16xi32>
        %bitcast3A_302 = vector.bitcast %shift_left3A_301 : vector<16xi32> to vector<16xf32>
        %and3A_303 = arith.constant -65536 : i32
        %and3A_304 = vector.broadcast %and3A_303 : i32 to vector<16xi32>
        %and3A_305 = arith.andi %gather3A_186, %and3A_304 : vector<16xi32>
        %bitcast3A_306 = vector.bitcast %and3A_305 : vector<16xi32> to vector<16xf32>
        %mul3A_307 = arith.mulf %bitcast3A_302, %get3A_185 : vector<16xf32>
        tpu.vector_store_idx %arg11[%broadcast_in_dim3A_20, %get3A_183], %mul3A_307 {add = true} : memref<4x10000xf32, #tpu.memory_space<vmem>>[vector<16xi32>, vector<16xi32>], vector<16xf32>,
        %mul3A_308 = arith.mulf %bitcast3A_306, %get3A_185 : vector<16xf32>
        tpu.vector_store_idx %arg11[%broadcast_in_dim3A_22, %get3A_183], %mul3A_308 {add = true} : memref<4x10000xf32, #tpu.memory_space<vmem>>[vector<16xi32>, vector<16xi32>], vector<16xf32>,
        %shift_left3A_309 = arith.constant 16 : i32
        %shift_left3A_310 = vector.broadcast %shift_left3A_309 : i32 to vector<16xi32>
        %shift_left3A_311 = arith.shli %get3A_191, %shift_left3A_310 : vector<16xi32>
        %bitcast3A_312 = vector.bitcast %shift_left3A_311 : vector<16xi32> to vector<16xf32>
        %and3A_313 = arith.constant -65536 : i32
        %and3A_314 = vector.broadcast %and3A_313 : i32 to vector<16xi32>
        %and3A_315 = arith.andi %get3A_191, %and3A_314 : vector<16xi32>
        %bitcast3A_316 = vector.bitcast %and3A_315 : vector<16xi32> to vector<16xf32>
        %mul3A_317 = arith.mulf %bitcast3A_312, %get3A_185 : vector<16xf32>
        tpu.vector_store_idx %arg12[%broadcast_in_dim3A_28, %get3A_183], %mul3A_317 {add = true} : memref<2x10000xf32, #tpu.memory_space<vmem>>[vector<16xi32>, vector<16xi32>], vector<16xf32>,
        %mul3A_318 = arith.mulf %bitcast3A_316, %get3A_185 : vector<16xf32>
        tpu.vector_store_idx %arg13[%broadcast_in_dim3A_28, %get3A_183], %mul3A_318 {add = true} : memref<2x10000xf32, #tpu.memory_space<vmem>>[vector<16xi32>, vector<16xi32>], vector<16xf32>,
        %shift_left3A_319 = arith.constant 16 : i32
        %shift_left3A_320 = vector.broadcast %shift_left3A_319 : i32 to vector<16xi32>
        %shift_left3A_321 = arith.shli %gather3A_187, %shift_left3A_320 : vector<16xi32>
        %bitcast3A_322 = vector.bitcast %shift_left3A_321 : vector<16xi32> to vector<16xf32>
        %and3A_323 = arith.constant -65536 : i32
        %and3A_324 = vector.broadcast %and3A_323 : i32 to vector<16xi32>
        %and3A_325 = arith.andi %gather3A_187, %and3A_324 : vector<16xi32>
        %bitcast3A_326 = vector.bitcast %and3A_325 : vector<16xi32> to vector<16xf32>
        %mul3A_327 = arith.mulf %bitcast3A_322, %get3A_185 : vector<16xf32>
        tpu.vector_store_idx %arg11[%broadcast_in_dim3A_24, %get3A_183], %mul3A_327 {add = true} : memref<4x10000xf32, #tpu.memory_space<vmem>>[vector<16xi32>, vector<16xi32>], vector<16xf32>,
        %mul3A_328 = arith.mulf %bitcast3A_326, %get3A_185 : vector<16xf32>
        tpu.vector_store_idx %arg11[%broadcast_in_dim3A_26, %get3A_183], %mul3A_328 {add = true} : memref<4x10000xf32, #tpu.memory_space<vmem>>[vector<16xi32>, vector<16xi32>], vector<16xf32>,
        %shift_left3A_329 = arith.constant 16 : i32
        %shift_left3A_330 = vector.broadcast %shift_left3A_329 : i32 to vector<16xi32>
        %shift_left3A_331 = arith.shli %get3A_195, %shift_left3A_330 : vector<16xi32>
        %bitcast3A_332 = vector.bitcast %shift_left3A_331 : vector<16xi32> to vector<16xf32>
        %and3A_333 = arith.constant -65536 : i32
        %and3A_334 = vector.broadcast %and3A_333 : i32 to vector<16xi32>
        %and3A_335 = arith.andi %get3A_195, %and3A_334 : vector<16xi32>
        %bitcast3A_336 = vector.bitcast %and3A_335 : vector<16xi32> to vector<16xf32>
        %mul3A_337 = arith.mulf %bitcast3A_332, %get3A_185 : vector<16xf32>
        tpu.vector_store_idx %arg12[%broadcast_in_dim3A_30, %get3A_183], %mul3A_337 {add = true} : memref<2x10000xf32, #tpu.memory_space<vmem>>[vector<16xi32>, vector<16xi32>], vector<16xf32>,
        %mul3A_338 = arith.mulf %bitcast3A_336, %get3A_185 : vector<16xf32>
        tpu.vector_store_idx %arg13[%broadcast_in_dim3A_30, %get3A_183], %mul3A_338 {add = true} : memref<2x10000xf32, #tpu.memory_space<vmem>>[vector<16xi32>, vector<16xi32>], vector<16xf32>,
        %shift_left3A_339 = arith.constant 16 : i32
        %shift_left3A_340 = vector.broadcast %shift_left3A_339 : i32 to vector<16xi32>
        %shift_left3A_341 = arith.shli %gather3A_208, %shift_left3A_340 : vector<16xi32>
        %bitcast3A_342 = vector.bitcast %shift_left3A_341 : vector<16xi32> to vector<16xf32>
        %and3A_343 = arith.constant -65536 : i32
        %and3A_344 = vector.broadcast %and3A_343 : i32 to vector<16xi32>
        %and3A_345 = arith.andi %gather3A_208, %and3A_344 : vector<16xi32>
        %bitcast3A_346 = vector.bitcast %and3A_345 : vector<16xi32> to vector<16xf32>
        %mul3A_347 = arith.mulf %bitcast3A_342, %get3A_207 : vector<16xf32>
        tpu.vector_store_idx %arg11[%broadcast_in_dim3A_20, %get3A_205], %mul3A_347 {add = true} : memref<4x10000xf32, #tpu.memory_space<vmem>>[vector<16xi32>, vector<16xi32>], vector<16xf32>,
        %mul3A_348 = arith.mulf %bitcast3A_346, %get3A_207 : vector<16xf32>
        tpu.vector_store_idx %arg11[%broadcast_in_dim3A_22, %get3A_205], %mul3A_348 {add = true} : memref<4x10000xf32, #tpu.memory_space<vmem>>[vector<16xi32>, vector<16xi32>], vector<16xf32>,
        %shift_left3A_349 = arith.constant 16 : i32
        %shift_left3A_350 = vector.broadcast %shift_left3A_349 : i32 to vector<16xi32>
        %shift_left3A_351 = arith.shli %get3A_213, %shift_left3A_350 : vector<16xi32>
        %bitcast3A_352 = vector.bitcast %shift_left3A_351 : vector<16xi32> to vector<16xf32>
        %and3A_353 = arith.constant -65536 : i32
        %and3A_354 = vector.broadcast %and3A_353 : i32 to vector<16xi32>
        %and3A_355 = arith.andi %get3A_213, %and3A_354 : vector<16xi32>
        %bitcast3A_356 = vector.bitcast %and3A_355 : vector<16xi32> to vector<16xf32>
        %mul3A_357 = arith.mulf %bitcast3A_352, %get3A_207 : vector<16xf32>
        tpu.vector_store_idx %arg12[%broadcast_in_dim3A_28, %get3A_205], %mul3A_357 {add = true} : memref<2x10000xf32, #tpu.memory_space<vmem>>[vector<16xi32>, vector<16xi32>], vector<16xf32>,
        %mul3A_358 = arith.mulf %bitcast3A_356, %get3A_207 : vector<16xf32>
        tpu.vector_store_idx %arg13[%broadcast_in_dim3A_28, %get3A_205], %mul3A_358 {add = true} : memref<2x10000xf32, #tpu.memory_space<vmem>>[vector<16xi32>, vector<16xi32>], vector<16xf32>,
        %shift_left3A_359 = arith.constant 16 : i32
        %shift_left3A_360 = vector.broadcast %shift_left3A_359 : i32 to vector<16xi32>
        %shift_left3A_361 = arith.shli %gather3A_209, %shift_left3A_360 : vector<16xi32>
        %bitcast3A_362 = vector.bitcast %shift_left3A_361 : vector<16xi32> to vector<16xf32>
        %and3A_363 = arith.constant -65536 : i32
        %and3A_364 = vector.broadcast %and3A_363 : i32 to vector<16xi32>
        %and3A_365 = arith.andi %gather3A_209, %and3A_364 : vector<16xi32>
        %bitcast3A_366 = vector.bitcast %and3A_365 : vector<16xi32> to vector<16xf32>
        %mul3A_367 = arith.mulf %bitcast3A_362, %get3A_207 : vector<16xf32>
        tpu.vector_store_idx %arg11[%broadcast_in_dim3A_24, %get3A_205], %mul3A_367 {add = true} : memref<4x10000xf32, #tpu.memory_space<vmem>>[vector<16xi32>, vector<16xi32>], vector<16xf32>,
        %mul3A_368 = arith.mulf %bitcast3A_366, %get3A_207 : vector<16xf32>
        tpu.vector_store_idx %arg11[%broadcast_in_dim3A_26, %get3A_205], %mul3A_368 {add = true} : memref<4x10000xf32, #tpu.memory_space<vmem>>[vector<16xi32>, vector<16xi32>], vector<16xf32>,
        %shift_left3A_369 = arith.constant 16 : i32
        %shift_left3A_370 = vector.broadcast %shift_left3A_369 : i32 to vector<16xi32>
        %shift_left3A_371 = arith.shli %get3A_217, %shift_left3A_370 : vector<16xi32>
        %bitcast3A_372 = vector.bitcast %shift_left3A_371 : vector<16xi32> to vector<16xf32>
        %and3A_373 = arith.constant -65536 : i32
        %and3A_374 = vector.broadcast %and3A_373 : i32 to vector<16xi32>
        %and3A_375 = arith.andi %get3A_217, %and3A_374 : vector<16xi32>
        %bitcast3A_376 = vector.bitcast %and3A_375 : vector<16xi32> to vector<16xf32>
        %mul3A_377 = arith.mulf %bitcast3A_372, %get3A_207 : vector<16xf32>
        tpu.vector_store_idx %arg12[%broadcast_in_dim3A_30, %get3A_205], %mul3A_377 {add = true} : memref<2x10000xf32, #tpu.memory_space<vmem>>[vector<16xi32>, vector<16xi32>], vector<16xf32>,
        %mul3A_378 = arith.mulf %bitcast3A_376, %get3A_207 : vector<16xf32>
        tpu.vector_store_idx %arg13[%broadcast_in_dim3A_30, %get3A_205], %mul3A_378 {add = true} : memref<2x10000xf32, #tpu.memory_space<vmem>>[vector<16xi32>, vector<16xi32>], vector<16xf32>,
        %shift_left3A_379 = arith.constant 16 : i32
        %shift_left3A_380 = vector.broadcast %shift_left3A_379 : i32 to vector<16xi32>
        %shift_left3A_381 = arith.shli %gather3A_230, %shift_left3A_380 : vector<16xi32>
        %bitcast3A_382 = vector.bitcast %shift_left3A_381 : vector<16xi32> to vector<16xf32>
        %and3A_383 = arith.constant -65536 : i32
        %and3A_384 = vector.broadcast %and3A_383 : i32 to vector<16xi32>
        %and3A_385 = arith.andi %gather3A_230, %and3A_384 : vector<16xi32>
        %bitcast3A_386 = vector.bitcast %and3A_385 : vector<16xi32> to vector<16xf32>
        %mul3A_387 = arith.mulf %bitcast3A_382, %get3A_229 : vector<16xf32>
        tpu.vector_store_idx %arg11[%broadcast_in_dim3A_20, %get3A_227], %mul3A_387 {add = true} : memref<4x10000xf32, #tpu.memory_space<vmem>>[vector<16xi32>, vector<16xi32>], vector<16xf32>,
        %mul3A_388 = arith.mulf %bitcast3A_386, %get3A_229 : vector<16xf32>
        tpu.vector_store_idx %arg11[%broadcast_in_dim3A_22, %get3A_227], %mul3A_388 {add = true} : memref<4x10000xf32, #tpu.memory_space<vmem>>[vector<16xi32>, vector<16xi32>], vector<16xf32>,
        %shift_left3A_389 = arith.constant 16 : i32
        %shift_left3A_390 = vector.broadcast %shift_left3A_389 : i32 to vector<16xi32>
        %shift_left3A_391 = arith.shli %get3A_235, %shift_left3A_390 : vector<16xi32>
        %bitcast3A_392 = vector.bitcast %shift_left3A_391 : vector<16xi32> to vector<16xf32>
        %and3A_393 = arith.constant -65536 : i32
        %and3A_394 = vector.broadcast %and3A_393 : i32 to vector<16xi32>
        %and3A_395 = arith.andi %get3A_235, %and3A_394 : vector<16xi32>
        %bitcast3A_396 = vector.bitcast %and3A_395 : vector<16xi32> to vector<16xf32>
        %mul3A_397 = arith.mulf %bitcast3A_392, %get3A_229 : vector<16xf32>
        tpu.vector_store_idx %arg12[%broadcast_in_dim3A_28, %get3A_227], %mul3A_397 {add = true} : memref<2x10000xf32, #tpu.memory_space<vmem>>[vector<16xi32>, vector<16xi32>], vector<16xf32>,
        %mul3A_398 = arith.mulf %bitcast3A_396, %get3A_229 : vector<16xf32>
        tpu.vector_store_idx %arg13[%broadcast_in_dim3A_28, %get3A_227], %mul3A_398 {add = true} : memref<2x10000xf32, #tpu.memory_space<vmem>>[vector<16xi32>, vector<16xi32>], vector<16xf32>,
        %shift_left3A_399 = arith.constant 16 : i32
        %shift_left3A_400 = vector.broadcast %shift_left3A_399 : i32 to vector<16xi32>
        %shift_left3A_401 = arith.shli %gather3A_231, %shift_left3A_400 : vector<16xi32>
        %bitcast3A_402 = vector.bitcast %shift_left3A_401 : vector<16xi32> to vector<16xf32>
        %and3A_403 = arith.constant -65536 : i32
        %and3A_404 = vector.broadcast %and3A_403 : i32 to vector<16xi32>
        %and3A_405 = arith.andi %gather3A_231, %and3A_404 : vector<16xi32>
        %bitcast3A_406 = vector.bitcast %and3A_405 : vector<16xi32> to vector<16xf32>
        %mul3A_407 = arith.mulf %bitcast3A_402, %get3A_229 : vector<16xf32>
        tpu.vector_store_idx %arg11[%broadcast_in_dim3A_24, %get3A_227], %mul3A_407 {add = true} : memref<4x10000xf32, #tpu.memory_space<vmem>>[vector<16xi32>, vector<16xi32>], vector<16xf32>,
        %mul3A_408 = arith.mulf %bitcast3A_406, %get3A_229 : vector<16xf32>
        tpu.vector_store_idx %arg11[%broadcast_in_dim3A_26, %get3A_227], %mul3A_408 {add = true} : memref<4x10000xf32, #tpu.memory_space<vmem>>[vector<16xi32>, vector<16xi32>], vector<16xf32>,
        %shift_left3A_409 = arith.constant 16 : i32
        %shift_left3A_410 = vector.broadcast %shift_left3A_409 : i32 to vector<16xi32>
        %shift_left3A_411 = arith.shli %get3A_239, %shift_left3A_410 : vector<16xi32>
        %bitcast3A_412 = vector.bitcast %shift_left3A_411 : vector<16xi32> to vector<16xf32>
        %and3A_413 = arith.constant -65536 : i32
        %and3A_414 = vector.broadcast %and3A_413 : i32 to vector<16xi32>
        %and3A_415 = arith.andi %get3A_239, %and3A_414 : vector<16xi32>
        %bitcast3A_416 = vector.bitcast %and3A_415 : vector<16xi32> to vector<16xf32>
        %mul3A_417 = arith.mulf %bitcast3A_412, %get3A_229 : vector<16xf32>
        tpu.vector_store_idx %arg12[%broadcast_in_dim3A_30, %get3A_227], %mul3A_417 {add = true} : memref<2x10000xf32, #tpu.memory_space<vmem>>[vector<16xi32>, vector<16xi32>], vector<16xf32>,
        %mul3A_418 = arith.mulf %bitcast3A_416, %get3A_229 : vector<16xf32>
        tpu.vector_store_idx %arg13[%broadcast_in_dim3A_30, %get3A_227], %mul3A_418 {add = true} : memref<2x10000xf32, #tpu.memory_space<vmem>>[vector<16xi32>, vector<16xi32>], vector<16xf32>,
        %shift_left3A_419 = arith.constant 16 : i32
        %shift_left3A_420 = vector.broadcast %shift_left3A_419 : i32 to vector<16xi32>
        %shift_left3A_421 = arith.shli %gather3A_252, %shift_left3A_420 : vector<16xi32>
        %bitcast3A_422 = vector.bitcast %shift_left3A_421 : vector<16xi32> to vector<16xf32>
        %and3A_423 = arith.constant -65536 : i32
        %and3A_424 = vector.broadcast %and3A_423 : i32 to vector<16xi32>
        %and3A_425 = arith.andi %gather3A_252, %and3A_424 : vector<16xi32>
        %bitcast3A_426 = vector.bitcast %and3A_425 : vector<16xi32> to vector<16xf32>
        %mul3A_427 = arith.mulf %bitcast3A_422, %get3A_251 : vector<16xf32>
        tpu.vector_store_idx %arg11[%broadcast_in_dim3A_20, %get3A_249], %mul3A_427 {add = true} : memref<4x10000xf32, #tpu.memory_space<vmem>>[vector<16xi32>, vector<16xi32>], vector<16xf32>,
        %mul3A_428 = arith.mulf %bitcast3A_426, %get3A_251 : vector<16xf32>
        tpu.vector_store_idx %arg11[%broadcast_in_dim3A_22, %get3A_249], %mul3A_428 {add = true} : memref<4x10000xf32, #tpu.memory_space<vmem>>[vector<16xi32>, vector<16xi32>], vector<16xf32>,
        %shift_left3A_429 = arith.constant 16 : i32
        %shift_left3A_430 = vector.broadcast %shift_left3A_429 : i32 to vector<16xi32>
        %shift_left3A_431 = arith.shli %get3A_257, %shift_left3A_430 : vector<16xi32>
        %bitcast3A_432 = vector.bitcast %shift_left3A_431 : vector<16xi32> to vector<16xf32>
        %and3A_433 = arith.constant -65536 : i32
        %and3A_434 = vector.broadcast %and3A_433 : i32 to vector<16xi32>
        %and3A_435 = arith.andi %get3A_257, %and3A_434 : vector<16xi32>
        %bitcast3A_436 = vector.bitcast %and3A_435 : vector<16xi32> to vector<16xf32>
        %mul3A_437 = arith.mulf %bitcast3A_432, %get3A_251 : vector<16xf32>
        tpu.vector_store_idx %arg12[%broadcast_in_dim3A_28, %get3A_249], %mul3A_437 {add = true} : memref<2x10000xf32, #tpu.memory_space<vmem>>[vector<16xi32>, vector<16xi32>], vector<16xf32>,
        %mul3A_438 = arith.mulf %bitcast3A_436, %get3A_251 : vector<16xf32>
        tpu.vector_store_idx %arg13[%broadcast_in_dim3A_28, %get3A_249], %mul3A_438 {add = true} : memref<2x10000xf32, #tpu.memory_space<vmem>>[vector<16xi32>, vector<16xi32>], vector<16xf32>,
        %shift_left3A_439 = arith.constant 16 : i32
        %shift_left3A_440 = vector.broadcast %shift_left3A_439 : i32 to vector<16xi32>
        %shift_left3A_441 = arith.shli %gather3A_253, %shift_left3A_440 : vector<16xi32>
        %bitcast3A_442 = vector.bitcast %shift_left3A_441 : vector<16xi32> to vector<16xf32>
        %and3A_443 = arith.constant -65536 : i32
        %and3A_444 = vector.broadcast %and3A_443 : i32 to vector<16xi32>
        %and3A_445 = arith.andi %gather3A_253, %and3A_444 : vector<16xi32>
        %bitcast3A_446 = vector.bitcast %and3A_445 : vector<16xi32> to vector<16xf32>
        %mul3A_447 = arith.mulf %bitcast3A_442, %get3A_251 : vector<16xf32>
        tpu.vector_store_idx %arg11[%broadcast_in_dim3A_24, %get3A_249], %mul3A_447 {add = true} : memref<4x10000xf32, #tpu.memory_space<vmem>>[vector<16xi32>, vector<16xi32>], vector<16xf32>,
        %mul3A_448 = arith.mulf %bitcast3A_446, %get3A_251 : vector<16xf32>
        tpu.vector_store_idx %arg11[%broadcast_in_dim3A_26, %get3A_249], %mul3A_448 {add = true} : memref<4x10000xf32, #tpu.memory_space<vmem>>[vector<16xi32>, vector<16xi32>], vector<16xf32>,
        %shift_left3A_449 = arith.constant 16 : i32
        %shift_left3A_450 = vector.broadcast %shift_left3A_449 : i32 to vector<16xi32>
        %shift_left3A_451 = arith.shli %get3A_261, %shift_left3A_450 : vector<16xi32>
        %bitcast3A_452 = vector.bitcast %shift_left3A_451 : vector<16xi32> to vector<16xf32>
        %and3A_453 = arith.constant -65536 : i32
        %and3A_454 = vector.broadcast %and3A_453 : i32 to vector<16xi32>
        %and3A_455 = arith.andi %get3A_261, %and3A_454 : vector<16xi32>
        %bitcast3A_456 = vector.bitcast %and3A_455 : vector<16xi32> to vector<16xf32>
        %mul3A_457 = arith.mulf %bitcast3A_452, %get3A_251 : vector<16xf32>
        tpu.vector_store_idx %arg12[%broadcast_in_dim3A_30, %get3A_249], %mul3A_457 {add = true} : memref<2x10000xf32, #tpu.memory_space<vmem>>[vector<16xi32>, vector<16xi32>], vector<16xf32>,
        %mul3A_458 = arith.mulf %bitcast3A_456, %get3A_251 : vector<16xf32>
        tpu.vector_store_idx %arg13[%broadcast_in_dim3A_30, %get3A_249], %mul3A_458 {add = true} : memref<2x10000xf32, #tpu.memory_space<vmem>>[vector<16xi32>, vector<16xi32>], vector<16xf32>,
      }
      %scan3A_110 = arith.constant 10 : i32
      %add3A_111 = arith.constant 2 : i32
      %add3A_112 = arith.addi %add3A_84, %add3A_111 : i32
      %lt3A = arith.constant 400 : i32
      %lt3A_113 = arith.cmpi slt, %add3A_112, %lt3A : i32
      %convert_element_type3A = arith.extui %lt3A_113 : i1 to i32
      %cond3A = arith.constant 0 : i32
      %cond3A_114 = arith.cmpi ne, %convert_element_type3A, %cond3A : i32
      scf.if %cond3A_114 {
        %add3A_153 = arith.constant 2 : i32
        %add3A_154 = arith.addi %add3A_84, %add3A_153 : i32
        %mul3A_155 = arith.constant 800 : i32
        %mul3A_156 = arith.muli %add3A_154, %mul3A_155 : i32
        %dma_start3A_157 = tpu.memref_slice %arg4[%mul3A_156] : memref<320000xi32, #tpu.memory_space<hbm>> -> memref<800xi32, #tpu.memory_space<hbm>>
        %dma_start3A_158 = tpu.memref_slice %arg4[%mul3A_156] : memref<320000xi32, #tpu.memory_space<hbm>> -> memref<800xi32, #tpu.memory_space<hbm>>
        tpu.enqueue_dma source(%dma_start3A_158 : memref<800xi32, #tpu.memory_space<hbm>>) target(%arg15 : memref<800xi32, #tpu.memory_space<vmem>>) target_semaphore(%arg23 : memref<!tpu.dma_semaphore, #tpu.memory_space<semaphore_mem>>)
        %dma_start3A_159 = tpu.memref_slice %arg5[%mul3A_156] : memref<320000xi32, #tpu.memory_space<hbm>> -> memref<800xi32, #tpu.memory_space<hbm>>
        %dma_start3A_160 = tpu.memref_slice %arg5[%mul3A_156] : memref<320000xi32, #tpu.memory_space<hbm>> -> memref<800xi32, #tpu.memory_space<hbm>>
        tpu.enqueue_dma source(%dma_start3A_160 : memref<800xi32, #tpu.memory_space<hbm>>) target(%arg16 : memref<800xi32, #tpu.memory_space<vmem>>) target_semaphore(%arg23 : memref<!tpu.dma_semaphore, #tpu.memory_space<semaphore_mem>>)
        %dma_start3A_161 = tpu.memref_slice %arg7[%div3A_6, %mul3A_156] : memref<8x320000xf32, #tpu.memory_space<hbm>> -> memref<1x800xf32, #tpu.memory_space<hbm>>
        %dma_start3A_162 = tpu.memref_squeeze %dma_start3A_161 : memref<1x800xf32, #tpu.memory_space<hbm>> -> memref<800xf32, #tpu.memory_space<hbm>>
        %dma_start3A_163 = tpu.memref_slice %arg7[%div3A_6, %mul3A_156] : memref<8x320000xf32, #tpu.memory_space<hbm>> -> memref<1x800xf32, #tpu.memory_space<hbm>>
        %dma_start3A_164 = tpu.memref_squeeze %dma_start3A_163 : memref<1x800xf32, #tpu.memory_space<hbm>> -> memref<800xf32, #tpu.memory_space<hbm>>
        tpu.enqueue_dma source(%dma_start3A_164 : memref<800xf32, #tpu.memory_space<hbm>>) target(%arg17 : memref<800xf32, #tpu.memory_space<vmem>>) target_semaphore(%arg23 : memref<!tpu.dma_semaphore, #tpu.memory_space<semaphore_mem>>)
        %dma_start3A_165 = tpu.memref_slice %arg3[%mul3A_9, %mul3A_156] : memref<8x320000xi32, #tpu.memory_space<hbm>> -> memref<2x800xi32, #tpu.memory_space<hbm>>
        %dma_start3A_166 = tpu.memref_slice %arg3[%mul3A_9, %mul3A_156] : memref<8x320000xi32, #tpu.memory_space<hbm>> -> memref<2x800xi32, #tpu.memory_space<hbm>>
        tpu.enqueue_dma source(%dma_start3A_166 : memref<2x800xi32, #tpu.memory_space<hbm>>) target(%arg18 : memref<2x800xi32, #tpu.memory_space<vmem>>) target_semaphore(%arg23 : memref<!tpu.dma_semaphore, #tpu.memory_space<semaphore_mem>>)
      } else {
      }
      %mul3A_115 = arith.constant 2 : i32
      %mul3A_116 = arith.muli %mul3A_115, %scan3A_80 : i32
      %add3A_117 = arith.constant 1 : i32
      %add3A_118 = arith.addi %mul3A_116, %add3A_117 : i32
      %dma_wait3A_119 = arith.constant 0 : i32
      %dma_wait3A_120 = tpu.memref_slice %arg4[%dma_wait3A_119] : memref<320000xi32, #tpu.memory_space<hbm>> -> memref<800xi32, #tpu.memory_space<hbm>>
      %dma_wait3A_121 = arith.constant 0 : i32
      %dma_wait3A_122 = tpu.memref_slice %arg4[%dma_wait3A_121] : memref<320000xi32, #tpu.memory_space<hbm>> -> memref<800xi32, #tpu.memory_space<hbm>>
      tpu.wait_dma2 semaphore(%arg24 : memref<!tpu.dma_semaphore, #tpu.memory_space<semaphore_mem>>) src(%dma_wait3A_122 : memref<800xi32, #tpu.memory_space<hbm>>) dst(%arg19 : memref<800xi32, #tpu.memory_space<vmem>>)
      %dma_wait3A_123 = arith.constant 0 : i32
      %dma_wait3A_124 = tpu.memref_slice %arg5[%dma_wait3A_123] : memref<320000xi32, #tpu.memory_space<hbm>> -> memref<800xi32, #tpu.memory_space<hbm>>
      %dma_wait3A_125 = arith.constant 0 : i32
      %dma_wait3A_126 = tpu.memref_slice %arg5[%dma_wait3A_125] : memref<320000xi32, #tpu.memory_space<hbm>> -> memref<800xi32, #tpu.memory_space<hbm>>
      tpu.wait_dma2 semaphore(%arg24 : memref<!tpu.dma_semaphore, #tpu.memory_space<semaphore_mem>>) src(%dma_wait3A_126 : memref<800xi32, #tpu.memory_space<hbm>>) dst(%arg20 : memref<800xi32, #tpu.memory_space<vmem>>)
      %dma_wait3A_127 = arith.constant 0 : i32
      %dma_wait3A_128 = arith.constant 0 : i32
      %dma_wait3A_129 = tpu.memref_slice %arg7[%dma_wait3A_127, %dma_wait3A_128] : memref<8x320000xf32, #tpu.memory_space<hbm>> -> memref<1x800xf32, #tpu.memory_space<hbm>>
      %dma_wait3A_130 = tpu.memref_squeeze %dma_wait3A_129 : memref<1x800xf32, #tpu.memory_space<hbm>> -> memref<800xf32, #tpu.memory_space<hbm>>
      %dma_wait3A_131 = arith.constant 0 : i32
      %dma_wait3A_132 = tpu.memref_slice %arg7[%dma_wait3A_127, %dma_wait3A_131] : memref<8x320000xf32, #tpu.memory_space<hbm>> -> memref<1x800xf32, #tpu.memory_space<hbm>>
      %dma_wait3A_133 = tpu.memref_squeeze %dma_wait3A_132 : memref<1x800xf32, #tpu.memory_space<hbm>> -> memref<800xf32, #tpu.memory_space<hbm>>
      tpu.wait_dma2 semaphore(%arg24 : memref<!tpu.dma_semaphore, #tpu.memory_space<semaphore_mem>>) src(%dma_wait3A_133 : memref<800xf32, #tpu.memory_space<hbm>>) dst(%arg21 : memref<800xf32, #tpu.memory_space<vmem>>)
      %dma_wait3A_134 = arith.constant 0 : i32
      %dma_wait3A_135 = arith.constant 0 : i32
      %dma_wait3A_136 = tpu.memref_slice %arg3[%dma_wait3A_134, %dma_wait3A_135] : memref<8x320000xi32, #tpu.memory_space<hbm>> -> memref<2x800xi32, #tpu.memory_space<hbm>>
      %dma_wait3A_137 = arith.constant 0 : i32
      %dma_wait3A_138 = arith.constant 0 : i32
      %dma_wait3A_139 = tpu.memref_slice %arg3[%dma_wait3A_137, %dma_wait3A_138] : memref<8x320000xi32, #tpu.memory_space<hbm>> -> memref<2x800xi32, #tpu.memory_space<hbm>>
      tpu.wait_dma2 semaphore(%arg24 : memref<!tpu.dma_semaphore, #tpu.memory_space<semaphore_mem>>) src(%dma_wait3A_139 : memref<2x800xi32, #tpu.memory_space<hbm>>) dst(%arg22 : memref<2x800xi32, #tpu.memory_space<vmem>>)
      %scan3A_140 = arith.constant 0 : i32
      %scan3A_141 = arith.constant 0 : i32
      %scan3A_142 = arith.constant 10 : i32
      %scan3A_143 = arith.addi %scan3A_141, %scan3A_142 : i32
      %scan3A_144 = arith.constant 1 : i32
      scf.for %scan3A_153 = %scan3A_141 to %scan3A_143 step %scan3A_144  : i32 {
        %mul3A_154 = arith.constant 5 : i32
        %mul3A_155 = arith.muli %scan3A_153, %mul3A_154 : i32
        %add3A_156 = arith.constant 0 : i32
        %add3A_157 = arith.addi %mul3A_155, %add3A_156 : i32
        %mul3A_158 = arith.constant 16 : i32
        %mul3A_159 = arith.muli %add3A_157, %mul3A_158 : i32
        %get3A = arith.index_cast %mul3A_159 : i32 to index
        %get3A_160 = tpu.vector_load %arg19[%get3A] {strides = array<i32>} : memref<800xi32, #tpu.memory_space<vmem>>, vector<16xi32>,
        %get3A_161 = arith.index_cast %mul3A_159 : i32 to index
        %get3A_162 = tpu.vector_load %arg20[%get3A_161] {strides = array<i32>} : memref<800xi32, #tpu.memory_space<vmem>>, vector<16xi32>,
        %get3A_163 = arith.index_cast %mul3A_159 : i32 to index
        %get3A_164 = tpu.vector_load %arg21[%get3A_163] {strides = array<i32>} : memref<800xf32, #tpu.memory_space<vmem>>, vector<16xf32>,
        %gather3A = tpu.vector_load_idx %arg10[%broadcast_in_dim3A_28, %get3A_160] : memref<2x10000xi32, #tpu.memory_space<vmem>>[vector<16xi32>, vector<16xi32>], vector<16xi32>,
        %gather3A_165 = tpu.vector_load_idx %arg10[%broadcast_in_dim3A_30, %get3A_160] : memref<2x10000xi32, #tpu.memory_space<vmem>>[vector<16xi32>, vector<16xi32>], vector<16xi32>,
        %get3A_166 = arith.constant 0 : i32
        %get3A_167 = arith.index_cast %get3A_166 : i32 to index
        %get3A_168 = arith.index_cast %mul3A_159 : i32 to index
        %get3A_169 = tpu.vector_load %arg22[%get3A_167, %get3A_168] {strides = array<i32>} : memref<2x800xi32, #tpu.memory_space<vmem>>, vector<16xi32>,
        %get3A_170 = arith.constant 1 : i32
        %get3A_171 = arith.index_cast %get3A_170 : i32 to index
        %get3A_172 = arith.index_cast %mul3A_159 : i32 to index
        %get3A_173 = tpu.vector_load %arg22[%get3A_171, %get3A_172] {strides = array<i32>} : memref<2x800xi32, #tpu.memory_space<vmem>>, vector<16xi32>,
        %mul3A_174 = arith.constant 5 : i32
        %mul3A_175 = arith.muli %scan3A_153, %mul3A_174 : i32
        %add3A_176 = arith.constant 1 : i32
        %add3A_177 = arith.addi %mul3A_175, %add3A_176 : i32
        %mul3A_178 = arith.constant 16 : i32
        %mul3A_179 = arith.muli %add3A_177, %mul3A_178 : i32
        %get3A_180 = arith.index_cast %mul3A_179 : i32 to index
        %get3A_181 = tpu.vector_load %arg19[%get3A_180] {strides = array<i32>} : memref<800xi32, #tpu.memory_space<vmem>>, vector<16xi32>,
        %get3A_182 = arith.index_cast %mul3A_179 : i32 to index
        %get3A_183 = tpu.vector_load %arg20[%get3A_182] {strides = array<i32>} : memref<800xi32, #tpu.memory_space<vmem>>, vector<16xi32>,
        %get3A_184 = arith.index_cast %mul3A_179 : i32 to index
        %get3A_185 = tpu.vector_load %arg21[%get3A_184] {strides = array<i32>} : memref<800xf32, #tpu.memory_space<vmem>>, vector<16xf32>,
        %gather3A_186 = tpu.vector_load_idx %arg10[%broadcast_in_dim3A_28, %get3A_181] : memref<2x10000xi32, #tpu.memory_space<vmem>>[vector<16xi32>, vector<16xi32>], vector<16xi32>,
        %gather3A_187 = tpu.vector_load_idx %arg10[%broadcast_in_dim3A_30, %get3A_181] : memref<2x10000xi32, #tpu.memory_space<vmem>>[vector<16xi32>, vector<16xi32>], vector<16xi32>,
        %get3A_188 = arith.constant 0 : i32
        %get3A_189 = arith.index_cast %get3A_188 : i32 to index
        %get3A_190 = arith.index_cast %mul3A_179 : i32 to index
        %get3A_191 = tpu.vector_load %arg22[%get3A_189, %get3A_190] {strides = array<i32>} : memref<2x800xi32, #tpu.memory_space<vmem>>, vector<16xi32>,
        %get3A_192 = arith.constant 1 : i32
        %get3A_193 = arith.index_cast %get3A_192 : i32 to index
        %get3A_194 = arith.index_cast %mul3A_179 : i32 to index
        %get3A_195 = tpu.vector_load %arg22[%get3A_193, %get3A_194] {strides = array<i32>} : memref<2x800xi32, #tpu.memory_space<vmem>>, vector<16xi32>,
        %mul3A_196 = arith.constant 5 : i32
        %mul3A_197 = arith.muli %scan3A_153, %mul3A_196 : i32
        %add3A_198 = arith.constant 2 : i32
        %add3A_199 = arith.addi %mul3A_197, %add3A_198 : i32
        %mul3A_200 = arith.constant 16 : i32
        %mul3A_201 = arith.muli %add3A_199, %mul3A_200 : i32
        %get3A_202 = arith.index_cast %mul3A_201 : i32 to index
        %get3A_203 = tpu.vector_load %arg19[%get3A_202] {strides = array<i32>} : memref<800xi32, #tpu.memory_space<vmem>>, vector<16xi32>,
        %get3A_204 = arith.index_cast %mul3A_201 : i32 to index
        %get3A_205 = tpu.vector_load %arg20[%get3A_204] {strides = array<i32>} : memref<800xi32, #tpu.memory_space<vmem>>, vector<16xi32>,
        %get3A_206 = arith.index_cast %mul3A_201 : i32 to index
        %get3A_207 = tpu.vector_load %arg21[%get3A_206] {strides = array<i32>} : memref<800xf32, #tpu.memory_space<vmem>>, vector<16xf32>,
        %gather3A_208 = tpu.vector_load_idx %arg10[%broadcast_in_dim3A_28, %get3A_203] : memref<2x10000xi32, #tpu.memory_space<vmem>>[vector<16xi32>, vector<16xi32>], vector<16xi32>,
        %gather3A_209 = tpu.vector_load_idx %arg10[%broadcast_in_dim3A_30, %get3A_203] : memref<2x10000xi32, #tpu.memory_space<vmem>>[vector<16xi32>, vector<16xi32>], vector<16xi32>,
        %get3A_210 = arith.constant 0 : i32
        %get3A_211 = arith.index_cast %get3A_210 : i32 to index
        %get3A_212 = arith.index_cast %mul3A_201 : i32 to index
        %get3A_213 = tpu.vector_load %arg22[%get3A_211, %get3A_212] {strides = array<i32>} : memref<2x800xi32, #tpu.memory_space<vmem>>, vector<16xi32>,
        %get3A_214 = arith.constant 1 : i32
        %get3A_215 = arith.index_cast %get3A_214 : i32 to index
        %get3A_216 = arith.index_cast %mul3A_201 : i32 to index
        %get3A_217 = tpu.vector_load %arg22[%get3A_215, %get3A_216] {strides = array<i32>} : memref<2x800xi32, #tpu.memory_space<vmem>>, vector<16xi32>,
        %mul3A_218 = arith.constant 5 : i32
        %mul3A_219 = arith.muli %scan3A_153, %mul3A_218 : i32
        %add3A_220 = arith.constant 3 : i32
        %add3A_221 = arith.addi %mul3A_219, %add3A_220 : i32
        %mul3A_222 = arith.constant 16 : i32
        %mul3A_223 = arith.muli %add3A_221, %mul3A_222 : i32
        %get3A_224 = arith.index_cast %mul3A_223 : i32 to index
        %get3A_225 = tpu.vector_load %arg19[%get3A_224] {strides = array<i32>} : memref<800xi32, #tpu.memory_space<vmem>>, vector<16xi32>,
        %get3A_226 = arith.index_cast %mul3A_223 : i32 to index
        %get3A_227 = tpu.vector_load %arg20[%get3A_226] {strides = array<i32>} : memref<800xi32, #tpu.memory_space<vmem>>, vector<16xi32>,
        %get3A_228 = arith.index_cast %mul3A_223 : i32 to index
        %get3A_229 = tpu.vector_load %arg21[%get3A_228] {strides = array<i32>} : memref<800xf32, #tpu.memory_space<vmem>>, vector<16xf32>,
        %gather3A_230 = tpu.vector_load_idx %arg10[%broadcast_in_dim3A_28, %get3A_225] : memref<2x10000xi32, #tpu.memory_space<vmem>>[vector<16xi32>, vector<16xi32>], vector<16xi32>,
        %gather3A_231 = tpu.vector_load_idx %arg10[%broadcast_in_dim3A_30, %get3A_225] : memref<2x10000xi32, #tpu.memory_space<vmem>>[vector<16xi32>, vector<16xi32>], vector<16xi32>,
        %get3A_232 = arith.constant 0 : i32
        %get3A_233 = arith.index_cast %get3A_232 : i32 to index
        %get3A_234 = arith.index_cast %mul3A_223 : i32 to index
        %get3A_235 = tpu.vector_load %arg22[%get3A_233, %get3A_234] {strides = array<i32>} : memref<2x800xi32, #tpu.memory_space<vmem>>, vector<16xi32>,
        %get3A_236 = arith.constant 1 : i32
        %get3A_237 = arith.index_cast %get3A_236 : i32 to index
        %get3A_238 = arith.index_cast %mul3A_223 : i32 to index
        %get3A_239 = tpu.vector_load %arg22[%get3A_237, %get3A_238] {strides = array<i32>} : memref<2x800xi32, #tpu.memory_space<vmem>>, vector<16xi32>,
        %mul3A_240 = arith.constant 5 : i32
        %mul3A_241 = arith.muli %scan3A_153, %mul3A_240 : i32
        %add3A_242 = arith.constant 4 : i32
        %add3A_243 = arith.addi %mul3A_241, %add3A_242 : i32
        %mul3A_244 = arith.constant 16 : i32
        %mul3A_245 = arith.muli %add3A_243, %mul3A_244 : i32
        %get3A_246 = arith.index_cast %mul3A_245 : i32 to index
        %get3A_247 = tpu.vector_load %arg19[%get3A_246] {strides = array<i32>} : memref<800xi32, #tpu.memory_space<vmem>>, vector<16xi32>,
        %get3A_248 = arith.index_cast %mul3A_245 : i32 to index
        %get3A_249 = tpu.vector_load %arg20[%get3A_248] {strides = array<i32>} : memref<800xi32, #tpu.memory_space<vmem>>, vector<16xi32>,
        %get3A_250 = arith.index_cast %mul3A_245 : i32 to index
        %get3A_251 = tpu.vector_load %arg21[%get3A_250] {strides = array<i32>} : memref<800xf32, #tpu.memory_space<vmem>>, vector<16xf32>,
        %gather3A_252 = tpu.vector_load_idx %arg10[%broadcast_in_dim3A_28, %get3A_247] : memref<2x10000xi32, #tpu.memory_space<vmem>>[vector<16xi32>, vector<16xi32>], vector<16xi32>,
        %gather3A_253 = tpu.vector_load_idx %arg10[%broadcast_in_dim3A_30, %get3A_247] : memref<2x10000xi32, #tpu.memory_space<vmem>>[vector<16xi32>, vector<16xi32>], vector<16xi32>,
        %get3A_254 = arith.constant 0 : i32
        %get3A_255 = arith.index_cast %get3A_254 : i32 to index
        %get3A_256 = arith.index_cast %mul3A_245 : i32 to index
        %get3A_257 = tpu.vector_load %arg22[%get3A_255, %get3A_256] {strides = array<i32>} : memref<2x800xi32, #tpu.memory_space<vmem>>, vector<16xi32>,
        %get3A_258 = arith.constant 1 : i32
        %get3A_259 = arith.index_cast %get3A_258 : i32 to index
        %get3A_260 = arith.index_cast %mul3A_245 : i32 to index
        %get3A_261 = tpu.vector_load %arg22[%get3A_259, %get3A_260] {strides = array<i32>} : memref<2x800xi32, #tpu.memory_space<vmem>>, vector<16xi32>,
        %shift_left3A = arith.constant 16 : i32
        %shift_left3A_262 = vector.broadcast %shift_left3A : i32 to vector<16xi32>
        %shift_left3A_263 = arith.shli %gather3A, %shift_left3A_262 : vector<16xi32>
        %bitcast3A = vector.bitcast %shift_left3A_263 : vector<16xi32> to vector<16xf32>
        %and3A = arith.constant -65536 : i32
        %and3A_264 = vector.broadcast %and3A : i32 to vector<16xi32>
        %and3A_265 = arith.andi %gather3A, %and3A_264 : vector<16xi32>
        %bitcast3A_266 = vector.bitcast %and3A_265 : vector<16xi32> to vector<16xf32>
        %mul3A_267 = arith.mulf %bitcast3A, %get3A_164 : vector<16xf32>
        tpu.vector_store_idx %arg11[%broadcast_in_dim3A_20, %get3A_162], %mul3A_267 {add = true} : memref<4x10000xf32, #tpu.memory_space<vmem>>[vector<16xi32>, vector<16xi32>], vector<16xf32>,
        %mul3A_268 = arith.mulf %bitcast3A_266, %get3A_164 : vector<16xf32>
        tpu.vector_store_idx %arg11[%broadcast_in_dim3A_22, %get3A_162], %mul3A_268 {add = true} : memref<4x10000xf32, #tpu.memory_space<vmem>>[vector<16xi32>, vector<16xi32>], vector<16xf32>,
        %shift_left3A_269 = arith.constant 16 : i32
        %shift_left3A_270 = vector.broadcast %shift_left3A_269 : i32 to vector<16xi32>
        %shift_left3A_271 = arith.shli %get3A_169, %shift_left3A_270 : vector<16xi32>
        %bitcast3A_272 = vector.bitcast %shift_left3A_271 : vector<16xi32> to vector<16xf32>
        %and3A_273 = arith.constant -65536 : i32
        %and3A_274 = vector.broadcast %and3A_273 : i32 to vector<16xi32>
        %and3A_275 = arith.andi %get3A_169, %and3A_274 : vector<16xi32>
        %bitcast3A_276 = vector.bitcast %and3A_275 : vector<16xi32> to vector<16xf32>
        %mul3A_277 = arith.mulf %bitcast3A_272, %get3A_164 : vector<16xf32>
        tpu.vector_store_idx %arg12[%broadcast_in_dim3A_28, %get3A_162], %mul3A_277 {add = true} : memref<2x10000xf32, #tpu.memory_space<vmem>>[vector<16xi32>, vector<16xi32>], vector<16xf32>,
        %mul3A_278 = arith.mulf %bitcast3A_276, %get3A_164 : vector<16xf32>
        tpu.vector_store_idx %arg13[%broadcast_in_dim3A_28, %get3A_162], %mul3A_278 {add = true} : memref<2x10000xf32, #tpu.memory_space<vmem>>[vector<16xi32>, vector<16xi32>], vector<16xf32>,
        %shift_left3A_279 = arith.constant 16 : i32
        %shift_left3A_280 = vector.broadcast %shift_left3A_279 : i32 to vector<16xi32>
        %shift_left3A_281 = arith.shli %gather3A_165, %shift_left3A_280 : vector<16xi32>
        %bitcast3A_282 = vector.bitcast %shift_left3A_281 : vector<16xi32> to vector<16xf32>
        %and3A_283 = arith.constant -65536 : i32
        %and3A_284 = vector.broadcast %and3A_283 : i32 to vector<16xi32>
        %and3A_285 = arith.andi %gather3A_165, %and3A_284 : vector<16xi32>
        %bitcast3A_286 = vector.bitcast %and3A_285 : vector<16xi32> to vector<16xf32>
        %mul3A_287 = arith.mulf %bitcast3A_282, %get3A_164 : vector<16xf32>
        tpu.vector_store_idx %arg11[%broadcast_in_dim3A_24, %get3A_162], %mul3A_287 {add = true} : memref<4x10000xf32, #tpu.memory_space<vmem>>[vector<16xi32>, vector<16xi32>], vector<16xf32>,
        %mul3A_288 = arith.mulf %bitcast3A_286, %get3A_164 : vector<16xf32>
        tpu.vector_store_idx %arg11[%broadcast_in_dim3A_26, %get3A_162], %mul3A_288 {add = true} : memref<4x10000xf32, #tpu.memory_space<vmem>>[vector<16xi32>, vector<16xi32>], vector<16xf32>,
        %shift_left3A_289 = arith.constant 16 : i32
        %shift_left3A_290 = vector.broadcast %shift_left3A_289 : i32 to vector<16xi32>
        %shift_left3A_291 = arith.shli %get3A_173, %shift_left3A_290 : vector<16xi32>
        %bitcast3A_292 = vector.bitcast %shift_left3A_291 : vector<16xi32> to vector<16xf32>
        %and3A_293 = arith.constant -65536 : i32
        %and3A_294 = vector.broadcast %and3A_293 : i32 to vector<16xi32>
        %and3A_295 = arith.andi %get3A_173, %and3A_294 : vector<16xi32>
        %bitcast3A_296 = vector.bitcast %and3A_295 : vector<16xi32> to vector<16xf32>
        %mul3A_297 = arith.mulf %bitcast3A_292, %get3A_164 : vector<16xf32>
        tpu.vector_store_idx %arg12[%broadcast_in_dim3A_30, %get3A_162], %mul3A_297 {add = true} : memref<2x10000xf32, #tpu.memory_space<vmem>>[vector<16xi32>, vector<16xi32>], vector<16xf32>,
        %mul3A_298 = arith.mulf %bitcast3A_296, %get3A_164 : vector<16xf32>
        tpu.vector_store_idx %arg13[%broadcast_in_dim3A_30, %get3A_162], %mul3A_298 {add = true} : memref<2x10000xf32, #tpu.memory_space<vmem>>[vector<16xi32>, vector<16xi32>], vector<16xf32>,
        %shift_left3A_299 = arith.constant 16 : i32
        %shift_left3A_300 = vector.broadcast %shift_left3A_299 : i32 to vector<16xi32>
        %shift_left3A_301 = arith.shli %gather3A_186, %shift_left3A_300 : vector<16xi32>
        %bitcast3A_302 = vector.bitcast %shift_left3A_301 : vector<16xi32> to vector<16xf32>
        %and3A_303 = arith.constant -65536 : i32
        %and3A_304 = vector.broadcast %and3A_303 : i32 to vector<16xi32>
        %and3A_305 = arith.andi %gather3A_186, %and3A_304 : vector<16xi32>
        %bitcast3A_306 = vector.bitcast %and3A_305 : vector<16xi32> to vector<16xf32>
        %mul3A_307 = arith.mulf %bitcast3A_302, %get3A_185 : vector<16xf32>
        tpu.vector_store_idx %arg11[%broadcast_in_dim3A_20, %get3A_183], %mul3A_307 {add = true} : memref<4x10000xf32, #tpu.memory_space<vmem>>[vector<16xi32>, vector<16xi32>], vector<16xf32>,
        %mul3A_308 = arith.mulf %bitcast3A_306, %get3A_185 : vector<16xf32>
        tpu.vector_store_idx %arg11[%broadcast_in_dim3A_22, %get3A_183], %mul3A_308 {add = true} : memref<4x10000xf32, #tpu.memory_space<vmem>>[vector<16xi32>, vector<16xi32>], vector<16xf32>,
        %shift_left3A_309 = arith.constant 16 : i32
        %shift_left3A_310 = vector.broadcast %shift_left3A_309 : i32 to vector<16xi32>
        %shift_left3A_311 = arith.shli %get3A_191, %shift_left3A_310 : vector<16xi32>
        %bitcast3A_312 = vector.bitcast %shift_left3A_311 : vector<16xi32> to vector<16xf32>
        %and3A_313 = arith.constant -65536 : i32
        %and3A_314 = vector.broadcast %and3A_313 : i32 to vector<16xi32>
        %and3A_315 = arith.andi %get3A_191, %and3A_314 : vector<16xi32>
        %bitcast3A_316 = vector.bitcast %and3A_315 : vector<16xi32> to vector<16xf32>
        %mul3A_317 = arith.mulf %bitcast3A_312, %get3A_185 : vector<16xf32>
        tpu.vector_store_idx %arg12[%broadcast_in_dim3A_28, %get3A_183], %mul3A_317 {add = true} : memref<2x10000xf32, #tpu.memory_space<vmem>>[vector<16xi32>, vector<16xi32>], vector<16xf32>,
        %mul3A_318 = arith.mulf %bitcast3A_316, %get3A_185 : vector<16xf32>
        tpu.vector_store_idx %arg13[%broadcast_in_dim3A_28, %get3A_183], %mul3A_318 {add = true} : memref<2x10000xf32, #tpu.memory_space<vmem>>[vector<16xi32>, vector<16xi32>], vector<16xf32>,
        %shift_left3A_319 = arith.constant 16 : i32
        %shift_left3A_320 = vector.broadcast %shift_left3A_319 : i32 to vector<16xi32>
        %shift_left3A_321 = arith.shli %gather3A_187, %shift_left3A_320 : vector<16xi32>
        %bitcast3A_322 = vector.bitcast %shift_left3A_321 : vector<16xi32> to vector<16xf32>
        %and3A_323 = arith.constant -65536 : i32
        %and3A_324 = vector.broadcast %and3A_323 : i32 to vector<16xi32>
        %and3A_325 = arith.andi %gather3A_187, %and3A_324 : vector<16xi32>
        %bitcast3A_326 = vector.bitcast %and3A_325 : vector<16xi32> to vector<16xf32>
        %mul3A_327 = arith.mulf %bitcast3A_322, %get3A_185 : vector<16xf32>
        tpu.vector_store_idx %arg11[%broadcast_in_dim3A_24, %get3A_183], %mul3A_327 {add = true} : memref<4x10000xf32, #tpu.memory_space<vmem>>[vector<16xi32>, vector<16xi32>], vector<16xf32>,
        %mul3A_328 = arith.mulf %bitcast3A_326, %get3A_185 : vector<16xf32>
        tpu.vector_store_idx %arg11[%broadcast_in_dim3A_26, %get3A_183], %mul3A_328 {add = true} : memref<4x10000xf32, #tpu.memory_space<vmem>>[vector<16xi32>, vector<16xi32>], vector<16xf32>,
        %shift_left3A_329 = arith.constant 16 : i32
        %shift_left3A_330 = vector.broadcast %shift_left3A_329 : i32 to vector<16xi32>
        %shift_left3A_331 = arith.shli %get3A_195, %shift_left3A_330 : vector<16xi32>
        %bitcast3A_332 = vector.bitcast %shift_left3A_331 : vector<16xi32> to vector<16xf32>
        %and3A_333 = arith.constant -65536 : i32
        %and3A_334 = vector.broadcast %and3A_333 : i32 to vector<16xi32>
        %and3A_335 = arith.andi %get3A_195, %and3A_334 : vector<16xi32>
        %bitcast3A_336 = vector.bitcast %and3A_335 : vector<16xi32> to vector<16xf32>
        %mul3A_337 = arith.mulf %bitcast3A_332, %get3A_185 : vector<16xf32>
        tpu.vector_store_idx %arg12[%broadcast_in_dim3A_30, %get3A_183], %mul3A_337 {add = true} : memref<2x10000xf32, #tpu.memory_space<vmem>>[vector<16xi32>, vector<16xi32>], vector<16xf32>,
        %mul3A_338 = arith.mulf %bitcast3A_336, %get3A_185 : vector<16xf32>
        tpu.vector_store_idx %arg13[%broadcast_in_dim3A_30, %get3A_183], %mul3A_338 {add = true} : memref<2x10000xf32, #tpu.memory_space<vmem>>[vector<16xi32>, vector<16xi32>], vector<16xf32>,
        %shift_left3A_339 = arith.constant 16 : i32
        %shift_left3A_340 = vector.broadcast %shift_left3A_339 : i32 to vector<16xi32>
        %shift_left3A_341 = arith.shli %gather3A_208, %shift_left3A_340 : vector<16xi32>
        %bitcast3A_342 = vector.bitcast %shift_left3A_341 : vector<16xi32> to vector<16xf32>
        %and3A_343 = arith.constant -65536 : i32
        %and3A_344 = vector.broadcast %and3A_343 : i32 to vector<16xi32>
        %and3A_345 = arith.andi %gather3A_208, %and3A_344 : vector<16xi32>
        %bitcast3A_346 = vector.bitcast %and3A_345 : vector<16xi32> to vector<16xf32>
        %mul3A_347 = arith.mulf %bitcast3A_342, %get3A_207 : vector<16xf32>
        tpu.vector_store_idx %arg11[%broadcast_in_dim3A_20, %get3A_205], %mul3A_347 {add = true} : memref<4x10000xf32, #tpu.memory_space<vmem>>[vector<16xi32>, vector<16xi32>], vector<16xf32>,
        %mul3A_348 = arith.mulf %bitcast3A_346, %get3A_207 : vector<16xf32>
        tpu.vector_store_idx %arg11[%broadcast_in_dim3A_22, %get3A_205], %mul3A_348 {add = true} : memref<4x10000xf32, #tpu.memory_space<vmem>>[vector<16xi32>, vector<16xi32>], vector<16xf32>,
        %shift_left3A_349 = arith.constant 16 : i32
        %shift_left3A_350 = vector.broadcast %shift_left3A_349 : i32 to vector<16xi32>
        %shift_left3A_351 = arith.shli %get3A_213, %shift_left3A_350 : vector<16xi32>
        %bitcast3A_352 = vector.bitcast %shift_left3A_351 : vector<16xi32> to vector<16xf32>
        %and3A_353 = arith.constant -65536 : i32
        %and3A_354 = vector.broadcast %and3A_353 : i32 to vector<16xi32>
        %and3A_355 = arith.andi %get3A_213, %and3A_354 : vector<16xi32>
        %bitcast3A_356 = vector.bitcast %and3A_355 : vector<16xi32> to vector<16xf32>
        %mul3A_357 = arith.mulf %bitcast3A_352, %get3A_207 : vector<16xf32>
        tpu.vector_store_idx %arg12[%broadcast_in_dim3A_28, %get3A_205], %mul3A_357 {add = true} : memref<2x10000xf32, #tpu.memory_space<vmem>>[vector<16xi32>, vector<16xi32>], vector<16xf32>,
        %mul3A_358 = arith.mulf %bitcast3A_356, %get3A_207 : vector<16xf32>
        tpu.vector_store_idx %arg13[%broadcast_in_dim3A_28, %get3A_205], %mul3A_358 {add = true} : memref<2x10000xf32, #tpu.memory_space<vmem>>[vector<16xi32>, vector<16xi32>], vector<16xf32>,
        %shift_left3A_359 = arith.constant 16 : i32
        %shift_left3A_360 = vector.broadcast %shift_left3A_359 : i32 to vector<16xi32>
        %shift_left3A_361 = arith.shli %gather3A_209, %shift_left3A_360 : vector<16xi32>
        %bitcast3A_362 = vector.bitcast %shift_left3A_361 : vector<16xi32> to vector<16xf32>
        %and3A_363 = arith.constant -65536 : i32
        %and3A_364 = vector.broadcast %and3A_363 : i32 to vector<16xi32>
        %and3A_365 = arith.andi %gather3A_209, %and3A_364 : vector<16xi32>
        %bitcast3A_366 = vector.bitcast %and3A_365 : vector<16xi32> to vector<16xf32>
        %mul3A_367 = arith.mulf %bitcast3A_362, %get3A_207 : vector<16xf32>
        tpu.vector_store_idx %arg11[%broadcast_in_dim3A_24, %get3A_205], %mul3A_367 {add = true} : memref<4x10000xf32, #tpu.memory_space<vmem>>[vector<16xi32>, vector<16xi32>], vector<16xf32>,
        %mul3A_368 = arith.mulf %bitcast3A_366, %get3A_207 : vector<16xf32>
        tpu.vector_store_idx %arg11[%broadcast_in_dim3A_26, %get3A_205], %mul3A_368 {add = true} : memref<4x10000xf32, #tpu.memory_space<vmem>>[vector<16xi32>, vector<16xi32>], vector<16xf32>,
        %shift_left3A_369 = arith.constant 16 : i32
        %shift_left3A_370 = vector.broadcast %shift_left3A_369 : i32 to vector<16xi32>
        %shift_left3A_371 = arith.shli %get3A_217, %shift_left3A_370 : vector<16xi32>
        %bitcast3A_372 = vector.bitcast %shift_left3A_371 : vector<16xi32> to vector<16xf32>
        %and3A_373 = arith.constant -65536 : i32
        %and3A_374 = vector.broadcast %and3A_373 : i32 to vector<16xi32>
        %and3A_375 = arith.andi %get3A_217, %and3A_374 : vector<16xi32>
        %bitcast3A_376 = vector.bitcast %and3A_375 : vector<16xi32> to vector<16xf32>
        %mul3A_377 = arith.mulf %bitcast3A_372, %get3A_207 : vector<16xf32>
        tpu.vector_store_idx %arg12[%broadcast_in_dim3A_30, %get3A_205], %mul3A_377 {add = true} : memref<2x10000xf32, #tpu.memory_space<vmem>>[vector<16xi32>, vector<16xi32>], vector<16xf32>,
        %mul3A_378 = arith.mulf %bitcast3A_376, %get3A_207 : vector<16xf32>
        tpu.vector_store_idx %arg13[%broadcast_in_dim3A_30, %get3A_205], %mul3A_378 {add = true} : memref<2x10000xf32, #tpu.memory_space<vmem>>[vector<16xi32>, vector<16xi32>], vector<16xf32>,
        %shift_left3A_379 = arith.constant 16 : i32
        %shift_left3A_380 = vector.broadcast %shift_left3A_379 : i32 to vector<16xi32>
        %shift_left3A_381 = arith.shli %gather3A_230, %shift_left3A_380 : vector<16xi32>
        %bitcast3A_382 = vector.bitcast %shift_left3A_381 : vector<16xi32> to vector<16xf32>
        %and3A_383 = arith.constant -65536 : i32
        %and3A_384 = vector.broadcast %and3A_383 : i32 to vector<16xi32>
        %and3A_385 = arith.andi %gather3A_230, %and3A_384 : vector<16xi32>
        %bitcast3A_386 = vector.bitcast %and3A_385 : vector<16xi32> to vector<16xf32>
        %mul3A_387 = arith.mulf %bitcast3A_382, %get3A_229 : vector<16xf32>
        tpu.vector_store_idx %arg11[%broadcast_in_dim3A_20, %get3A_227], %mul3A_387 {add = true} : memref<4x10000xf32, #tpu.memory_space<vmem>>[vector<16xi32>, vector<16xi32>], vector<16xf32>,
        %mul3A_388 = arith.mulf %bitcast3A_386, %get3A_229 : vector<16xf32>
        tpu.vector_store_idx %arg11[%broadcast_in_dim3A_22, %get3A_227], %mul3A_388 {add = true} : memref<4x10000xf32, #tpu.memory_space<vmem>>[vector<16xi32>, vector<16xi32>], vector<16xf32>,
        %shift_left3A_389 = arith.constant 16 : i32
        %shift_left3A_390 = vector.broadcast %shift_left3A_389 : i32 to vector<16xi32>
        %shift_left3A_391 = arith.shli %get3A_235, %shift_left3A_390 : vector<16xi32>
        %bitcast3A_392 = vector.bitcast %shift_left3A_391 : vector<16xi32> to vector<16xf32>
        %and3A_393 = arith.constant -65536 : i32
        %and3A_394 = vector.broadcast %and3A_393 : i32 to vector<16xi32>
        %and3A_395 = arith.andi %get3A_235, %and3A_394 : vector<16xi32>
        %bitcast3A_396 = vector.bitcast %and3A_395 : vector<16xi32> to vector<16xf32>
        %mul3A_397 = arith.mulf %bitcast3A_392, %get3A_229 : vector<16xf32>
        tpu.vector_store_idx %arg12[%broadcast_in_dim3A_28, %get3A_227], %mul3A_397 {add = true} : memref<2x10000xf32, #tpu.memory_space<vmem>>[vector<16xi32>, vector<16xi32>], vector<16xf32>,
        %mul3A_398 = arith.mulf %bitcast3A_396, %get3A_229 : vector<16xf32>
        tpu.vector_store_idx %arg13[%broadcast_in_dim3A_28, %get3A_227], %mul3A_398 {add = true} : memref<2x10000xf32, #tpu.memory_space<vmem>>[vector<16xi32>, vector<16xi32>], vector<16xf32>,
        %shift_left3A_399 = arith.constant 16 : i32
        %shift_left3A_400 = vector.broadcast %shift_left3A_399 : i32 to vector<16xi32>
        %shift_left3A_401 = arith.shli %gather3A_231, %shift_left3A_400 : vector<16xi32>
        %bitcast3A_402 = vector.bitcast %shift_left3A_401 : vector<16xi32> to vector<16xf32>
        %and3A_403 = arith.constant -65536 : i32
        %and3A_404 = vector.broadcast %and3A_403 : i32 to vector<16xi32>
        %and3A_405 = arith.andi %gather3A_231, %and3A_404 : vector<16xi32>
        %bitcast3A_406 = vector.bitcast %and3A_405 : vector<16xi32> to vector<16xf32>
        %mul3A_407 = arith.mulf %bitcast3A_402, %get3A_229 : vector<16xf32>
        tpu.vector_store_idx %arg11[%broadcast_in_dim3A_24, %get3A_227], %mul3A_407 {add = true} : memref<4x10000xf32, #tpu.memory_space<vmem>>[vector<16xi32>, vector<16xi32>], vector<16xf32>,
        %mul3A_408 = arith.mulf %bitcast3A_406, %get3A_229 : vector<16xf32>
        tpu.vector_store_idx %arg11[%broadcast_in_dim3A_26, %get3A_227], %mul3A_408 {add = true} : memref<4x10000xf32, #tpu.memory_space<vmem>>[vector<16xi32>, vector<16xi32>], vector<16xf32>,
        %shift_left3A_409 = arith.constant 16 : i32
        %shift_left3A_410 = vector.broadcast %shift_left3A_409 : i32 to vector<16xi32>
        %shift_left3A_411 = arith.shli %get3A_239, %shift_left3A_410 : vector<16xi32>
        %bitcast3A_412 = vector.bitcast %shift_left3A_411 : vector<16xi32> to vector<16xf32>
        %and3A_413 = arith.constant -65536 : i32
        %and3A_414 = vector.broadcast %and3A_413 : i32 to vector<16xi32>
        %and3A_415 = arith.andi %get3A_239, %and3A_414 : vector<16xi32>
        %bitcast3A_416 = vector.bitcast %and3A_415 : vector<16xi32> to vector<16xf32>
        %mul3A_417 = arith.mulf %bitcast3A_412, %get3A_229 : vector<16xf32>
        tpu.vector_store_idx %arg12[%broadcast_in_dim3A_30, %get3A_227], %mul3A_417 {add = true} : memref<2x10000xf32, #tpu.memory_space<vmem>>[vector<16xi32>, vector<16xi32>], vector<16xf32>,
        %mul3A_418 = arith.mulf %bitcast3A_416, %get3A_229 : vector<16xf32>
        tpu.vector_store_idx %arg13[%broadcast_in_dim3A_30, %get3A_227], %mul3A_418 {add = true} : memref<2x10000xf32, #tpu.memory_space<vmem>>[vector<16xi32>, vector<16xi32>], vector<16xf32>,
        %shift_left3A_419 = arith.constant 16 : i32
        %shift_left3A_420 = vector.broadcast %shift_left3A_419 : i32 to vector<16xi32>
        %shift_left3A_421 = arith.shli %gather3A_252, %shift_left3A_420 : vector<16xi32>
        %bitcast3A_422 = vector.bitcast %shift_left3A_421 : vector<16xi32> to vector<16xf32>
        %and3A_423 = arith.constant -65536 : i32
        %and3A_424 = vector.broadcast %and3A_423 : i32 to vector<16xi32>
        %and3A_425 = arith.andi %gather3A_252, %and3A_424 : vector<16xi32>
        %bitcast3A_426 = vector.bitcast %and3A_425 : vector<16xi32> to vector<16xf32>
        %mul3A_427 = arith.mulf %bitcast3A_422, %get3A_251 : vector<16xf32>
        tpu.vector_store_idx %arg11[%broadcast_in_dim3A_20, %get3A_249], %mul3A_427 {add = true} : memref<4x10000xf32, #tpu.memory_space<vmem>>[vector<16xi32>, vector<16xi32>], vector<16xf32>,
        %mul3A_428 = arith.mulf %bitcast3A_426, %get3A_251 : vector<16xf32>
        tpu.vector_store_idx %arg11[%broadcast_in_dim3A_22, %get3A_249], %mul3A_428 {add = true} : memref<4x10000xf32, #tpu.memory_space<vmem>>[vector<16xi32>, vector<16xi32>], vector<16xf32>,
        %shift_left3A_429 = arith.constant 16 : i32
        %shift_left3A_430 = vector.broadcast %shift_left3A_429 : i32 to vector<16xi32>
        %shift_left3A_431 = arith.shli %get3A_257, %shift_left3A_430 : vector<16xi32>
        %bitcast3A_432 = vector.bitcast %shift_left3A_431 : vector<16xi32> to vector<16xf32>
        %and3A_433 = arith.constant -65536 : i32
        %and3A_434 = vector.broadcast %and3A_433 : i32 to vector<16xi32>
        %and3A_435 = arith.andi %get3A_257, %and3A_434 : vector<16xi32>
        %bitcast3A_436 = vector.bitcast %and3A_435 : vector<16xi32> to vector<16xf32>
        %mul3A_437 = arith.mulf %bitcast3A_432, %get3A_251 : vector<16xf32>
        tpu.vector_store_idx %arg12[%broadcast_in_dim3A_28, %get3A_249], %mul3A_437 {add = true} : memref<2x10000xf32, #tpu.memory_space<vmem>>[vector<16xi32>, vector<16xi32>], vector<16xf32>,
        %mul3A_438 = arith.mulf %bitcast3A_436, %get3A_251 : vector<16xf32>
        tpu.vector_store_idx %arg13[%broadcast_in_dim3A_28, %get3A_249], %mul3A_438 {add = true} : memref<2x10000xf32, #tpu.memory_space<vmem>>[vector<16xi32>, vector<16xi32>], vector<16xf32>,
        %shift_left3A_439 = arith.constant 16 : i32
        %shift_left3A_440 = vector.broadcast %shift_left3A_439 : i32 to vector<16xi32>
        %shift_left3A_441 = arith.shli %gather3A_253, %shift_left3A_440 : vector<16xi32>
        %bitcast3A_442 = vector.bitcast %shift_left3A_441 : vector<16xi32> to vector<16xf32>
        %and3A_443 = arith.constant -65536 : i32
        %and3A_444 = vector.broadcast %and3A_443 : i32 to vector<16xi32>
        %and3A_445 = arith.andi %gather3A_253, %and3A_444 : vector<16xi32>
        %bitcast3A_446 = vector.bitcast %and3A_445 : vector<16xi32> to vector<16xf32>
        %mul3A_447 = arith.mulf %bitcast3A_442, %get3A_251 : vector<16xf32>
        tpu.vector_store_idx %arg11[%broadcast_in_dim3A_24, %get3A_249], %mul3A_447 {add = true} : memref<4x10000xf32, #tpu.memory_space<vmem>>[vector<16xi32>, vector<16xi32>], vector<16xf32>,
        %mul3A_448 = arith.mulf %bitcast3A_446, %get3A_251 : vector<16xf32>
        tpu.vector_store_idx %arg11[%broadcast_in_dim3A_26, %get3A_249], %mul3A_448 {add = true} : memref<4x10000xf32, #tpu.memory_space<vmem>>[vector<16xi32>, vector<16xi32>], vector<16xf32>,
        %shift_left3A_449 = arith.constant 16 : i32
        %shift_left3A_450 = vector.broadcast %shift_left3A_449 : i32 to vector<16xi32>
        %shift_left3A_451 = arith.shli %get3A_261, %shift_left3A_450 : vector<16xi32>
        %bitcast3A_452 = vector.bitcast %shift_left3A_451 : vector<16xi32> to vector<16xf32>
        %and3A_453 = arith.constant -65536 : i32
        %and3A_454 = vector.broadcast %and3A_453 : i32 to vector<16xi32>
        %and3A_455 = arith.andi %get3A_261, %and3A_454 : vector<16xi32>
        %bitcast3A_456 = vector.bitcast %and3A_455 : vector<16xi32> to vector<16xf32>
        %mul3A_457 = arith.mulf %bitcast3A_452, %get3A_251 : vector<16xf32>
        tpu.vector_store_idx %arg12[%broadcast_in_dim3A_30, %get3A_249], %mul3A_457 {add = true} : memref<2x10000xf32, #tpu.memory_space<vmem>>[vector<16xi32>, vector<16xi32>], vector<16xf32>,
        %mul3A_458 = arith.mulf %bitcast3A_456, %get3A_251 : vector<16xf32>
        tpu.vector_store_idx %arg13[%broadcast_in_dim3A_30, %get3A_249], %mul3A_458 {add = true} : memref<2x10000xf32, #tpu.memory_space<vmem>>[vector<16xi32>, vector<16xi32>], vector<16xf32>,
      }
      %scan3A_145 = arith.constant 10 : i32
      %add3A_146 = arith.constant 2 : i32
      %add3A_147 = arith.addi %add3A_118, %add3A_146 : i32
      %lt3A_148 = arith.constant 400 : i32
      %lt3A_149 = arith.cmpi slt, %add3A_147, %lt3A_148 : i32
      %convert_element_type3A_150 = arith.extui %lt3A_149 : i1 to i32
      %cond3A_151 = arith.constant 0 : i32
      %cond3A_152 = arith.cmpi ne, %convert_element_type3A_150, %cond3A_151 : i32
      scf.if %cond3A_152 {
        %add3A_153 = arith.constant 2 : i32
        %add3A_154 = arith.addi %add3A_118, %add3A_153 : i32
        %mul3A_155 = arith.constant 800 : i32
        %mul3A_156 = arith.muli %add3A_154, %mul3A_155 : i32
        %dma_start3A_157 = tpu.memref_slice %arg4[%mul3A_156] : memref<320000xi32, #tpu.memory_space<hbm>> -> memref<800xi32, #tpu.memory_space<hbm>>
        %dma_start3A_158 = tpu.memref_slice %arg4[%mul3A_156] : memref<320000xi32, #tpu.memory_space<hbm>> -> memref<800xi32, #tpu.memory_space<hbm>>
        tpu.enqueue_dma source(%dma_start3A_158 : memref<800xi32, #tpu.memory_space<hbm>>) target(%arg19 : memref<800xi32, #tpu.memory_space<vmem>>) target_semaphore(%arg24 : memref<!tpu.dma_semaphore, #tpu.memory_space<semaphore_mem>>)
        %dma_start3A_159 = tpu.memref_slice %arg5[%mul3A_156] : memref<320000xi32, #tpu.memory_space<hbm>> -> memref<800xi32, #tpu.memory_space<hbm>>
        %dma_start3A_160 = tpu.memref_slice %arg5[%mul3A_156] : memref<320000xi32, #tpu.memory_space<hbm>> -> memref<800xi32, #tpu.memory_space<hbm>>
        tpu.enqueue_dma source(%dma_start3A_160 : memref<800xi32, #tpu.memory_space<hbm>>) target(%arg20 : memref<800xi32, #tpu.memory_space<vmem>>) target_semaphore(%arg24 : memref<!tpu.dma_semaphore, #tpu.memory_space<semaphore_mem>>)
        %dma_start3A_161 = tpu.memref_slice %arg7[%div3A_6, %mul3A_156] : memref<8x320000xf32, #tpu.memory_space<hbm>> -> memref<1x800xf32, #tpu.memory_space<hbm>>
        %dma_start3A_162 = tpu.memref_squeeze %dma_start3A_161 : memref<1x800xf32, #tpu.memory_space<hbm>> -> memref<800xf32, #tpu.memory_space<hbm>>
        %dma_start3A_163 = tpu.memref_slice %arg7[%div3A_6, %mul3A_156] : memref<8x320000xf32, #tpu.memory_space<hbm>> -> memref<1x800xf32, #tpu.memory_space<hbm>>
        %dma_start3A_164 = tpu.memref_squeeze %dma_start3A_163 : memref<1x800xf32, #tpu.memory_space<hbm>> -> memref<800xf32, #tpu.memory_space<hbm>>
        tpu.enqueue_dma source(%dma_start3A_164 : memref<800xf32, #tpu.memory_space<hbm>>) target(%arg21 : memref<800xf32, #tpu.memory_space<vmem>>) target_semaphore(%arg24 : memref<!tpu.dma_semaphore, #tpu.memory_space<semaphore_mem>>)
        %dma_start3A_165 = tpu.memref_slice %arg3[%mul3A_9, %mul3A_156] : memref<8x320000xi32, #tpu.memory_space<hbm>> -> memref<2x800xi32, #tpu.memory_space<hbm>>
        %dma_start3A_166 = tpu.memref_slice %arg3[%mul3A_9, %mul3A_156] : memref<8x320000xi32, #tpu.memory_space<hbm>> -> memref<2x800xi32, #tpu.memory_space<hbm>>
        tpu.enqueue_dma source(%dma_start3A_166 : memref<2x800xi32, #tpu.memory_space<hbm>>) target(%arg22 : memref<2x800xi32, #tpu.memory_space<vmem>>) target_semaphore(%arg24 : memref<!tpu.dma_semaphore, #tpu.memory_space<semaphore_mem>>)
      } else {
      }
    }
    %scan3A_71 = arith.constant 200 : i32
    %scan3A_72 = arith.constant 0 : i32
    %scan3A_73 = arith.constant 0 : i32
    %scan3A_74 = arith.constant 625 : i32
    %scan3A_75 = arith.addi %scan3A_73, %scan3A_74 : i32
    %scan3A_76 = arith.constant 1 : i32
    scf.for %scan3A_80 = %scan3A_73 to %scan3A_75 step %scan3A_76  : i32 {
      %mul3A_81 = arith.constant 16 : i32
      %mul3A_82 = arith.muli %scan3A_80, %mul3A_81 : i32
      %get3A = arith.index_cast %mul3A_82 : i32 to index
      %get3A_83 = tpu.vector_load %arg14[%get3A] {strides = array<i32>} : memref<10000xf32, #tpu.memory_space<vmem>>, vector<16xf32>,
      %get3A_84 = arith.constant 0 : i32
      %get3A_85 = arith.index_cast %get3A_84 : i32 to index
      %get3A_86 = arith.index_cast %mul3A_82 : i32 to index
      %get3A_87 = tpu.vector_load %arg11[%get3A_85, %get3A_86] {strides = array<i32>} : memref<4x10000xf32, #tpu.memory_space<vmem>>, vector<16xf32>,
      %mul3A_88 = arith.mulf %get3A_87, %get3A_83 : vector<16xf32>
      %swap3A = arith.constant 0 : i32
      %swap3A_89 = arith.index_cast %swap3A : i32 to index
      %swap3A_90 = arith.index_cast %mul3A_82 : i32 to index
      %swap3A_91 = tpu.vector_load %arg11[%swap3A_89, %swap3A_90] {strides = array<i32>} : memref<4x10000xf32, #tpu.memory_space<vmem>>, vector<16xf32>,
      tpu.vector_store %arg11[%swap3A_89, %swap3A_90], %mul3A_88 {strides = array<i32>} : memref<4x10000xf32, #tpu.memory_space<vmem>>, vector<16xf32>,
      %get3A_92 = arith.constant 1 : i32
      %get3A_93 = arith.index_cast %get3A_92 : i32 to index
      %get3A_94 = arith.index_cast %mul3A_82 : i32 to index
      %get3A_95 = tpu.vector_load %arg11[%get3A_93, %get3A_94] {strides = array<i32>} : memref<4x10000xf32, #tpu.memory_space<vmem>>, vector<16xf32>,
      %mul3A_96 = arith.mulf %get3A_95, %get3A_83 : vector<16xf32>
      %swap3A_97 = arith.constant 1 : i32
      %swap3A_98 = arith.index_cast %swap3A_97 : i32 to index
      %swap3A_99 = arith.index_cast %mul3A_82 : i32 to index
      %swap3A_100 = tpu.vector_load %arg11[%swap3A_98, %swap3A_99] {strides = array<i32>} : memref<4x10000xf32, #tpu.memory_space<vmem>>, vector<16xf32>,
      tpu.vector_store %arg11[%swap3A_98, %swap3A_99], %mul3A_96 {strides = array<i32>} : memref<4x10000xf32, #tpu.memory_space<vmem>>, vector<16xf32>,
      %get3A_101 = arith.constant 2 : i32
      %get3A_102 = arith.index_cast %get3A_101 : i32 to index
      %get3A_103 = arith.index_cast %mul3A_82 : i32 to index
      %get3A_104 = tpu.vector_load %arg11[%get3A_102, %get3A_103] {strides = array<i32>} : memref<4x10000xf32, #tpu.memory_space<vmem>>, vector<16xf32>,
      %mul3A_105 = arith.mulf %get3A_104, %get3A_83 : vector<16xf32>
      %swap3A_106 = arith.constant 2 : i32
      %swap3A_107 = arith.index_cast %swap3A_106 : i32 to index
      %swap3A_108 = arith.index_cast %mul3A_82 : i32 to index
      %swap3A_109 = tpu.vector_load %arg11[%swap3A_107, %swap3A_108] {strides = array<i32>} : memref<4x10000xf32, #tpu.memory_space<vmem>>, vector<16xf32>,
      tpu.vector_store %arg11[%swap3A_107, %swap3A_108], %mul3A_105 {strides = array<i32>} : memref<4x10000xf32, #tpu.memory_space<vmem>>, vector<16xf32>,
      %get3A_110 = arith.constant 3 : i32
      %get3A_111 = arith.index_cast %get3A_110 : i32 to index
      %get3A_112 = arith.index_cast %mul3A_82 : i32 to index
      %get3A_113 = tpu.vector_load %arg11[%get3A_111, %get3A_112] {strides = array<i32>} : memref<4x10000xf32, #tpu.memory_space<vmem>>, vector<16xf32>,
      %mul3A_114 = arith.mulf %get3A_113, %get3A_83 : vector<16xf32>
      %swap3A_115 = arith.constant 3 : i32
      %swap3A_116 = arith.index_cast %swap3A_115 : i32 to index
      %swap3A_117 = arith.index_cast %mul3A_82 : i32 to index
      %swap3A_118 = tpu.vector_load %arg11[%swap3A_116, %swap3A_117] {strides = array<i32>} : memref<4x10000xf32, #tpu.memory_space<vmem>>, vector<16xf32>,
      tpu.vector_store %arg11[%swap3A_116, %swap3A_117], %mul3A_114 {strides = array<i32>} : memref<4x10000xf32, #tpu.memory_space<vmem>>, vector<16xf32>,
      %get3A_119 = arith.constant 0 : i32
      %get3A_120 = arith.index_cast %get3A_119 : i32 to index
      %get3A_121 = arith.index_cast %mul3A_82 : i32 to index
      %get3A_122 = tpu.vector_load %arg12[%get3A_120, %get3A_121] {strides = array<i32>} : memref<2x10000xf32, #tpu.memory_space<vmem>>, vector<16xf32>,
      %mul3A_123 = arith.mulf %get3A_122, %get3A_83 : vector<16xf32>
      %swap3A_124 = arith.constant 0 : i32
      %swap3A_125 = arith.index_cast %swap3A_124 : i32 to index
      %swap3A_126 = arith.index_cast %mul3A_82 : i32 to index
      %swap3A_127 = tpu.vector_load %arg12[%swap3A_125, %swap3A_126] {strides = array<i32>} : memref<2x10000xf32, #tpu.memory_space<vmem>>, vector<16xf32>,
      tpu.vector_store %arg12[%swap3A_125, %swap3A_126], %mul3A_123 {strides = array<i32>} : memref<2x10000xf32, #tpu.memory_space<vmem>>, vector<16xf32>,
      %get3A_128 = arith.constant 0 : i32
      %get3A_129 = arith.index_cast %get3A_128 : i32 to index
      %get3A_130 = arith.index_cast %mul3A_82 : i32 to index
      %get3A_131 = tpu.vector_load %arg13[%get3A_129, %get3A_130] {strides = array<i32>} : memref<2x10000xf32, #tpu.memory_space<vmem>>, vector<16xf32>,
      %mul3A_132 = arith.mulf %get3A_131, %get3A_83 : vector<16xf32>
      %swap3A_133 = arith.constant 0 : i32
      %swap3A_134 = arith.index_cast %swap3A_133 : i32 to index
      %swap3A_135 = arith.index_cast %mul3A_82 : i32 to index
      %swap3A_136 = tpu.vector_load %arg13[%swap3A_134, %swap3A_135] {strides = array<i32>} : memref<2x10000xf32, #tpu.memory_space<vmem>>, vector<16xf32>,
      tpu.vector_store %arg13[%swap3A_134, %swap3A_135], %mul3A_132 {strides = array<i32>} : memref<2x10000xf32, #tpu.memory_space<vmem>>, vector<16xf32>,
      %get3A_137 = arith.constant 1 : i32
      %get3A_138 = arith.index_cast %get3A_137 : i32 to index
      %get3A_139 = arith.index_cast %mul3A_82 : i32 to index
      %get3A_140 = tpu.vector_load %arg12[%get3A_138, %get3A_139] {strides = array<i32>} : memref<2x10000xf32, #tpu.memory_space<vmem>>, vector<16xf32>,
      %mul3A_141 = arith.mulf %get3A_140, %get3A_83 : vector<16xf32>
      %swap3A_142 = arith.constant 1 : i32
      %swap3A_143 = arith.index_cast %swap3A_142 : i32 to index
      %swap3A_144 = arith.index_cast %mul3A_82 : i32 to index
      %swap3A_145 = tpu.vector_load %arg12[%swap3A_143, %swap3A_144] {strides = array<i32>} : memref<2x10000xf32, #tpu.memory_space<vmem>>, vector<16xf32>,
      tpu.vector_store %arg12[%swap3A_143, %swap3A_144], %mul3A_141 {strides = array<i32>} : memref<2x10000xf32, #tpu.memory_space<vmem>>, vector<16xf32>,
      %get3A_146 = arith.constant 1 : i32
      %get3A_147 = arith.index_cast %get3A_146 : i32 to index
      %get3A_148 = arith.index_cast %mul3A_82 : i32 to index
      %get3A_149 = tpu.vector_load %arg13[%get3A_147, %get3A_148] {strides = array<i32>} : memref<2x10000xf32, #tpu.memory_space<vmem>>, vector<16xf32>,
      %mul3A_150 = arith.mulf %get3A_149, %get3A_83 : vector<16xf32>
      %swap3A_151 = arith.constant 1 : i32
      %swap3A_152 = arith.index_cast %swap3A_151 : i32 to index
      %swap3A_153 = arith.index_cast %mul3A_82 : i32 to index
      %swap3A_154 = tpu.vector_load %arg13[%swap3A_152, %swap3A_153] {strides = array<i32>} : memref<2x10000xf32, #tpu.memory_space<vmem>>, vector<16xf32>,
      tpu.vector_store %arg13[%swap3A_152, %swap3A_153], %mul3A_150 {strides = array<i32>} : memref<2x10000xf32, #tpu.memory_space<vmem>>, vector<16xf32>,
    }
    %scan3A_77 = arith.constant 625 : i32
    "tpu.region"() ({
      %run_scoped3A = tpu.sem_alloc : memref<!tpu.dma_semaphore, #tpu.memory_space<semaphore_mem>>
      %dma_start3A_80 = arith.constant 0 : i32
      %dma_start3A_81 = tpu.memref_slice %arg8[%add3A, %dma_start3A_80] : memref<128x10000xf32, #tpu.memory_space<hbm>> -> memref<4x10000xf32, #tpu.memory_space<hbm>>
      %dma_start3A_82 = arith.constant 0 : i32
      %dma_start3A_83 = tpu.memref_slice %arg8[%add3A, %dma_start3A_82] : memref<128x10000xf32, #tpu.memory_space<hbm>> -> memref<4x10000xf32, #tpu.memory_space<hbm>>
      tpu.enqueue_dma source(%arg11 : memref<4x10000xf32, #tpu.memory_space<vmem>>) target(%dma_start3A_83 : memref<4x10000xf32, #tpu.memory_space<hbm>>) target_semaphore(%run_scoped3A : memref<!tpu.dma_semaphore, #tpu.memory_space<semaphore_mem>>)
      %dma_wait3A = arith.constant 0 : i32
      %dma_wait3A_84 = tpu.memref_slice %arg8[%add3A, %dma_wait3A] : memref<128x10000xf32, #tpu.memory_space<hbm>> -> memref<4x10000xf32, #tpu.memory_space<hbm>>
      %dma_wait3A_85 = arith.constant 0 : i32
      %dma_wait3A_86 = tpu.memref_slice %arg8[%add3A, %dma_wait3A_85] : memref<128x10000xf32, #tpu.memory_space<hbm>> -> memref<4x10000xf32, #tpu.memory_space<hbm>>
      tpu.wait_dma2 semaphore(%run_scoped3A : memref<!tpu.dma_semaphore, #tpu.memory_space<semaphore_mem>>) src(%arg11 : memref<4x10000xf32, #tpu.memory_space<vmem>>) dst(%dma_wait3A_86 : memref<4x10000xf32, #tpu.memory_space<hbm>>)
      tpu.yield
    }) : () -> ()
    "tpu.region"() ({
      %run_scoped3A = tpu.sem_alloc : memref<!tpu.dma_semaphore, #tpu.memory_space<semaphore_mem>>
      %dma_start3A_80 = arith.constant 0 : i32
      %dma_start3A_81 = tpu.memref_slice %arg9[%add3A_12, %dma_start3A_80] : memref<128x10000xf32, #tpu.memory_space<hbm>> -> memref<2x10000xf32, #tpu.memory_space<hbm>>
      %dma_start3A_82 = arith.constant 0 : i32
      %dma_start3A_83 = tpu.memref_slice %arg9[%add3A_12, %dma_start3A_82] : memref<128x10000xf32, #tpu.memory_space<hbm>> -> memref<2x10000xf32, #tpu.memory_space<hbm>>
      tpu.enqueue_dma source(%arg12 : memref<2x10000xf32, #tpu.memory_space<vmem>>) target(%dma_start3A_83 : memref<2x10000xf32, #tpu.memory_space<hbm>>) target_semaphore(%run_scoped3A : memref<!tpu.dma_semaphore, #tpu.memory_space<semaphore_mem>>)
      %dma_wait3A = arith.constant 0 : i32
      %dma_wait3A_84 = tpu.memref_slice %arg9[%add3A_12, %dma_wait3A] : memref<128x10000xf32, #tpu.memory_space<hbm>> -> memref<2x10000xf32, #tpu.memory_space<hbm>>
      %dma_wait3A_85 = arith.constant 0 : i32
      %dma_wait3A_86 = tpu.memref_slice %arg9[%add3A_12, %dma_wait3A_85] : memref<128x10000xf32, #tpu.memory_space<hbm>> -> memref<2x10000xf32, #tpu.memory_space<hbm>>
      tpu.wait_dma2 semaphore(%run_scoped3A : memref<!tpu.dma_semaphore, #tpu.memory_space<semaphore_mem>>) src(%arg12 : memref<2x10000xf32, #tpu.memory_space<vmem>>) dst(%dma_wait3A_86 : memref<2x10000xf32, #tpu.memory_space<hbm>>)
      tpu.yield
    }) : () -> ()
    %add3A_78 = arith.constant 8 : i32
    %add3A_79 = arith.addi %add3A_12, %add3A_78 : i32
    "tpu.region"() ({
      %run_scoped3A = tpu.sem_alloc : memref<!tpu.dma_semaphore, #tpu.memory_space<semaphore_mem>>
      %dma_start3A_80 = arith.constant 0 : i32
      %dma_start3A_81 = tpu.memref_slice %arg9[%add3A_79, %dma_start3A_80] : memref<128x10000xf32, #tpu.memory_space<hbm>> -> memref<2x10000xf32, #tpu.memory_space<hbm>>
      %dma_start3A_82 = arith.constant 0 : i32
      %dma_start3A_83 = tpu.memref_slice %arg9[%add3A_79, %dma_start3A_82] : memref<128x10000xf32, #tpu.memory_space<hbm>> -> memref<2x10000xf32, #tpu.memory_space<hbm>>
      tpu.enqueue_dma source(%arg13 : memref<2x10000xf32, #tpu.memory_space<vmem>>) target(%dma_start3A_83 : memref<2x10000xf32, #tpu.memory_space<hbm>>) target_semaphore(%run_scoped3A : memref<!tpu.dma_semaphore, #tpu.memory_space<semaphore_mem>>)
      %dma_wait3A = arith.constant 0 : i32
      %dma_wait3A_84 = tpu.memref_slice %arg9[%add3A_79, %dma_wait3A] : memref<128x10000xf32, #tpu.memory_space<hbm>> -> memref<2x10000xf32, #tpu.memory_space<hbm>>
      %dma_wait3A_85 = arith.constant 0 : i32
      %dma_wait3A_86 = tpu.memref_slice %arg9[%add3A_79, %dma_wait3A_85] : memref<128x10000xf32, #tpu.memory_space<hbm>> -> memref<2x10000xf32, #tpu.memory_space<hbm>>
      tpu.wait_dma2 semaphore(%run_scoped3A : memref<!tpu.dma_semaphore, #tpu.memory_space<semaphore_mem>>) src(%arg13 : memref<2x10000xf32, #tpu.memory_space<vmem>>) dst(%dma_wait3A_86 : memref<2x10000xf32, #tpu.memory_space<hbm>>)
      tpu.yield
    }) : () -> ()
    return
  }
}

#map = affine_map<(d0, d1) -> (0, 0)>
#map1 = affine_map<(d0, d1) -> (0)>
#map2 = affine_map<(d0, d1) -> (0, 0, 0)>
module attributes {stable_mosaic.version = 14 : i64} {
  func.func @_sc_pass_a(%arg0: i32, %arg1: i32, %arg2: memref<16x10000xf32, #tpu.memory_space<hbm>>, %arg3: memref<8x320000xf32, #tpu.memory_space<hbm>>, %arg4: memref<320000xi32, #tpu.memory_space<hbm>>, %arg5: memref<320000xi32, #tpu.memory_space<hbm>>, %arg6: memref<8x320000xf32, #tpu.memory_space<hbm>>, %arg7: memref<2x16x10000xf32, #tpu.memory_space<hbm>>, %arg8: memref<10000xf32, #tpu.memory_space<vmem>>, %arg9: memref<10000xf32, #tpu.memory_space<vmem>>, %arg10: memref<10000xf32, #tpu.memory_space<vmem>>, %arg11: memref<1600xi32, #tpu.memory_space<vmem>>, %arg12: memref<1600xi32, #tpu.memory_space<vmem>>, %arg13: memref<1600xf32, #tpu.memory_space<vmem>>, %arg14: memref<1600xi32, #tpu.memory_space<vmem>>, %arg15: memref<1600xi32, #tpu.memory_space<vmem>>, %arg16: memref<1600xf32, #tpu.memory_space<vmem>>, %arg17: memref<1600xf32, #tpu.memory_space<vmem>>, %arg18: memref<!tpu.dma_semaphore, #tpu.memory_space<semaphore_mem>>, %arg19: memref<!tpu.dma_semaphore, #tpu.memory_space<semaphore_mem>>) attributes {dimension_semantics = [#tpu.dimension_semantics<core_parallel>, #tpu.dimension_semantics<subcore_parallel>], iteration_bounds = array<i64: 2, 16>, scalar_prefetch = 0 : i64, scratch_operands = 12 : i64, tpu.core_type = #tpu.core_type<sc_vector_subcore>, window_params = [{transform_indices = #map}, {transform_indices = #map}, {transform_indices = #map1}, {transform_indices = #map1}, {transform_indices = #map}, {transform_indices = #map2}]} {
    %mul3A = arith.constant 4 : i32
    %mul3A_0 = arith.muli %mul3A, %arg0 : i32
    %rem3A = arith.constant 4 : i32
    %rem3A_1 = arith.remsi %arg1, %rem3A : i32
    %add3A = arith.addi %mul3A_0, %rem3A_1 : i32
    %div3A = arith.constant 4 : i32
    %div3A_2 = arith.divsi %arg1, %div3A : i32
    "tpu.region"() ({
      %run_scoped3A = tpu.sem_alloc : memref<!tpu.dma_semaphore, #tpu.memory_space<semaphore_mem>>
      %dma_start3A_39 = arith.constant 0 : i32
      %dma_start3A_40 = tpu.memref_slice %arg2[%add3A, %dma_start3A_39] : memref<16x10000xf32, #tpu.memory_space<hbm>> -> memref<1x10000xf32, #tpu.memory_space<hbm>>
      %dma_start3A_41 = tpu.memref_squeeze %dma_start3A_40 : memref<1x10000xf32, #tpu.memory_space<hbm>> -> memref<10000xf32, #tpu.memory_space<hbm>>
      %dma_start3A_42 = arith.constant 0 : i32
      %dma_start3A_43 = tpu.memref_slice %arg2[%add3A, %dma_start3A_42] : memref<16x10000xf32, #tpu.memory_space<hbm>> -> memref<1x10000xf32, #tpu.memory_space<hbm>>
      %dma_start3A_44 = tpu.memref_squeeze %dma_start3A_43 : memref<1x10000xf32, #tpu.memory_space<hbm>> -> memref<10000xf32, #tpu.memory_space<hbm>>
      tpu.enqueue_dma source(%dma_start3A_44 : memref<10000xf32, #tpu.memory_space<hbm>>) target(%arg8 : memref<10000xf32, #tpu.memory_space<vmem>>) target_semaphore(%run_scoped3A : memref<!tpu.dma_semaphore, #tpu.memory_space<semaphore_mem>>)
      %dma_wait3A = arith.constant 0 : i32
      %dma_wait3A_45 = tpu.memref_slice %arg2[%add3A, %dma_wait3A] : memref<16x10000xf32, #tpu.memory_space<hbm>> -> memref<1x10000xf32, #tpu.memory_space<hbm>>
      %dma_wait3A_46 = tpu.memref_squeeze %dma_wait3A_45 : memref<1x10000xf32, #tpu.memory_space<hbm>> -> memref<10000xf32, #tpu.memory_space<hbm>>
      %dma_wait3A_47 = arith.constant 0 : i32
      %dma_wait3A_48 = tpu.memref_slice %arg2[%add3A, %dma_wait3A_47] : memref<16x10000xf32, #tpu.memory_space<hbm>> -> memref<1x10000xf32, #tpu.memory_space<hbm>>
      %dma_wait3A_49 = tpu.memref_squeeze %dma_wait3A_48 : memref<1x10000xf32, #tpu.memory_space<hbm>> -> memref<10000xf32, #tpu.memory_space<hbm>>
      tpu.wait_dma2 semaphore(%run_scoped3A : memref<!tpu.dma_semaphore, #tpu.memory_space<semaphore_mem>>) src(%dma_wait3A_49 : memref<10000xf32, #tpu.memory_space<hbm>>) dst(%arg8 : memref<10000xf32, #tpu.memory_space<vmem>>)
      tpu.yield
    }) : () -> ()
    %add3A_3 = arith.constant 8 : i32
    %add3A_4 = arith.addi %add3A_3, %add3A : i32
    "tpu.region"() ({
      %run_scoped3A = tpu.sem_alloc : memref<!tpu.dma_semaphore, #tpu.memory_space<semaphore_mem>>
      %dma_start3A_39 = arith.constant 0 : i32
      %dma_start3A_40 = tpu.memref_slice %arg2[%add3A_4, %dma_start3A_39] : memref<16x10000xf32, #tpu.memory_space<hbm>> -> memref<1x10000xf32, #tpu.memory_space<hbm>>
      %dma_start3A_41 = tpu.memref_squeeze %dma_start3A_40 : memref<1x10000xf32, #tpu.memory_space<hbm>> -> memref<10000xf32, #tpu.memory_space<hbm>>
      %dma_start3A_42 = arith.constant 0 : i32
      %dma_start3A_43 = tpu.memref_slice %arg2[%add3A_4, %dma_start3A_42] : memref<16x10000xf32, #tpu.memory_space<hbm>> -> memref<1x10000xf32, #tpu.memory_space<hbm>>
      %dma_start3A_44 = tpu.memref_squeeze %dma_start3A_43 : memref<1x10000xf32, #tpu.memory_space<hbm>> -> memref<10000xf32, #tpu.memory_space<hbm>>
      tpu.enqueue_dma source(%dma_start3A_44 : memref<10000xf32, #tpu.memory_space<hbm>>) target(%arg9 : memref<10000xf32, #tpu.memory_space<vmem>>) target_semaphore(%run_scoped3A : memref<!tpu.dma_semaphore, #tpu.memory_space<semaphore_mem>>)
      %dma_wait3A = arith.constant 0 : i32
      %dma_wait3A_45 = tpu.memref_slice %arg2[%add3A_4, %dma_wait3A] : memref<16x10000xf32, #tpu.memory_space<hbm>> -> memref<1x10000xf32, #tpu.memory_space<hbm>>
      %dma_wait3A_46 = tpu.memref_squeeze %dma_wait3A_45 : memref<1x10000xf32, #tpu.memory_space<hbm>> -> memref<10000xf32, #tpu.memory_space<hbm>>
      %dma_wait3A_47 = arith.constant 0 : i32
      %dma_wait3A_48 = tpu.memref_slice %arg2[%add3A_4, %dma_wait3A_47] : memref<16x10000xf32, #tpu.memory_space<hbm>> -> memref<1x10000xf32, #tpu.memory_space<hbm>>
      %dma_wait3A_49 = tpu.memref_squeeze %dma_wait3A_48 : memref<1x10000xf32, #tpu.memory_space<hbm>> -> memref<10000xf32, #tpu.memory_space<hbm>>
      tpu.wait_dma2 semaphore(%run_scoped3A : memref<!tpu.dma_semaphore, #tpu.memory_space<semaphore_mem>>) src(%dma_wait3A_49 : memref<10000xf32, #tpu.memory_space<hbm>>) dst(%arg9 : memref<10000xf32, #tpu.memory_space<vmem>>)
      tpu.yield
    }) : () -> ()
    %scan3A = arith.constant 0 : i32
    %scan3A_5 = arith.constant 0 : i32
    %scan3A_6 = arith.constant 625 : i32
    %scan3A_7 = arith.addi %scan3A_5, %scan3A_6 : i32
    %scan3A_8 = arith.constant 1 : i32
    scf.for %scan3A_39 = %scan3A_5 to %scan3A_7 step %scan3A_8  : i32 {
      %broadcast_in_dim3A = arith.constant 0.000000e+00 : f32
      %broadcast_in_dim3A_40 = vector.broadcast %broadcast_in_dim3A : f32 to vector<16xf32>
      %mul3A_41 = arith.constant 16 : i32
      %mul3A_42 = arith.muli %scan3A_39, %mul3A_41 : i32
      %swap3A = arith.index_cast %mul3A_42 : i32 to index
      %swap3A_43 = tpu.vector_load %arg10[%swap3A] {strides = array<i32>} : memref<10000xf32, #tpu.memory_space<vmem>>, vector<16xf32>,
      tpu.vector_store %arg10[%swap3A], %broadcast_in_dim3A_40 {strides = array<i32>} : memref<10000xf32, #tpu.memory_space<vmem>>, vector<16xf32>,
    }
    %scan3A_9 = arith.constant 625 : i32
    %mul3A_10 = arith.constant 80000 : i32
    %mul3A_11 = arith.muli %div3A_2, %mul3A_10 : i32
    %add3A_12 = arith.constant 0 : i32
    %add3A_13 = arith.addi %mul3A_11, %add3A_12 : i32
    %dma_start3A = tpu.memref_slice %arg4[%add3A_13] : memref<320000xi32, #tpu.memory_space<hbm>> -> memref<1600xi32, #tpu.memory_space<hbm>>
    %dma_start3A_14 = tpu.memref_slice %arg4[%add3A_13] : memref<320000xi32, #tpu.memory_space<hbm>> -> memref<1600xi32, #tpu.memory_space<hbm>>
    tpu.enqueue_dma source(%dma_start3A_14 : memref<1600xi32, #tpu.memory_space<hbm>>) target(%arg11 : memref<1600xi32, #tpu.memory_space<vmem>>) target_semaphore(%arg18 : memref<!tpu.dma_semaphore, #tpu.memory_space<semaphore_mem>>)
    %dma_start3A_15 = tpu.memref_slice %arg5[%add3A_13] : memref<320000xi32, #tpu.memory_space<hbm>> -> memref<1600xi32, #tpu.memory_space<hbm>>
    %dma_start3A_16 = tpu.memref_slice %arg5[%add3A_13] : memref<320000xi32, #tpu.memory_space<hbm>> -> memref<1600xi32, #tpu.memory_space<hbm>>
    tpu.enqueue_dma source(%dma_start3A_16 : memref<1600xi32, #tpu.memory_space<hbm>>) target(%arg12 : memref<1600xi32, #tpu.memory_space<vmem>>) target_semaphore(%arg18 : memref<!tpu.dma_semaphore, #tpu.memory_space<semaphore_mem>>)
    %dma_start3A_17 = tpu.memref_slice %arg3[%add3A, %add3A_13] : memref<8x320000xf32, #tpu.memory_space<hbm>> -> memref<1x1600xf32, #tpu.memory_space<hbm>>
    %dma_start3A_18 = tpu.memref_squeeze %dma_start3A_17 : memref<1x1600xf32, #tpu.memory_space<hbm>> -> memref<1600xf32, #tpu.memory_space<hbm>>
    %dma_start3A_19 = tpu.memref_slice %arg3[%add3A, %add3A_13] : memref<8x320000xf32, #tpu.memory_space<hbm>> -> memref<1x1600xf32, #tpu.memory_space<hbm>>
    %dma_start3A_20 = tpu.memref_squeeze %dma_start3A_19 : memref<1x1600xf32, #tpu.memory_space<hbm>> -> memref<1600xf32, #tpu.memory_space<hbm>>
    tpu.enqueue_dma source(%dma_start3A_20 : memref<1600xf32, #tpu.memory_space<hbm>>) target(%arg13 : memref<1600xf32, #tpu.memory_space<vmem>>) target_semaphore(%arg18 : memref<!tpu.dma_semaphore, #tpu.memory_space<semaphore_mem>>)
    %mul3A_21 = arith.constant 80000 : i32
    %mul3A_22 = arith.muli %div3A_2, %mul3A_21 : i32
    %add3A_23 = arith.constant 1600 : i32
    %add3A_24 = arith.addi %mul3A_22, %add3A_23 : i32
    %dma_start3A_25 = tpu.memref_slice %arg4[%add3A_24] : memref<320000xi32, #tpu.memory_space<hbm>> -> memref<1600xi32, #tpu.memory_space<hbm>>
    %dma_start3A_26 = tpu.memref_slice %arg4[%add3A_24] : memref<320000xi32, #tpu.memory_space<hbm>> -> memref<1600xi32, #tpu.memory_space<hbm>>
    tpu.enqueue_dma source(%dma_start3A_26 : memref<1600xi32, #tpu.memory_space<hbm>>) target(%arg14 : memref<1600xi32, #tpu.memory_space<vmem>>) target_semaphore(%arg19 : memref<!tpu.dma_semaphore, #tpu.memory_space<semaphore_mem>>)
    %dma_start3A_27 = tpu.memref_slice %arg5[%add3A_24] : memref<320000xi32, #tpu.memory_space<hbm>> -> memref<1600xi32, #tpu.memory_space<hbm>>
    %dma_start3A_28 = tpu.memref_slice %arg5[%add3A_24] : memref<320000xi32, #tpu.memory_space<hbm>> -> memref<1600xi32, #tpu.memory_space<hbm>>
    tpu.enqueue_dma source(%dma_start3A_28 : memref<1600xi32, #tpu.memory_space<hbm>>) target(%arg15 : memref<1600xi32, #tpu.memory_space<vmem>>) target_semaphore(%arg19 : memref<!tpu.dma_semaphore, #tpu.memory_space<semaphore_mem>>)
    %dma_start3A_29 = tpu.memref_slice %arg3[%add3A, %add3A_24] : memref<8x320000xf32, #tpu.memory_space<hbm>> -> memref<1x1600xf32, #tpu.memory_space<hbm>>
    %dma_start3A_30 = tpu.memref_squeeze %dma_start3A_29 : memref<1x1600xf32, #tpu.memory_space<hbm>> -> memref<1600xf32, #tpu.memory_space<hbm>>
    %dma_start3A_31 = tpu.memref_slice %arg3[%add3A, %add3A_24] : memref<8x320000xf32, #tpu.memory_space<hbm>> -> memref<1x1600xf32, #tpu.memory_space<hbm>>
    %dma_start3A_32 = tpu.memref_squeeze %dma_start3A_31 : memref<1x1600xf32, #tpu.memory_space<hbm>> -> memref<1600xf32, #tpu.memory_space<hbm>>
    tpu.enqueue_dma source(%dma_start3A_32 : memref<1600xf32, #tpu.memory_space<hbm>>) target(%arg16 : memref<1600xf32, #tpu.memory_space<vmem>>) target_semaphore(%arg19 : memref<!tpu.dma_semaphore, #tpu.memory_space<semaphore_mem>>)
    %scan3A_33 = arith.constant 0 : i32
    %scan3A_34 = arith.constant 0 : i32
    %scan3A_35 = arith.constant 25 : i32
    %scan3A_36 = arith.addi %scan3A_34, %scan3A_35 : i32
    %scan3A_37 = arith.constant 1 : i32
    scf.for %scan3A_39 = %scan3A_34 to %scan3A_36 step %scan3A_37  : i32 {
      %mul3A_40 = arith.constant 2 : i32
      %mul3A_41 = arith.muli %mul3A_40, %scan3A_39 : i32
      %add3A_42 = arith.constant 0 : i32
      %add3A_43 = arith.addi %mul3A_41, %add3A_42 : i32
      %dma_wait3A = arith.constant 0 : i32
      %dma_wait3A_44 = tpu.memref_slice %arg4[%dma_wait3A] : memref<320000xi32, #tpu.memory_space<hbm>> -> memref<1600xi32, #tpu.memory_space<hbm>>
      %dma_wait3A_45 = arith.constant 0 : i32
      %dma_wait3A_46 = tpu.memref_slice %arg4[%dma_wait3A_45] : memref<320000xi32, #tpu.memory_space<hbm>> -> memref<1600xi32, #tpu.memory_space<hbm>>
      tpu.wait_dma2 semaphore(%arg18 : memref<!tpu.dma_semaphore, #tpu.memory_space<semaphore_mem>>) src(%dma_wait3A_46 : memref<1600xi32, #tpu.memory_space<hbm>>) dst(%arg11 : memref<1600xi32, #tpu.memory_space<vmem>>)
      %dma_wait3A_47 = arith.constant 0 : i32
      %dma_wait3A_48 = tpu.memref_slice %arg5[%dma_wait3A_47] : memref<320000xi32, #tpu.memory_space<hbm>> -> memref<1600xi32, #tpu.memory_space<hbm>>
      %dma_wait3A_49 = arith.constant 0 : i32
      %dma_wait3A_50 = tpu.memref_slice %arg5[%dma_wait3A_49] : memref<320000xi32, #tpu.memory_space<hbm>> -> memref<1600xi32, #tpu.memory_space<hbm>>
      tpu.wait_dma2 semaphore(%arg18 : memref<!tpu.dma_semaphore, #tpu.memory_space<semaphore_mem>>) src(%dma_wait3A_50 : memref<1600xi32, #tpu.memory_space<hbm>>) dst(%arg12 : memref<1600xi32, #tpu.memory_space<vmem>>)
      %dma_wait3A_51 = arith.constant 0 : i32
      %dma_wait3A_52 = arith.constant 0 : i32
      %dma_wait3A_53 = tpu.memref_slice %arg3[%dma_wait3A_51, %dma_wait3A_52] : memref<8x320000xf32, #tpu.memory_space<hbm>> -> memref<1x1600xf32, #tpu.memory_space<hbm>>
      %dma_wait3A_54 = tpu.memref_squeeze %dma_wait3A_53 : memref<1x1600xf32, #tpu.memory_space<hbm>> -> memref<1600xf32, #tpu.memory_space<hbm>>
      %dma_wait3A_55 = arith.constant 0 : i32
      %dma_wait3A_56 = tpu.memref_slice %arg3[%dma_wait3A_51, %dma_wait3A_55] : memref<8x320000xf32, #tpu.memory_space<hbm>> -> memref<1x1600xf32, #tpu.memory_space<hbm>>
      %dma_wait3A_57 = tpu.memref_squeeze %dma_wait3A_56 : memref<1x1600xf32, #tpu.memory_space<hbm>> -> memref<1600xf32, #tpu.memory_space<hbm>>
      tpu.wait_dma2 semaphore(%arg18 : memref<!tpu.dma_semaphore, #tpu.memory_space<semaphore_mem>>) src(%dma_wait3A_57 : memref<1600xf32, #tpu.memory_space<hbm>>) dst(%arg13 : memref<1600xf32, #tpu.memory_space<vmem>>)
      %scan3A_58 = arith.constant 0 : i32
      %scan3A_59 = arith.constant 0 : i32
      %scan3A_60 = arith.constant 25 : i32
      %scan3A_61 = arith.addi %scan3A_59, %scan3A_60 : i32
      %scan3A_62 = arith.constant 1 : i32
      scf.for %scan3A_110 = %scan3A_59 to %scan3A_61 step %scan3A_62  : i32 {
        %mul3A_111 = arith.constant 4 : i32
        %mul3A_112 = arith.muli %scan3A_110, %mul3A_111 : i32
        %add3A_113 = arith.constant 0 : i32
        %add3A_114 = arith.addi %mul3A_112, %add3A_113 : i32
        %mul3A_115 = arith.constant 16 : i32
        %mul3A_116 = arith.muli %add3A_114, %mul3A_115 : i32
        %get3A = arith.index_cast %mul3A_116 : i32 to index
        %get3A_117 = tpu.vector_load %arg11[%get3A] {strides = array<i32>} : memref<1600xi32, #tpu.memory_space<vmem>>, vector<16xi32>,
        %get3A_118 = arith.index_cast %mul3A_116 : i32 to index
        %get3A_119 = tpu.vector_load %arg12[%get3A_118] {strides = array<i32>} : memref<1600xi32, #tpu.memory_space<vmem>>, vector<16xi32>,
        %get3A_120 = arith.index_cast %mul3A_116 : i32 to index
        %get3A_121 = tpu.vector_load %arg13[%get3A_120] {strides = array<i32>} : memref<1600xf32, #tpu.memory_space<vmem>>, vector<16xf32>,
        %gather3A = tpu.vector_load_idx %arg8[%get3A_117] : memref<10000xf32, #tpu.memory_space<vmem>>[vector<16xi32>], vector<16xf32>,
        %gather3A_122 = tpu.vector_load_idx %arg9[%get3A_119] : memref<10000xf32, #tpu.memory_space<vmem>>[vector<16xi32>], vector<16xf32>,
        %mul3A_123 = arith.constant 4 : i32
        %mul3A_124 = arith.muli %scan3A_110, %mul3A_123 : i32
        %add3A_125 = arith.constant 1 : i32
        %add3A_126 = arith.addi %mul3A_124, %add3A_125 : i32
        %mul3A_127 = arith.constant 16 : i32
        %mul3A_128 = arith.muli %add3A_126, %mul3A_127 : i32
        %get3A_129 = arith.index_cast %mul3A_128 : i32 to index
        %get3A_130 = tpu.vector_load %arg11[%get3A_129] {strides = array<i32>} : memref<1600xi32, #tpu.memory_space<vmem>>, vector<16xi32>,
        %get3A_131 = arith.index_cast %mul3A_128 : i32 to index
        %get3A_132 = tpu.vector_load %arg12[%get3A_131] {strides = array<i32>} : memref<1600xi32, #tpu.memory_space<vmem>>, vector<16xi32>,
        %get3A_133 = arith.index_cast %mul3A_128 : i32 to index
        %get3A_134 = tpu.vector_load %arg13[%get3A_133] {strides = array<i32>} : memref<1600xf32, #tpu.memory_space<vmem>>, vector<16xf32>,
        %gather3A_135 = tpu.vector_load_idx %arg8[%get3A_130] : memref<10000xf32, #tpu.memory_space<vmem>>[vector<16xi32>], vector<16xf32>,
        %gather3A_136 = tpu.vector_load_idx %arg9[%get3A_132] : memref<10000xf32, #tpu.memory_space<vmem>>[vector<16xi32>], vector<16xf32>,
        %mul3A_137 = arith.constant 4 : i32
        %mul3A_138 = arith.muli %scan3A_110, %mul3A_137 : i32
        %add3A_139 = arith.constant 2 : i32
        %add3A_140 = arith.addi %mul3A_138, %add3A_139 : i32
        %mul3A_141 = arith.constant 16 : i32
        %mul3A_142 = arith.muli %add3A_140, %mul3A_141 : i32
        %get3A_143 = arith.index_cast %mul3A_142 : i32 to index
        %get3A_144 = tpu.vector_load %arg11[%get3A_143] {strides = array<i32>} : memref<1600xi32, #tpu.memory_space<vmem>>, vector<16xi32>,
        %get3A_145 = arith.index_cast %mul3A_142 : i32 to index
        %get3A_146 = tpu.vector_load %arg12[%get3A_145] {strides = array<i32>} : memref<1600xi32, #tpu.memory_space<vmem>>, vector<16xi32>,
        %get3A_147 = arith.index_cast %mul3A_142 : i32 to index
        %get3A_148 = tpu.vector_load %arg13[%get3A_147] {strides = array<i32>} : memref<1600xf32, #tpu.memory_space<vmem>>, vector<16xf32>,
        %gather3A_149 = tpu.vector_load_idx %arg8[%get3A_144] : memref<10000xf32, #tpu.memory_space<vmem>>[vector<16xi32>], vector<16xf32>,
        %gather3A_150 = tpu.vector_load_idx %arg9[%get3A_146] : memref<10000xf32, #tpu.memory_space<vmem>>[vector<16xi32>], vector<16xf32>,
        %mul3A_151 = arith.constant 4 : i32
        %mul3A_152 = arith.muli %scan3A_110, %mul3A_151 : i32
        %add3A_153 = arith.constant 3 : i32
        %add3A_154 = arith.addi %mul3A_152, %add3A_153 : i32
        %mul3A_155 = arith.constant 16 : i32
        %mul3A_156 = arith.muli %add3A_154, %mul3A_155 : i32
        %get3A_157 = arith.index_cast %mul3A_156 : i32 to index
        %get3A_158 = tpu.vector_load %arg11[%get3A_157] {strides = array<i32>} : memref<1600xi32, #tpu.memory_space<vmem>>, vector<16xi32>,
        %get3A_159 = arith.index_cast %mul3A_156 : i32 to index
        %get3A_160 = tpu.vector_load %arg12[%get3A_159] {strides = array<i32>} : memref<1600xi32, #tpu.memory_space<vmem>>, vector<16xi32>,
        %get3A_161 = arith.index_cast %mul3A_156 : i32 to index
        %get3A_162 = tpu.vector_load %arg13[%get3A_161] {strides = array<i32>} : memref<1600xf32, #tpu.memory_space<vmem>>, vector<16xf32>,
        %gather3A_163 = tpu.vector_load_idx %arg8[%get3A_158] : memref<10000xf32, #tpu.memory_space<vmem>>[vector<16xi32>], vector<16xf32>,
        %gather3A_164 = tpu.vector_load_idx %arg9[%get3A_160] : memref<10000xf32, #tpu.memory_space<vmem>>[vector<16xi32>], vector<16xf32>,
        %mul3A_165 = arith.constant 4 : i32
        %mul3A_166 = arith.muli %scan3A_110, %mul3A_165 : i32
        %add3A_167 = arith.constant 0 : i32
        %add3A_168 = arith.addi %mul3A_166, %add3A_167 : i32
        %mul3A_169 = arith.constant 16 : i32
        %mul3A_170 = arith.muli %add3A_168, %mul3A_169 : i32
        %add3A_171 = arith.addf %gather3A, %gather3A_122 : vector<16xf32>
        %add3A_172 = arith.addf %add3A_171, %get3A_121 : vector<16xf32>
        %mul3A_173 = arith.constant 2.000000e-01 : f32
        %mul3A_174 = vector.broadcast %mul3A_173 : f32 to vector<16xf32>
        %mul3A_175 = arith.mulf %mul3A_174, %add3A_172 : vector<16xf32>
        %max3A = arith.maximumf %add3A_172, %mul3A_175 : vector<16xf32>
        %exp3A = math.exp %max3A : vector<16xf32>
        %swap3A = arith.index_cast %mul3A_170 : i32 to index
        %swap3A_176 = tpu.vector_load %arg17[%swap3A] {strides = array<i32>} : memref<1600xf32, #tpu.memory_space<vmem>>, vector<16xf32>,
        tpu.vector_store %arg17[%swap3A], %exp3A {strides = array<i32>} : memref<1600xf32, #tpu.memory_space<vmem>>, vector<16xf32>,
        tpu.vector_store_idx %arg10[%get3A_119], %exp3A {add = true} : memref<10000xf32, #tpu.memory_space<vmem>>[vector<16xi32>], vector<16xf32>,
        %mul3A_177 = arith.constant 4 : i32
        %mul3A_178 = arith.muli %scan3A_110, %mul3A_177 : i32
        %add3A_179 = arith.constant 1 : i32
        %add3A_180 = arith.addi %mul3A_178, %add3A_179 : i32
        %mul3A_181 = arith.constant 16 : i32
        %mul3A_182 = arith.muli %add3A_180, %mul3A_181 : i32
        %add3A_183 = arith.addf %gather3A_135, %gather3A_136 : vector<16xf32>
        %add3A_184 = arith.addf %add3A_183, %get3A_134 : vector<16xf32>
        %mul3A_185 = arith.constant 2.000000e-01 : f32
        %mul3A_186 = vector.broadcast %mul3A_185 : f32 to vector<16xf32>
        %mul3A_187 = arith.mulf %mul3A_186, %add3A_184 : vector<16xf32>
        %max3A_188 = arith.maximumf %add3A_184, %mul3A_187 : vector<16xf32>
        %exp3A_189 = math.exp %max3A_188 : vector<16xf32>
        %swap3A_190 = arith.index_cast %mul3A_182 : i32 to index
        %swap3A_191 = tpu.vector_load %arg17[%swap3A_190] {strides = array<i32>} : memref<1600xf32, #tpu.memory_space<vmem>>, vector<16xf32>,
        tpu.vector_store %arg17[%swap3A_190], %exp3A_189 {strides = array<i32>} : memref<1600xf32, #tpu.memory_space<vmem>>, vector<16xf32>,
        tpu.vector_store_idx %arg10[%get3A_132], %exp3A_189 {add = true} : memref<10000xf32, #tpu.memory_space<vmem>>[vector<16xi32>], vector<16xf32>,
        %mul3A_192 = arith.constant 4 : i32
        %mul3A_193 = arith.muli %scan3A_110, %mul3A_192 : i32
        %add3A_194 = arith.constant 2 : i32
        %add3A_195 = arith.addi %mul3A_193, %add3A_194 : i32
        %mul3A_196 = arith.constant 16 : i32
        %mul3A_197 = arith.muli %add3A_195, %mul3A_196 : i32
        %add3A_198 = arith.addf %gather3A_149, %gather3A_150 : vector<16xf32>
        %add3A_199 = arith.addf %add3A_198, %get3A_148 : vector<16xf32>
        %mul3A_200 = arith.constant 2.000000e-01 : f32
        %mul3A_201 = vector.broadcast %mul3A_200 : f32 to vector<16xf32>
        %mul3A_202 = arith.mulf %mul3A_201, %add3A_199 : vector<16xf32>
        %max3A_203 = arith.maximumf %add3A_199, %mul3A_202 : vector<16xf32>
        %exp3A_204 = math.exp %max3A_203 : vector<16xf32>
        %swap3A_205 = arith.index_cast %mul3A_197 : i32 to index
        %swap3A_206 = tpu.vector_load %arg17[%swap3A_205] {strides = array<i32>} : memref<1600xf32, #tpu.memory_space<vmem>>, vector<16xf32>,
        tpu.vector_store %arg17[%swap3A_205], %exp3A_204 {strides = array<i32>} : memref<1600xf32, #tpu.memory_space<vmem>>, vector<16xf32>,
        tpu.vector_store_idx %arg10[%get3A_146], %exp3A_204 {add = true} : memref<10000xf32, #tpu.memory_space<vmem>>[vector<16xi32>], vector<16xf32>,
        %mul3A_207 = arith.constant 4 : i32
        %mul3A_208 = arith.muli %scan3A_110, %mul3A_207 : i32
        %add3A_209 = arith.constant 3 : i32
        %add3A_210 = arith.addi %mul3A_208, %add3A_209 : i32
        %mul3A_211 = arith.constant 16 : i32
        %mul3A_212 = arith.muli %add3A_210, %mul3A_211 : i32
        %add3A_213 = arith.addf %gather3A_163, %gather3A_164 : vector<16xf32>
        %add3A_214 = arith.addf %add3A_213, %get3A_162 : vector<16xf32>
        %mul3A_215 = arith.constant 2.000000e-01 : f32
        %mul3A_216 = vector.broadcast %mul3A_215 : f32 to vector<16xf32>
        %mul3A_217 = arith.mulf %mul3A_216, %add3A_214 : vector<16xf32>
        %max3A_218 = arith.maximumf %add3A_214, %mul3A_217 : vector<16xf32>
        %exp3A_219 = math.exp %max3A_218 : vector<16xf32>
        %swap3A_220 = arith.index_cast %mul3A_212 : i32 to index
        %swap3A_221 = tpu.vector_load %arg17[%swap3A_220] {strides = array<i32>} : memref<1600xf32, #tpu.memory_space<vmem>>, vector<16xf32>,
        tpu.vector_store %arg17[%swap3A_220], %exp3A_219 {strides = array<i32>} : memref<1600xf32, #tpu.memory_space<vmem>>, vector<16xf32>,
        tpu.vector_store_idx %arg10[%get3A_160], %exp3A_219 {add = true} : memref<10000xf32, #tpu.memory_space<vmem>>[vector<16xi32>], vector<16xf32>,
      }
      %scan3A_63 = arith.constant 25 : i32
      %mul3A_64 = arith.constant 80000 : i32
      %mul3A_65 = arith.muli %div3A_2, %mul3A_64 : i32
      %mul3A_66 = arith.constant 1600 : i32
      %mul3A_67 = arith.muli %add3A_43, %mul3A_66 : i32
      %add3A_68 = arith.addi %mul3A_65, %mul3A_67 : i32
      "tpu.region"() ({
        %run_scoped3A = tpu.sem_alloc : memref<!tpu.dma_semaphore, #tpu.memory_space<semaphore_mem>>
        %dma_start3A_110 = tpu.memref_slice %arg6[%add3A, %add3A_68] : memref<8x320000xf32, #tpu.memory_space<hbm>> -> memref<1x1600xf32, #tpu.memory_space<hbm>>
        %dma_start3A_111 = tpu.memref_squeeze %dma_start3A_110 : memref<1x1600xf32, #tpu.memory_space<hbm>> -> memref<1600xf32, #tpu.memory_space<hbm>>
        %dma_start3A_112 = tpu.memref_slice %arg6[%add3A, %add3A_68] : memref<8x320000xf32, #tpu.memory_space<hbm>> -> memref<1x1600xf32, #tpu.memory_space<hbm>>
        %dma_start3A_113 = tpu.memref_squeeze %dma_start3A_112 : memref<1x1600xf32, #tpu.memory_space<hbm>> -> memref<1600xf32, #tpu.memory_space<hbm>>
        tpu.enqueue_dma source(%arg17 : memref<1600xf32, #tpu.memory_space<vmem>>) target(%dma_start3A_113 : memref<1600xf32, #tpu.memory_space<hbm>>) target_semaphore(%run_scoped3A : memref<!tpu.dma_semaphore, #tpu.memory_space<semaphore_mem>>)
        %dma_wait3A_114 = tpu.memref_slice %arg6[%add3A, %add3A_68] : memref<8x320000xf32, #tpu.memory_space<hbm>> -> memref<1x1600xf32, #tpu.memory_space<hbm>>
        %dma_wait3A_115 = tpu.memref_squeeze %dma_wait3A_114 : memref<1x1600xf32, #tpu.memory_space<hbm>> -> memref<1600xf32, #tpu.memory_space<hbm>>
        %dma_wait3A_116 = tpu.memref_slice %arg6[%add3A, %add3A_68] : memref<8x320000xf32, #tpu.memory_space<hbm>> -> memref<1x1600xf32, #tpu.memory_space<hbm>>
        %dma_wait3A_117 = tpu.memref_squeeze %dma_wait3A_116 : memref<1x1600xf32, #tpu.memory_space<hbm>> -> memref<1600xf32, #tpu.memory_space<hbm>>
        tpu.wait_dma2 semaphore(%run_scoped3A : memref<!tpu.dma_semaphore, #tpu.memory_space<semaphore_mem>>) src(%arg17 : memref<1600xf32, #tpu.memory_space<vmem>>) dst(%dma_wait3A_117 : memref<1600xf32, #tpu.memory_space<hbm>>)
        tpu.yield
      }) : () -> ()
      %add3A_69 = arith.constant 2 : i32
      %add3A_70 = arith.addi %add3A_43, %add3A_69 : i32
      %lt3A = arith.constant 50 : i32
      %lt3A_71 = arith.cmpi slt, %add3A_70, %lt3A : i32
      %convert_element_type3A = arith.extui %lt3A_71 : i1 to i32
      %cond3A = arith.constant 0 : i32
      %cond3A_72 = arith.cmpi ne, %convert_element_type3A, %cond3A : i32
      scf.if %cond3A_72 {
        %add3A_110 = arith.constant 2 : i32
        %add3A_111 = arith.addi %add3A_43, %add3A_110 : i32
        %mul3A_112 = arith.constant 80000 : i32
        %mul3A_113 = arith.muli %div3A_2, %mul3A_112 : i32
        %mul3A_114 = arith.constant 1600 : i32
        %mul3A_115 = arith.muli %add3A_111, %mul3A_114 : i32
        %add3A_116 = arith.addi %mul3A_113, %mul3A_115 : i32
        %dma_start3A_117 = tpu.memref_slice %arg4[%add3A_116] : memref<320000xi32, #tpu.memory_space<hbm>> -> memref<1600xi32, #tpu.memory_space<hbm>>
        %dma_start3A_118 = tpu.memref_slice %arg4[%add3A_116] : memref<320000xi32, #tpu.memory_space<hbm>> -> memref<1600xi32, #tpu.memory_space<hbm>>
        tpu.enqueue_dma source(%dma_start3A_118 : memref<1600xi32, #tpu.memory_space<hbm>>) target(%arg11 : memref<1600xi32, #tpu.memory_space<vmem>>) target_semaphore(%arg18 : memref<!tpu.dma_semaphore, #tpu.memory_space<semaphore_mem>>)
        %dma_start3A_119 = tpu.memref_slice %arg5[%add3A_116] : memref<320000xi32, #tpu.memory_space<hbm>> -> memref<1600xi32, #tpu.memory_space<hbm>>
        %dma_start3A_120 = tpu.memref_slice %arg5[%add3A_116] : memref<320000xi32, #tpu.memory_space<hbm>> -> memref<1600xi32, #tpu.memory_space<hbm>>
        tpu.enqueue_dma source(%dma_start3A_120 : memref<1600xi32, #tpu.memory_space<hbm>>) target(%arg12 : memref<1600xi32, #tpu.memory_space<vmem>>) target_semaphore(%arg18 : memref<!tpu.dma_semaphore, #tpu.memory_space<semaphore_mem>>)
        %dma_start3A_121 = tpu.memref_slice %arg3[%add3A, %add3A_116] : memref<8x320000xf32, #tpu.memory_space<hbm>> -> memref<1x1600xf32, #tpu.memory_space<hbm>>
        %dma_start3A_122 = tpu.memref_squeeze %dma_start3A_121 : memref<1x1600xf32, #tpu.memory_space<hbm>> -> memref<1600xf32, #tpu.memory_space<hbm>>
        %dma_start3A_123 = tpu.memref_slice %arg3[%add3A, %add3A_116] : memref<8x320000xf32, #tpu.memory_space<hbm>> -> memref<1x1600xf32, #tpu.memory_space<hbm>>
        %dma_start3A_124 = tpu.memref_squeeze %dma_start3A_123 : memref<1x1600xf32, #tpu.memory_space<hbm>> -> memref<1600xf32, #tpu.memory_space<hbm>>
        tpu.enqueue_dma source(%dma_start3A_124 : memref<1600xf32, #tpu.memory_space<hbm>>) target(%arg13 : memref<1600xf32, #tpu.memory_space<vmem>>) target_semaphore(%arg18 : memref<!tpu.dma_semaphore, #tpu.memory_space<semaphore_mem>>)
      } else {
      }
      %mul3A_73 = arith.constant 2 : i32
      %mul3A_74 = arith.muli %mul3A_73, %scan3A_39 : i32
      %add3A_75 = arith.constant 1 : i32
      %add3A_76 = arith.addi %mul3A_74, %add3A_75 : i32
      %dma_wait3A_77 = arith.constant 0 : i32
      %dma_wait3A_78 = tpu.memref_slice %arg4[%dma_wait3A_77] : memref<320000xi32, #tpu.memory_space<hbm>> -> memref<1600xi32, #tpu.memory_space<hbm>>
      %dma_wait3A_79 = arith.constant 0 : i32
      %dma_wait3A_80 = tpu.memref_slice %arg4[%dma_wait3A_79] : memref<320000xi32, #tpu.memory_space<hbm>> -> memref<1600xi32, #tpu.memory_space<hbm>>
      tpu.wait_dma2 semaphore(%arg19 : memref<!tpu.dma_semaphore, #tpu.memory_space<semaphore_mem>>) src(%dma_wait3A_80 : memref<1600xi32, #tpu.memory_space<hbm>>) dst(%arg14 : memref<1600xi32, #tpu.memory_space<vmem>>)
      %dma_wait3A_81 = arith.constant 0 : i32
      %dma_wait3A_82 = tpu.memref_slice %arg5[%dma_wait3A_81] : memref<320000xi32, #tpu.memory_space<hbm>> -> memref<1600xi32, #tpu.memory_space<hbm>>
      %dma_wait3A_83 = arith.constant 0 : i32
      %dma_wait3A_84 = tpu.memref_slice %arg5[%dma_wait3A_83] : memref<320000xi32, #tpu.memory_space<hbm>> -> memref<1600xi32, #tpu.memory_space<hbm>>
      tpu.wait_dma2 semaphore(%arg19 : memref<!tpu.dma_semaphore, #tpu.memory_space<semaphore_mem>>) src(%dma_wait3A_84 : memref<1600xi32, #tpu.memory_space<hbm>>) dst(%arg15 : memref<1600xi32, #tpu.memory_space<vmem>>)
      %dma_wait3A_85 = arith.constant 0 : i32
      %dma_wait3A_86 = arith.constant 0 : i32
      %dma_wait3A_87 = tpu.memref_slice %arg3[%dma_wait3A_85, %dma_wait3A_86] : memref<8x320000xf32, #tpu.memory_space<hbm>> -> memref<1x1600xf32, #tpu.memory_space<hbm>>
      %dma_wait3A_88 = tpu.memref_squeeze %dma_wait3A_87 : memref<1x1600xf32, #tpu.memory_space<hbm>> -> memref<1600xf32, #tpu.memory_space<hbm>>
      %dma_wait3A_89 = arith.constant 0 : i32
      %dma_wait3A_90 = tpu.memref_slice %arg3[%dma_wait3A_85, %dma_wait3A_89] : memref<8x320000xf32, #tpu.memory_space<hbm>> -> memref<1x1600xf32, #tpu.memory_space<hbm>>
      %dma_wait3A_91 = tpu.memref_squeeze %dma_wait3A_90 : memref<1x1600xf32, #tpu.memory_space<hbm>> -> memref<1600xf32, #tpu.memory_space<hbm>>
      tpu.wait_dma2 semaphore(%arg19 : memref<!tpu.dma_semaphore, #tpu.memory_space<semaphore_mem>>) src(%dma_wait3A_91 : memref<1600xf32, #tpu.memory_space<hbm>>) dst(%arg16 : memref<1600xf32, #tpu.memory_space<vmem>>)
      %scan3A_92 = arith.constant 0 : i32
      %scan3A_93 = arith.constant 0 : i32
      %scan3A_94 = arith.constant 25 : i32
      %scan3A_95 = arith.addi %scan3A_93, %scan3A_94 : i32
      %scan3A_96 = arith.constant 1 : i32
      scf.for %scan3A_110 = %scan3A_93 to %scan3A_95 step %scan3A_96  : i32 {
        %mul3A_111 = arith.constant 4 : i32
        %mul3A_112 = arith.muli %scan3A_110, %mul3A_111 : i32
        %add3A_113 = arith.constant 0 : i32
        %add3A_114 = arith.addi %mul3A_112, %add3A_113 : i32
        %mul3A_115 = arith.constant 16 : i32
        %mul3A_116 = arith.muli %add3A_114, %mul3A_115 : i32
        %get3A = arith.index_cast %mul3A_116 : i32 to index
        %get3A_117 = tpu.vector_load %arg14[%get3A] {strides = array<i32>} : memref<1600xi32, #tpu.memory_space<vmem>>, vector<16xi32>,
        %get3A_118 = arith.index_cast %mul3A_116 : i32 to index
        %get3A_119 = tpu.vector_load %arg15[%get3A_118] {strides = array<i32>} : memref<1600xi32, #tpu.memory_space<vmem>>, vector<16xi32>,
        %get3A_120 = arith.index_cast %mul3A_116 : i32 to index
        %get3A_121 = tpu.vector_load %arg16[%get3A_120] {strides = array<i32>} : memref<1600xf32, #tpu.memory_space<vmem>>, vector<16xf32>,
        %gather3A = tpu.vector_load_idx %arg8[%get3A_117] : memref<10000xf32, #tpu.memory_space<vmem>>[vector<16xi32>], vector<16xf32>,
        %gather3A_122 = tpu.vector_load_idx %arg9[%get3A_119] : memref<10000xf32, #tpu.memory_space<vmem>>[vector<16xi32>], vector<16xf32>,
        %mul3A_123 = arith.constant 4 : i32
        %mul3A_124 = arith.muli %scan3A_110, %mul3A_123 : i32
        %add3A_125 = arith.constant 1 : i32
        %add3A_126 = arith.addi %mul3A_124, %add3A_125 : i32
        %mul3A_127 = arith.constant 16 : i32
        %mul3A_128 = arith.muli %add3A_126, %mul3A_127 : i32
        %get3A_129 = arith.index_cast %mul3A_128 : i32 to index
        %get3A_130 = tpu.vector_load %arg14[%get3A_129] {strides = array<i32>} : memref<1600xi32, #tpu.memory_space<vmem>>, vector<16xi32>,
        %get3A_131 = arith.index_cast %mul3A_128 : i32 to index
        %get3A_132 = tpu.vector_load %arg15[%get3A_131] {strides = array<i32>} : memref<1600xi32, #tpu.memory_space<vmem>>, vector<16xi32>,
        %get3A_133 = arith.index_cast %mul3A_128 : i32 to index
        %get3A_134 = tpu.vector_load %arg16[%get3A_133] {strides = array<i32>} : memref<1600xf32, #tpu.memory_space<vmem>>, vector<16xf32>,
        %gather3A_135 = tpu.vector_load_idx %arg8[%get3A_130] : memref<10000xf32, #tpu.memory_space<vmem>>[vector<16xi32>], vector<16xf32>,
        %gather3A_136 = tpu.vector_load_idx %arg9[%get3A_132] : memref<10000xf32, #tpu.memory_space<vmem>>[vector<16xi32>], vector<16xf32>,
        %mul3A_137 = arith.constant 4 : i32
        %mul3A_138 = arith.muli %scan3A_110, %mul3A_137 : i32
        %add3A_139 = arith.constant 2 : i32
        %add3A_140 = arith.addi %mul3A_138, %add3A_139 : i32
        %mul3A_141 = arith.constant 16 : i32
        %mul3A_142 = arith.muli %add3A_140, %mul3A_141 : i32
        %get3A_143 = arith.index_cast %mul3A_142 : i32 to index
        %get3A_144 = tpu.vector_load %arg14[%get3A_143] {strides = array<i32>} : memref<1600xi32, #tpu.memory_space<vmem>>, vector<16xi32>,
        %get3A_145 = arith.index_cast %mul3A_142 : i32 to index
        %get3A_146 = tpu.vector_load %arg15[%get3A_145] {strides = array<i32>} : memref<1600xi32, #tpu.memory_space<vmem>>, vector<16xi32>,
        %get3A_147 = arith.index_cast %mul3A_142 : i32 to index
        %get3A_148 = tpu.vector_load %arg16[%get3A_147] {strides = array<i32>} : memref<1600xf32, #tpu.memory_space<vmem>>, vector<16xf32>,
        %gather3A_149 = tpu.vector_load_idx %arg8[%get3A_144] : memref<10000xf32, #tpu.memory_space<vmem>>[vector<16xi32>], vector<16xf32>,
        %gather3A_150 = tpu.vector_load_idx %arg9[%get3A_146] : memref<10000xf32, #tpu.memory_space<vmem>>[vector<16xi32>], vector<16xf32>,
        %mul3A_151 = arith.constant 4 : i32
        %mul3A_152 = arith.muli %scan3A_110, %mul3A_151 : i32
        %add3A_153 = arith.constant 3 : i32
        %add3A_154 = arith.addi %mul3A_152, %add3A_153 : i32
        %mul3A_155 = arith.constant 16 : i32
        %mul3A_156 = arith.muli %add3A_154, %mul3A_155 : i32
        %get3A_157 = arith.index_cast %mul3A_156 : i32 to index
        %get3A_158 = tpu.vector_load %arg14[%get3A_157] {strides = array<i32>} : memref<1600xi32, #tpu.memory_space<vmem>>, vector<16xi32>,
        %get3A_159 = arith.index_cast %mul3A_156 : i32 to index
        %get3A_160 = tpu.vector_load %arg15[%get3A_159] {strides = array<i32>} : memref<1600xi32, #tpu.memory_space<vmem>>, vector<16xi32>,
        %get3A_161 = arith.index_cast %mul3A_156 : i32 to index
        %get3A_162 = tpu.vector_load %arg16[%get3A_161] {strides = array<i32>} : memref<1600xf32, #tpu.memory_space<vmem>>, vector<16xf32>,
        %gather3A_163 = tpu.vector_load_idx %arg8[%get3A_158] : memref<10000xf32, #tpu.memory_space<vmem>>[vector<16xi32>], vector<16xf32>,
        %gather3A_164 = tpu.vector_load_idx %arg9[%get3A_160] : memref<10000xf32, #tpu.memory_space<vmem>>[vector<16xi32>], vector<16xf32>,
        %mul3A_165 = arith.constant 4 : i32
        %mul3A_166 = arith.muli %scan3A_110, %mul3A_165 : i32
        %add3A_167 = arith.constant 0 : i32
        %add3A_168 = arith.addi %mul3A_166, %add3A_167 : i32
        %mul3A_169 = arith.constant 16 : i32
        %mul3A_170 = arith.muli %add3A_168, %mul3A_169 : i32
        %add3A_171 = arith.addf %gather3A, %gather3A_122 : vector<16xf32>
        %add3A_172 = arith.addf %add3A_171, %get3A_121 : vector<16xf32>
        %mul3A_173 = arith.constant 2.000000e-01 : f32
        %mul3A_174 = vector.broadcast %mul3A_173 : f32 to vector<16xf32>
        %mul3A_175 = arith.mulf %mul3A_174, %add3A_172 : vector<16xf32>
        %max3A = arith.maximumf %add3A_172, %mul3A_175 : vector<16xf32>
        %exp3A = math.exp %max3A : vector<16xf32>
        %swap3A = arith.index_cast %mul3A_170 : i32 to index
        %swap3A_176 = tpu.vector_load %arg17[%swap3A] {strides = array<i32>} : memref<1600xf32, #tpu.memory_space<vmem>>, vector<16xf32>,
        tpu.vector_store %arg17[%swap3A], %exp3A {strides = array<i32>} : memref<1600xf32, #tpu.memory_space<vmem>>, vector<16xf32>,
        tpu.vector_store_idx %arg10[%get3A_119], %exp3A {add = true} : memref<10000xf32, #tpu.memory_space<vmem>>[vector<16xi32>], vector<16xf32>,
        %mul3A_177 = arith.constant 4 : i32
        %mul3A_178 = arith.muli %scan3A_110, %mul3A_177 : i32
        %add3A_179 = arith.constant 1 : i32
        %add3A_180 = arith.addi %mul3A_178, %add3A_179 : i32
        %mul3A_181 = arith.constant 16 : i32
        %mul3A_182 = arith.muli %add3A_180, %mul3A_181 : i32
        %add3A_183 = arith.addf %gather3A_135, %gather3A_136 : vector<16xf32>
        %add3A_184 = arith.addf %add3A_183, %get3A_134 : vector<16xf32>
        %mul3A_185 = arith.constant 2.000000e-01 : f32
        %mul3A_186 = vector.broadcast %mul3A_185 : f32 to vector<16xf32>
        %mul3A_187 = arith.mulf %mul3A_186, %add3A_184 : vector<16xf32>
        %max3A_188 = arith.maximumf %add3A_184, %mul3A_187 : vector<16xf32>
        %exp3A_189 = math.exp %max3A_188 : vector<16xf32>
        %swap3A_190 = arith.index_cast %mul3A_182 : i32 to index
        %swap3A_191 = tpu.vector_load %arg17[%swap3A_190] {strides = array<i32>} : memref<1600xf32, #tpu.memory_space<vmem>>, vector<16xf32>,
        tpu.vector_store %arg17[%swap3A_190], %exp3A_189 {strides = array<i32>} : memref<1600xf32, #tpu.memory_space<vmem>>, vector<16xf32>,
        tpu.vector_store_idx %arg10[%get3A_132], %exp3A_189 {add = true} : memref<10000xf32, #tpu.memory_space<vmem>>[vector<16xi32>], vector<16xf32>,
        %mul3A_192 = arith.constant 4 : i32
        %mul3A_193 = arith.muli %scan3A_110, %mul3A_192 : i32
        %add3A_194 = arith.constant 2 : i32
        %add3A_195 = arith.addi %mul3A_193, %add3A_194 : i32
        %mul3A_196 = arith.constant 16 : i32
        %mul3A_197 = arith.muli %add3A_195, %mul3A_196 : i32
        %add3A_198 = arith.addf %gather3A_149, %gather3A_150 : vector<16xf32>
        %add3A_199 = arith.addf %add3A_198, %get3A_148 : vector<16xf32>
        %mul3A_200 = arith.constant 2.000000e-01 : f32
        %mul3A_201 = vector.broadcast %mul3A_200 : f32 to vector<16xf32>
        %mul3A_202 = arith.mulf %mul3A_201, %add3A_199 : vector<16xf32>
        %max3A_203 = arith.maximumf %add3A_199, %mul3A_202 : vector<16xf32>
        %exp3A_204 = math.exp %max3A_203 : vector<16xf32>
        %swap3A_205 = arith.index_cast %mul3A_197 : i32 to index
        %swap3A_206 = tpu.vector_load %arg17[%swap3A_205] {strides = array<i32>} : memref<1600xf32, #tpu.memory_space<vmem>>, vector<16xf32>,
        tpu.vector_store %arg17[%swap3A_205], %exp3A_204 {strides = array<i32>} : memref<1600xf32, #tpu.memory_space<vmem>>, vector<16xf32>,
        tpu.vector_store_idx %arg10[%get3A_146], %exp3A_204 {add = true} : memref<10000xf32, #tpu.memory_space<vmem>>[vector<16xi32>], vector<16xf32>,
        %mul3A_207 = arith.constant 4 : i32
        %mul3A_208 = arith.muli %scan3A_110, %mul3A_207 : i32
        %add3A_209 = arith.constant 3 : i32
        %add3A_210 = arith.addi %mul3A_208, %add3A_209 : i32
        %mul3A_211 = arith.constant 16 : i32
        %mul3A_212 = arith.muli %add3A_210, %mul3A_211 : i32
        %add3A_213 = arith.addf %gather3A_163, %gather3A_164 : vector<16xf32>
        %add3A_214 = arith.addf %add3A_213, %get3A_162 : vector<16xf32>
        %mul3A_215 = arith.constant 2.000000e-01 : f32
        %mul3A_216 = vector.broadcast %mul3A_215 : f32 to vector<16xf32>
        %mul3A_217 = arith.mulf %mul3A_216, %add3A_214 : vector<16xf32>
        %max3A_218 = arith.maximumf %add3A_214, %mul3A_217 : vector<16xf32>
        %exp3A_219 = math.exp %max3A_218 : vector<16xf32>
        %swap3A_220 = arith.index_cast %mul3A_212 : i32 to index
        %swap3A_221 = tpu.vector_load %arg17[%swap3A_220] {strides = array<i32>} : memref<1600xf32, #tpu.memory_space<vmem>>, vector<16xf32>,
        tpu.vector_store %arg17[%swap3A_220], %exp3A_219 {strides = array<i32>} : memref<1600xf32, #tpu.memory_space<vmem>>, vector<16xf32>,
        tpu.vector_store_idx %arg10[%get3A_160], %exp3A_219 {add = true} : memref<10000xf32, #tpu.memory_space<vmem>>[vector<16xi32>], vector<16xf32>,
      }
      %scan3A_97 = arith.constant 25 : i32
      %mul3A_98 = arith.constant 80000 : i32
      %mul3A_99 = arith.muli %div3A_2, %mul3A_98 : i32
      %mul3A_100 = arith.constant 1600 : i32
      %mul3A_101 = arith.muli %add3A_76, %mul3A_100 : i32
      %add3A_102 = arith.addi %mul3A_99, %mul3A_101 : i32
      "tpu.region"() ({
        %run_scoped3A = tpu.sem_alloc : memref<!tpu.dma_semaphore, #tpu.memory_space<semaphore_mem>>
        %dma_start3A_110 = tpu.memref_slice %arg6[%add3A, %add3A_102] : memref<8x320000xf32, #tpu.memory_space<hbm>> -> memref<1x1600xf32, #tpu.memory_space<hbm>>
        %dma_start3A_111 = tpu.memref_squeeze %dma_start3A_110 : memref<1x1600xf32, #tpu.memory_space<hbm>> -> memref<1600xf32, #tpu.memory_space<hbm>>
        %dma_start3A_112 = tpu.memref_slice %arg6[%add3A, %add3A_102] : memref<8x320000xf32, #tpu.memory_space<hbm>> -> memref<1x1600xf32, #tpu.memory_space<hbm>>
        %dma_start3A_113 = tpu.memref_squeeze %dma_start3A_112 : memref<1x1600xf32, #tpu.memory_space<hbm>> -> memref<1600xf32, #tpu.memory_space<hbm>>
        tpu.enqueue_dma source(%arg17 : memref<1600xf32, #tpu.memory_space<vmem>>) target(%dma_start3A_113 : memref<1600xf32, #tpu.memory_space<hbm>>) target_semaphore(%run_scoped3A : memref<!tpu.dma_semaphore, #tpu.memory_space<semaphore_mem>>)
        %dma_wait3A_114 = tpu.memref_slice %arg6[%add3A, %add3A_102] : memref<8x320000xf32, #tpu.memory_space<hbm>> -> memref<1x1600xf32, #tpu.memory_space<hbm>>
        %dma_wait3A_115 = tpu.memref_squeeze %dma_wait3A_114 : memref<1x1600xf32, #tpu.memory_space<hbm>> -> memref<1600xf32, #tpu.memory_space<hbm>>
        %dma_wait3A_116 = tpu.memref_slice %arg6[%add3A, %add3A_102] : memref<8x320000xf32, #tpu.memory_space<hbm>> -> memref<1x1600xf32, #tpu.memory_space<hbm>>
        %dma_wait3A_117 = tpu.memref_squeeze %dma_wait3A_116 : memref<1x1600xf32, #tpu.memory_space<hbm>> -> memref<1600xf32, #tpu.memory_space<hbm>>
        tpu.wait_dma2 semaphore(%run_scoped3A : memref<!tpu.dma_semaphore, #tpu.memory_space<semaphore_mem>>) src(%arg17 : memref<1600xf32, #tpu.memory_space<vmem>>) dst(%dma_wait3A_117 : memref<1600xf32, #tpu.memory_space<hbm>>)
        tpu.yield
      }) : () -> ()
      %add3A_103 = arith.constant 2 : i32
      %add3A_104 = arith.addi %add3A_76, %add3A_103 : i32
      %lt3A_105 = arith.constant 50 : i32
      %lt3A_106 = arith.cmpi slt, %add3A_104, %lt3A_105 : i32
      %convert_element_type3A_107 = arith.extui %lt3A_106 : i1 to i32
      %cond3A_108 = arith.constant 0 : i32
      %cond3A_109 = arith.cmpi ne, %convert_element_type3A_107, %cond3A_108 : i32
      scf.if %cond3A_109 {
        %add3A_110 = arith.constant 2 : i32
        %add3A_111 = arith.addi %add3A_76, %add3A_110 : i32
        %mul3A_112 = arith.constant 80000 : i32
        %mul3A_113 = arith.muli %div3A_2, %mul3A_112 : i32
        %mul3A_114 = arith.constant 1600 : i32
        %mul3A_115 = arith.muli %add3A_111, %mul3A_114 : i32
        %add3A_116 = arith.addi %mul3A_113, %mul3A_115 : i32
        %dma_start3A_117 = tpu.memref_slice %arg4[%add3A_116] : memref<320000xi32, #tpu.memory_space<hbm>> -> memref<1600xi32, #tpu.memory_space<hbm>>
        %dma_start3A_118 = tpu.memref_slice %arg4[%add3A_116] : memref<320000xi32, #tpu.memory_space<hbm>> -> memref<1600xi32, #tpu.memory_space<hbm>>
        tpu.enqueue_dma source(%dma_start3A_118 : memref<1600xi32, #tpu.memory_space<hbm>>) target(%arg14 : memref<1600xi32, #tpu.memory_space<vmem>>) target_semaphore(%arg19 : memref<!tpu.dma_semaphore, #tpu.memory_space<semaphore_mem>>)
        %dma_start3A_119 = tpu.memref_slice %arg5[%add3A_116] : memref<320000xi32, #tpu.memory_space<hbm>> -> memref<1600xi32, #tpu.memory_space<hbm>>
        %dma_start3A_120 = tpu.memref_slice %arg5[%add3A_116] : memref<320000xi32, #tpu.memory_space<hbm>> -> memref<1600xi32, #tpu.memory_space<hbm>>
        tpu.enqueue_dma source(%dma_start3A_120 : memref<1600xi32, #tpu.memory_space<hbm>>) target(%arg15 : memref<1600xi32, #tpu.memory_space<vmem>>) target_semaphore(%arg19 : memref<!tpu.dma_semaphore, #tpu.memory_space<semaphore_mem>>)
        %dma_start3A_121 = tpu.memref_slice %arg3[%add3A, %add3A_116] : memref<8x320000xf32, #tpu.memory_space<hbm>> -> memref<1x1600xf32, #tpu.memory_space<hbm>>
        %dma_start3A_122 = tpu.memref_squeeze %dma_start3A_121 : memref<1x1600xf32, #tpu.memory_space<hbm>> -> memref<1600xf32, #tpu.memory_space<hbm>>
        %dma_start3A_123 = tpu.memref_slice %arg3[%add3A, %add3A_116] : memref<8x320000xf32, #tpu.memory_space<hbm>> -> memref<1x1600xf32, #tpu.memory_space<hbm>>
        %dma_start3A_124 = tpu.memref_squeeze %dma_start3A_123 : memref<1x1600xf32, #tpu.memory_space<hbm>> -> memref<1600xf32, #tpu.memory_space<hbm>>
        tpu.enqueue_dma source(%dma_start3A_124 : memref<1600xf32, #tpu.memory_space<hbm>>) target(%arg16 : memref<1600xf32, #tpu.memory_space<vmem>>) target_semaphore(%arg19 : memref<!tpu.dma_semaphore, #tpu.memory_space<semaphore_mem>>)
      } else {
      }
    }
    %scan3A_38 = arith.constant 25 : i32
    "tpu.region"() ({
      %run_scoped3A = tpu.sem_alloc : memref<!tpu.dma_semaphore, #tpu.memory_space<semaphore_mem>>
      %dma_start3A_39 = arith.constant 0 : i32
      %dma_start3A_40 = tpu.memref_slice %arg7[%arg0, %arg1, %dma_start3A_39] : memref<2x16x10000xf32, #tpu.memory_space<hbm>> -> memref<1x1x10000xf32, #tpu.memory_space<hbm>>
      %dma_start3A_41 = tpu.memref_squeeze %dma_start3A_40 : memref<1x1x10000xf32, #tpu.memory_space<hbm>> -> memref<10000xf32, #tpu.memory_space<hbm>>
      %dma_start3A_42 = arith.constant 0 : i32
      %dma_start3A_43 = tpu.memref_slice %arg7[%arg0, %arg1, %dma_start3A_42] : memref<2x16x10000xf32, #tpu.memory_space<hbm>> -> memref<1x1x10000xf32, #tpu.memory_space<hbm>>
      %dma_start3A_44 = tpu.memref_squeeze %dma_start3A_43 : memref<1x1x10000xf32, #tpu.memory_space<hbm>> -> memref<10000xf32, #tpu.memory_space<hbm>>
      tpu.enqueue_dma source(%arg10 : memref<10000xf32, #tpu.memory_space<vmem>>) target(%dma_start3A_44 : memref<10000xf32, #tpu.memory_space<hbm>>) target_semaphore(%run_scoped3A : memref<!tpu.dma_semaphore, #tpu.memory_space<semaphore_mem>>)
      %dma_wait3A = arith.constant 0 : i32
      %dma_wait3A_45 = tpu.memref_slice %arg7[%arg0, %arg1, %dma_wait3A] : memref<2x16x10000xf32, #tpu.memory_space<hbm>> -> memref<1x1x10000xf32, #tpu.memory_space<hbm>>
      %dma_wait3A_46 = tpu.memref_squeeze %dma_wait3A_45 : memref<1x1x10000xf32, #tpu.memory_space<hbm>> -> memref<10000xf32, #tpu.memory_space<hbm>>
      %dma_wait3A_47 = arith.constant 0 : i32
      %dma_wait3A_48 = tpu.memref_slice %arg7[%arg0, %arg1, %dma_wait3A_47] : memref<2x16x10000xf32, #tpu.memory_space<hbm>> -> memref<1x1x10000xf32, #tpu.memory_space<hbm>>
      %dma_wait3A_49 = tpu.memref_squeeze %dma_wait3A_48 : memref<1x1x10000xf32, #tpu.memory_space<hbm>> -> memref<10000xf32, #tpu.memory_space<hbm>>
      tpu.wait_dma2 semaphore(%run_scoped3A : memref<!tpu.dma_semaphore, #tpu.memory_space<semaphore_mem>>) src(%arg10 : memref<10000xf32, #tpu.memory_space<vmem>>) dst(%dma_wait3A_49 : memref<10000xf32, #tpu.memory_space<hbm>>)
      tpu.yield
    }) : () -> ()
    return
  }
}

module attributes {stable_mosaic.version = 14 : i64} {
  func.func @_node_pre_body(%arg0: i32, %arg1: memref<512x128xf32, #tpu.memory_space<vmem>>, %arg2: memref<128x144xf32, #tpu.memory_space<vmem>>, %arg3: memref<16x512xf32, #tpu.memory_space<vmem>>, %arg4: memref<64x512xi32, #tpu.memory_space<vmem>>) attributes {dimension_semantics = [#tpu.dimension_semantics<arbitrary>], iteration_bounds = array<i64: 20>, scalar_prefetch = 0 : i64, scratch_operands = 0 : i64, tpu.core_type = #tpu.core_type<tc>, window_params = [{transform_indices = @transform_0, window_bounds = array<i64: 512, 128>}, {pipeline_mode = #tpu.pipeline_mode<synchronous>, transform_indices = @transform_1, window_bounds = array<i64: 128, 144>}, {transform_indices = @transform_2, window_bounds = array<i64: 16, 512>}, {transform_indices = @transform_3, window_bounds = array<i64: 64, 512>}]} {
    %get3A = arith.constant 0 : index
    %get3A_0 = arith.constant 0 : index
    %get3A_1 = vector.load %arg1[%get3A, %get3A_0] : memref<512x128xf32, #tpu.memory_space<vmem>>, vector<512x128xf32>
    %get3A_2 = arith.constant 0 : index
    %get3A_3 = arith.constant 0 : index
    %get3A_4 = vector.load %arg2[%get3A_2, %get3A_3] : memref<128x144xf32, #tpu.memory_space<vmem>>, vector<128x144xf32>
    %dot_general3A = arith.constant dense<0.000000e+00> : vector<512x144xf32>
    %dot_general3A_5 = tpu.matmul %get3A_1, %get3A_4, %dot_general3A {dimension_numbers = #tpu.dot_dimension_numbers<[1], [0], [0], [1], [0, 0, 1, 1], [], []>, transpose_lhs_hint = false} : vector<512x128xf32>, vector<128x144xf32>, vector<512x144xf32> -> vector<512x144xf32>
    %slice3A = vector.extract_strided_slice %dot_general3A_5 {offsets = [0, 128], sizes = [512, 16], strides = [1, 1]} : vector<512x144xf32> to vector<512x16xf32>
    %transpose3A = tpu.transpose %slice3A, [1, 0] : vector<512x16xf32> -> vector<16x512xf32>
    %swap3A = arith.constant 0 : index
    %swap3A_6 = arith.constant 0 : index
    %swap3A_7 = vector.load %arg3[%swap3A, %swap3A_6] : memref<16x512xf32, #tpu.memory_space<vmem>>, vector<16x512xf32>
    tpu.vector_store %arg3[%swap3A, %swap3A_6], %transpose3A {strides = array<i32>} : memref<16x512xf32, #tpu.memory_space<vmem>>, vector<16x512xf32>,
    %slice3A_8 = vector.extract_strided_slice %dot_general3A_5 {offsets = [0, 0], sizes = [512, 64], strides = [1, 1]} : vector<512x144xf32> to vector<512x64xf32>
    %bitcast_convert_type3A = tpu.bitcast %slice3A_8 : vector<512x64xf32> -> vector<512x64xi32>
    %add3A = arith.constant 32767 : i32
    %add3A_9 = vector.broadcast %add3A : i32 to vector<512x64xi32>
    %add3A_10 = arith.addi %bitcast_convert_type3A, %add3A_9 : vector<512x64xi32>
    %shift_right_arithmetic3A = arith.constant 16 : i32
    %shift_right_arithmetic3A_11 = vector.broadcast %shift_right_arithmetic3A : i32 to vector<512x64xi32>
    %shift_right_arithmetic3A_12 = arith.shrsi %bitcast_convert_type3A, %shift_right_arithmetic3A_11 : vector<512x64xi32>
    %and3A = arith.constant 1 : i32
    %and3A_13 = vector.broadcast %and3A : i32 to vector<512x64xi32>
    %and3A_14 = arith.andi %shift_right_arithmetic3A_12, %and3A_13 : vector<512x64xi32>
    %add3A_15 = arith.addi %add3A_10, %and3A_14 : vector<512x64xi32>
    %shift_right_arithmetic3A_16 = arith.constant 16 : i32
    %shift_right_arithmetic3A_17 = vector.broadcast %shift_right_arithmetic3A_16 : i32 to vector<512x64xi32>
    %shift_right_arithmetic3A_18 = arith.shrsi %add3A_15, %shift_right_arithmetic3A_17 : vector<512x64xi32>
    %and3A_19 = arith.constant 65535 : i32
    %and3A_20 = vector.broadcast %and3A_19 : i32 to vector<512x64xi32>
    %and3A_21 = arith.andi %shift_right_arithmetic3A_18, %and3A_20 : vector<512x64xi32>
    %slice3A_22 = vector.extract_strided_slice %dot_general3A_5 {offsets = [0, 64], sizes = [512, 64], strides = [1, 1]} : vector<512x144xf32> to vector<512x64xf32>
    %bitcast_convert_type3A_23 = tpu.bitcast %slice3A_22 : vector<512x64xf32> -> vector<512x64xi32>
    %add3A_24 = arith.constant 32767 : i32
    %add3A_25 = vector.broadcast %add3A_24 : i32 to vector<512x64xi32>
    %add3A_26 = arith.addi %bitcast_convert_type3A_23, %add3A_25 : vector<512x64xi32>
    %shift_right_arithmetic3A_27 = arith.constant 16 : i32
    %shift_right_arithmetic3A_28 = vector.broadcast %shift_right_arithmetic3A_27 : i32 to vector<512x64xi32>
    %shift_right_arithmetic3A_29 = arith.shrsi %bitcast_convert_type3A_23, %shift_right_arithmetic3A_28 : vector<512x64xi32>
    %and3A_30 = arith.constant 1 : i32
    %and3A_31 = vector.broadcast %and3A_30 : i32 to vector<512x64xi32>
    %and3A_32 = arith.andi %shift_right_arithmetic3A_29, %and3A_31 : vector<512x64xi32>
    %add3A_33 = arith.addi %add3A_26, %and3A_32 : vector<512x64xi32>
    %shift_right_arithmetic3A_34 = arith.constant 16 : i32
    %shift_right_arithmetic3A_35 = vector.broadcast %shift_right_arithmetic3A_34 : i32 to vector<512x64xi32>
    %shift_right_arithmetic3A_36 = arith.shrsi %add3A_33, %shift_right_arithmetic3A_35 : vector<512x64xi32>
    %and3A_37 = arith.constant 65535 : i32
    %and3A_38 = vector.broadcast %and3A_37 : i32 to vector<512x64xi32>
    %and3A_39 = arith.andi %shift_right_arithmetic3A_36, %and3A_38 : vector<512x64xi32>
    %shift_left3A = arith.constant 16 : i32
    %shift_left3A_40 = vector.broadcast %shift_left3A : i32 to vector<512x64xi32>
    %shift_left3A_41 = arith.shli %and3A_39, %shift_left3A_40 : vector<512x64xi32>
    %or3A = arith.ori %and3A_21, %shift_left3A_41 : vector<512x64xi32>
    %transpose3A_42 = tpu.transpose %or3A, [1, 0] : vector<512x64xi32> -> vector<64x512xi32>
    %swap3A_43 = arith.constant 0 : index
    %swap3A_44 = arith.constant 0 : index
    %swap3A_45 = vector.load %arg4[%swap3A_43, %swap3A_44] : memref<64x512xi32, #tpu.memory_space<vmem>>, vector<64x512xi32>
    tpu.vector_store %arg4[%swap3A_43, %swap3A_44], %transpose3A_42 {strides = array<i32>} : memref<64x512xi32, #tpu.memory_space<vmem>>, vector<64x512xi32>,
    return
  }
  func.func @transform_0(%arg0: i32) -> (i32, i32) {
    %c0_i32 = arith.constant 0 : i32
    %c0_i32_0 = arith.constant 0 : i32
    return %arg0, %c0_i32 : i32, i32
  }
  func.func @transform_1(%arg0: i32) -> (i32, i32) {
    %c0_i32 = arith.constant 0 : i32
    %c0_i32_0 = arith.constant 0 : i32
    %c0_i32_1 = arith.constant 0 : i32
    return %c0_i32, %c0_i32_0 : i32, i32
  }
  func.func @transform_2(%arg0: i32) -> (i32, i32) {
    %c0_i32 = arith.constant 0 : i32
    %c0_i32_0 = arith.constant 0 : i32
    return %c0_i32, %arg0 : i32, i32
  }
  func.func @transform_3(%arg0: i32) -> (i32, i32) {
    %c0_i32 = arith.constant 0 : i32
    %c0_i32_0 = arith.constant 0 : i32
    return %c0_i32, %arg0 : i32, i32
  }
}

module attributes {stable_mosaic.version = 14 : i64} {
  func.func @_edge_pre_body(%arg0: i32, %arg1: memref<16x4096xf32, #tpu.memory_space<vmem>>, %arg2: memref<8x16xf32, #tpu.memory_space<vmem>>, %arg3: memref<8x4096xf32, #tpu.memory_space<vmem>>, %arg4: memref<8x4096xi32, #tpu.memory_space<vmem>>) attributes {dimension_semantics = [#tpu.dimension_semantics<arbitrary>], iteration_bounds = array<i64: 79>, scalar_prefetch = 0 : i64, scratch_operands = 0 : i64, tpu.core_type = #tpu.core_type<tc>, window_params = [{transform_indices = @transform_0, window_bounds = array<i64: 16, 4096>}, {pipeline_mode = #tpu.pipeline_mode<synchronous>, transform_indices = @transform_1, window_bounds = array<i64: 8, 16>}, {transform_indices = @transform_2, window_bounds = array<i64: 8, 4096>}, {transform_indices = @transform_3, window_bounds = array<i64: 8, 4096>}]} {
    %get3A = arith.constant 0 : index
    %get3A_0 = arith.constant 0 : index
    %get3A_1 = vector.load %arg1[%get3A, %get3A_0] : memref<16x4096xf32, #tpu.memory_space<vmem>>, vector<16x4096xf32>
    %get3A_2 = arith.constant 0 : index
    %get3A_3 = arith.constant 0 : index
    %get3A_4 = vector.load %arg2[%get3A_2, %get3A_3] : memref<8x16xf32, #tpu.memory_space<vmem>>, vector<8x16xf32>
    %dot_general3A = arith.constant dense<0.000000e+00> : vector<8x4096xf32>
    %dot_general3A_5 = tpu.matmul %get3A_4, %get3A_1, %dot_general3A {dimension_numbers = #tpu.dot_dimension_numbers<[1], [0], [0], [1], [0, 0, 1, 1], [], []>, transpose_lhs_hint = false} : vector<8x16xf32>, vector<16x4096xf32>, vector<8x4096xf32> -> vector<8x4096xf32>
    %swap3A = arith.constant 0 : index
    %swap3A_6 = arith.constant 0 : index
    %swap3A_7 = vector.load %arg3[%swap3A, %swap3A_6] : memref<8x4096xf32, #tpu.memory_space<vmem>>, vector<8x4096xf32>
    tpu.vector_store %arg3[%swap3A, %swap3A_6], %dot_general3A_5 {strides = array<i32>} : memref<8x4096xf32, #tpu.memory_space<vmem>>, vector<8x4096xf32>,
    %slice3A = vector.extract_strided_slice %get3A_1 {offsets = [0, 0], sizes = [8, 4096], strides = [1, 1]} : vector<16x4096xf32> to vector<8x4096xf32>
    %bitcast_convert_type3A = tpu.bitcast %slice3A : vector<8x4096xf32> -> vector<8x4096xi32>
    %add3A = arith.constant 32767 : i32
    %add3A_8 = vector.broadcast %add3A : i32 to vector<8x4096xi32>
    %add3A_9 = arith.addi %bitcast_convert_type3A, %add3A_8 : vector<8x4096xi32>
    %shift_right_arithmetic3A = arith.constant 16 : i32
    %shift_right_arithmetic3A_10 = vector.broadcast %shift_right_arithmetic3A : i32 to vector<8x4096xi32>
    %shift_right_arithmetic3A_11 = arith.shrsi %bitcast_convert_type3A, %shift_right_arithmetic3A_10 : vector<8x4096xi32>
    %and3A = arith.constant 1 : i32
    %and3A_12 = vector.broadcast %and3A : i32 to vector<8x4096xi32>
    %and3A_13 = arith.andi %shift_right_arithmetic3A_11, %and3A_12 : vector<8x4096xi32>
    %add3A_14 = arith.addi %add3A_9, %and3A_13 : vector<8x4096xi32>
    %shift_right_arithmetic3A_15 = arith.constant 16 : i32
    %shift_right_arithmetic3A_16 = vector.broadcast %shift_right_arithmetic3A_15 : i32 to vector<8x4096xi32>
    %shift_right_arithmetic3A_17 = arith.shrsi %add3A_14, %shift_right_arithmetic3A_16 : vector<8x4096xi32>
    %and3A_18 = arith.constant 65535 : i32
    %and3A_19 = vector.broadcast %and3A_18 : i32 to vector<8x4096xi32>
    %and3A_20 = arith.andi %shift_right_arithmetic3A_17, %and3A_19 : vector<8x4096xi32>
    %slice3A_21 = vector.extract_strided_slice %get3A_1 {offsets = [8, 0], sizes = [8, 4096], strides = [1, 1]} : vector<16x4096xf32> to vector<8x4096xf32>
    %bitcast_convert_type3A_22 = tpu.bitcast %slice3A_21 : vector<8x4096xf32> -> vector<8x4096xi32>
    %add3A_23 = arith.constant 32767 : i32
    %add3A_24 = vector.broadcast %add3A_23 : i32 to vector<8x4096xi32>
    %add3A_25 = arith.addi %bitcast_convert_type3A_22, %add3A_24 : vector<8x4096xi32>
    %shift_right_arithmetic3A_26 = arith.constant 16 : i32
    %shift_right_arithmetic3A_27 = vector.broadcast %shift_right_arithmetic3A_26 : i32 to vector<8x4096xi32>
    %shift_right_arithmetic3A_28 = arith.shrsi %bitcast_convert_type3A_22, %shift_right_arithmetic3A_27 : vector<8x4096xi32>
    %and3A_29 = arith.constant 1 : i32
    %and3A_30 = vector.broadcast %and3A_29 : i32 to vector<8x4096xi32>
    %and3A_31 = arith.andi %shift_right_arithmetic3A_28, %and3A_30 : vector<8x4096xi32>
    %add3A_32 = arith.addi %add3A_25, %and3A_31 : vector<8x4096xi32>
    %shift_right_arithmetic3A_33 = arith.constant 16 : i32
    %shift_right_arithmetic3A_34 = vector.broadcast %shift_right_arithmetic3A_33 : i32 to vector<8x4096xi32>
    %shift_right_arithmetic3A_35 = arith.shrsi %add3A_32, %shift_right_arithmetic3A_34 : vector<8x4096xi32>
    %and3A_36 = arith.constant 65535 : i32
    %and3A_37 = vector.broadcast %and3A_36 : i32 to vector<8x4096xi32>
    %and3A_38 = arith.andi %shift_right_arithmetic3A_35, %and3A_37 : vector<8x4096xi32>
    %shift_left3A = arith.constant 16 : i32
    %shift_left3A_39 = vector.broadcast %shift_left3A : i32 to vector<8x4096xi32>
    %shift_left3A_40 = arith.shli %and3A_38, %shift_left3A_39 : vector<8x4096xi32>
    %or3A = arith.ori %and3A_20, %shift_left3A_40 : vector<8x4096xi32>
    %swap3A_41 = arith.constant 0 : index
    %swap3A_42 = arith.constant 0 : index
    %swap3A_43 = vector.load %arg4[%swap3A_41, %swap3A_42] : memref<8x4096xi32, #tpu.memory_space<vmem>>, vector<8x4096xi32>
    tpu.vector_store %arg4[%swap3A_41, %swap3A_42], %or3A {strides = array<i32>} : memref<8x4096xi32, #tpu.memory_space<vmem>>, vector<8x4096xi32>,
    return
  }
  func.func @transform_0(%arg0: i32) -> (i32, i32) {
    %c0_i32 = arith.constant 0 : i32
    %c0_i32_0 = arith.constant 0 : i32
    return %c0_i32, %arg0 : i32, i32
  }
  func.func @transform_1(%arg0: i32) -> (i32, i32) {
    %c0_i32 = arith.constant 0 : i32
    %c0_i32_0 = arith.constant 0 : i32
    %c0_i32_1 = arith.constant 0 : i32
    return %c0_i32, %c0_i32_0 : i32, i32
  }
  func.func @transform_2(%arg0: i32) -> (i32, i32) {
    %c0_i32 = arith.constant 0 : i32
    %c0_i32_0 = arith.constant 0 : i32
    return %c0_i32, %arg0 : i32, i32
  }
  func.func @transform_3(%arg0: i32) -> (i32, i32) {
    %c0_i32 = arith.constant 0 : i32
    %c0_i32_0 = arith.constant 0 : i32
    return %c0_i32, %arg0 : i32, i32
  }
}

module attributes {stable_mosaic.version = 14 : i64} {
  func.func @_denred_body(%arg0: memref<2x16x10000xf32, #tpu.memory_space<vmem>>, %arg1: memref<8x10000xf32, #tpu.memory_space<vmem>>) attributes {dimension_semantics = [], scalar_prefetch = 0 : i64, scratch_operands = 0 : i64, tpu.core_type = #tpu.core_type<tc>} {
    %get3A = arith.constant 0 : index
    %get3A_0 = arith.constant 0 : index
    %get3A_1 = arith.constant 0 : index
    %get3A_2 = vector.load %arg0[%get3A, %get3A_0, %get3A_1] : memref<2x16x10000xf32, #tpu.memory_space<vmem>>, vector<2x16x10000xf32>
    %reshape3A = vector.shape_cast %get3A_2 : vector<2x16x10000xf32> to vector<2x4x4x10000xf32>
    %reduce_sum3A = arith.constant dense<0.000000e+00> : vector<2x4x10000xf32>
    %reduce_sum3A_3 = vector.multi_reduction <add>, %reshape3A, %reduce_sum3A [1] : vector<2x4x4x10000xf32> to vector<2x4x10000xf32>
    %reshape3A_4 = vector.shape_cast %reduce_sum3A_3 : vector<2x4x10000xf32> to vector<8x10000xf32>
    %add3A = arith.constant 9.99999971E-10 : f32
    %add3A_5 = vector.broadcast %add3A : f32 to vector<8x10000xf32>
    %add3A_6 = arith.addf %reshape3A_4, %add3A_5 : vector<8x10000xf32>
    %div3A = arith.constant 1.000000e+00 : f32
    %div3A_7 = vector.broadcast %div3A : f32 to vector<8x10000xf32>
    %div3A_8 = arith.divf %div3A_7, %add3A_6 : vector<8x10000xf32>
    %swap3A = arith.constant 0 : index
    %swap3A_9 = arith.constant 0 : index
    %swap3A_10 = vector.load %arg1[%swap3A, %swap3A_9] : memref<8x10000xf32, #tpu.memory_space<vmem>>, vector<8x10000xf32>
    tpu.vector_store %arg1[%swap3A, %swap3A_9], %div3A_8 {strides = array<i32>} : memref<8x10000xf32, #tpu.memory_space<vmem>>, vector<8x10000xf32>,
    return
  }
}

module attributes {stable_mosaic.version = 14 : i64} {
  func.func @_ffn_body(%arg0: i32, %arg1: memref<512x128xf32, #tpu.memory_space<vmem>>, %arg2: memref<128x512xf32, #tpu.memory_space<vmem>>, %arg3: memref<128x512xf32, #tpu.memory_space<vmem>>, %arg4: memref<128x128xf32, #tpu.memory_space<vmem>>, %arg5: memref<128x512xf32, #tpu.memory_space<vmem>>, %arg6: memref<1x512xf32, #tpu.memory_space<vmem>>, %arg7: memref<512x128xf32, #tpu.memory_space<vmem>>, %arg8: memref<1x128xf32, #tpu.memory_space<vmem>>, %arg9: memref<512x128xf32, #tpu.memory_space<vmem>>) attributes {dimension_semantics = [#tpu.dimension_semantics<arbitrary>], iteration_bounds = array<i64: 20>, scalar_prefetch = 0 : i64, scratch_operands = 0 : i64, tpu.core_type = #tpu.core_type<tc>, window_params = [{transform_indices = @transform_0, window_bounds = array<i64: 512, 128>}, {transform_indices = @transform_1, window_bounds = array<i64: 128, 512>}, {transform_indices = @transform_2, window_bounds = array<i64: 128, 512>}, {pipeline_mode = #tpu.pipeline_mode<synchronous>, transform_indices = @transform_3, window_bounds = array<i64: 128, 128>}, {pipeline_mode = #tpu.pipeline_mode<synchronous>, transform_indices = @transform_4, window_bounds = array<i64: 128, 512>}, {pipeline_mode = #tpu.pipeline_mode<synchronous>, transform_indices = @transform_5, window_bounds = array<i64: 1, 512>}, {pipeline_mode = #tpu.pipeline_mode<synchronous>, transform_indices = @transform_6, window_bounds = array<i64: 512, 128>}, {pipeline_mode = #tpu.pipeline_mode<synchronous>, transform_indices = @transform_7, window_bounds = array<i64: 1, 128>}, {transform_indices = @transform_8, window_bounds = array<i64: 512, 128>}]} {
    %get3A = arith.constant 0 : index
    %get3A_0 = arith.constant 0 : index
    %get3A_1 = vector.load %arg2[%get3A, %get3A_0] : memref<128x512xf32, #tpu.memory_space<vmem>>, vector<128x512xf32>
    %transpose3A = tpu.transpose %get3A_1, [1, 0] : vector<128x512xf32> -> vector<512x128xf32>
    %get3A_2 = arith.constant 0 : index
    %get3A_3 = arith.constant 0 : index
    %get3A_4 = vector.load %arg3[%get3A_2, %get3A_3] : memref<128x512xf32, #tpu.memory_space<vmem>>, vector<128x512xf32>
    %transpose3A_5 = tpu.transpose %get3A_4, [1, 0] : vector<128x512xf32> -> vector<512x128xf32>
    %get3A_6 = arith.constant 0 : index
    %get3A_7 = arith.constant 0 : index
    %get3A_8 = vector.load %arg4[%get3A_6, %get3A_7] : memref<128x128xf32, #tpu.memory_space<vmem>>, vector<128x128xf32>
    %dot_general3A = arith.constant dense<0.000000e+00> : vector<512x128xf32>
    %dot_general3A_9 = tpu.matmul %transpose3A_5, %get3A_8, %dot_general3A {dimension_numbers = #tpu.dot_dimension_numbers<[1], [0], [0], [1], [0, 0, 1, 1], [], []>, transpose_lhs_hint = false} : vector<512x128xf32>, vector<128x128xf32>, vector<512x128xf32> -> vector<512x128xf32>
    %add3A = arith.addf %transpose3A, %dot_general3A_9 : vector<512x128xf32>
    %gt3A = arith.constant 0.000000e+00 : f32
    %gt3A_10 = vector.broadcast %gt3A : f32 to vector<512x128xf32>
    %gt3A_11 = arith.cmpf ogt, %add3A, %gt3A_10 : vector<512x128xf32>
    %min3A = arith.constant 0.000000e+00 : f32
    %min3A_12 = vector.broadcast %min3A : f32 to vector<512x128xf32>
    %min3A_13 = arith.minimumf %add3A, %min3A_12 : vector<512x128xf32>
    %exp3A = math.exp %min3A_13 : vector<512x128xf32>
    %sub3A = arith.constant 1.000000e+00 : f32
    %sub3A_14 = vector.broadcast %sub3A : f32 to vector<512x128xf32>
    %sub3A_15 = arith.subf %exp3A, %sub3A_14 : vector<512x128xf32>
    %select_n3A = arith.select %gt3A_11, %add3A, %sub3A_15 : vector<512x128xi1>, vector<512x128xf32>
    %get3A_16 = arith.constant 0 : index
    %get3A_17 = arith.constant 0 : index
    %get3A_18 = vector.load %arg1[%get3A_16, %get3A_17] : memref<512x128xf32, #tpu.memory_space<vmem>>, vector<512x128xf32>
    %add3A_19 = arith.addf %get3A_18, %select_n3A : vector<512x128xf32>
    %get3A_20 = arith.constant 0 : index
    %get3A_21 = arith.constant 0 : index
    %get3A_22 = vector.load %arg5[%get3A_20, %get3A_21] : memref<128x512xf32, #tpu.memory_space<vmem>>, vector<128x512xf32>
    %dot_general3A_23 = arith.constant dense<0.000000e+00> : vector<512x512xf32>
    %dot_general3A_24 = tpu.matmul %add3A_19, %get3A_22, %dot_general3A_23 {dimension_numbers = #tpu.dot_dimension_numbers<[1], [0], [0], [1], [0, 0, 1, 1], [], []>, transpose_lhs_hint = false} : vector<512x128xf32>, vector<128x512xf32>, vector<512x512xf32> -> vector<512x512xf32>
    %get3A_25 = arith.constant 0 : index
    %get3A_26 = arith.constant 0 : index
    %get3A_27 = vector.load %arg6[%get3A_25, %get3A_26] : memref<1x512xf32, #tpu.memory_space<vmem>>, vector<1x512xf32>
    %add3A_28 = vector.broadcast %get3A_27 : vector<1x512xf32> to vector<512x512xf32>
    %add3A_29 = arith.addf %dot_general3A_24, %add3A_28 : vector<512x512xf32>
    %max3A = arith.constant 0.000000e+00 : f32
    %max3A_30 = vector.broadcast %max3A : f32 to vector<512x512xf32>
    %max3A_31 = arith.maximumf %add3A_29, %max3A_30 : vector<512x512xf32>
    %get3A_32 = arith.constant 0 : index
    %get3A_33 = arith.constant 0 : index
    %get3A_34 = vector.load %arg7[%get3A_32, %get3A_33] : memref<512x128xf32, #tpu.memory_space<vmem>>, vector<512x128xf32>
    %dot_general3A_35 = arith.constant dense<0.000000e+00> : vector<512x128xf32>
    %dot_general3A_36 = tpu.matmul %max3A_31, %get3A_34, %dot_general3A_35 {dimension_numbers = #tpu.dot_dimension_numbers<[1], [0], [0], [1], [0, 0, 1, 1], [], []>, transpose_lhs_hint = false} : vector<512x512xf32>, vector<512x128xf32>, vector<512x128xf32> -> vector<512x128xf32>
    %add3A_37 = arith.addf %add3A_19, %dot_general3A_36 : vector<512x128xf32>
    %get3A_38 = arith.constant 0 : index
    %get3A_39 = arith.constant 0 : index
    %get3A_40 = vector.load %arg8[%get3A_38, %get3A_39] : memref<1x128xf32, #tpu.memory_space<vmem>>, vector<1x128xf32>
    %add3A_41 = vector.broadcast %get3A_40 : vector<1x128xf32> to vector<512x128xf32>
    %add3A_42 = arith.addf %add3A_37, %add3A_41 : vector<512x128xf32>
    %swap3A = arith.constant 0 : index
    %swap3A_43 = arith.constant 0 : index
    %swap3A_44 = vector.load %arg9[%swap3A, %swap3A_43] : memref<512x128xf32, #tpu.memory_space<vmem>>, vector<512x128xf32>
    tpu.vector_store %arg9[%swap3A, %swap3A_43], %add3A_42 {strides = array<i32>} : memref<512x128xf32, #tpu.memory_space<vmem>>, vector<512x128xf32>,
    return
  }
  func.func @transform_0(%arg0: i32) -> (i32, i32) {
    %c0_i32 = arith.constant 0 : i32
    %c0_i32_0 = arith.constant 0 : i32
    return %arg0, %c0_i32 : i32, i32
  }
  func.func @transform_1(%arg0: i32) -> (i32, i32) {
    %c0_i32 = arith.constant 0 : i32
    %c0_i32_0 = arith.constant 0 : i32
    return %c0_i32, %arg0 : i32, i32
  }
  func.func @transform_2(%arg0: i32) -> (i32, i32) {
    %c0_i32 = arith.constant 0 : i32
    %c0_i32_0 = arith.constant 0 : i32
    return %c0_i32, %arg0 : i32, i32
  }
  func.func @transform_3(%arg0: i32) -> (i32, i32) {
    %c0_i32 = arith.constant 0 : i32
    %c0_i32_0 = arith.constant 0 : i32
    %c0_i32_1 = arith.constant 0 : i32
    return %c0_i32, %c0_i32_0 : i32, i32
  }
  func.func @transform_4(%arg0: i32) -> (i32, i32) {
    %c0_i32 = arith.constant 0 : i32
    %c0_i32_0 = arith.constant 0 : i32
    %c0_i32_1 = arith.constant 0 : i32
    return %c0_i32, %c0_i32_0 : i32, i32
  }
  func.func @transform_5(%arg0: i32) -> (i32, i32) {
    %c0_i32 = arith.constant 0 : i32
    %c0_i32_0 = arith.constant 0 : i32
    %c0_i32_1 = arith.constant 0 : i32
    return %c0_i32, %c0_i32_0 : i32, i32
  }
  func.func @transform_6(%arg0: i32) -> (i32, i32) {
    %c0_i32 = arith.constant 0 : i32
    %c0_i32_0 = arith.constant 0 : i32
    %c0_i32_1 = arith.constant 0 : i32
    return %c0_i32, %c0_i32_0 : i32, i32
  }
  func.func @transform_7(%arg0: i32) -> (i32, i32) {
    %c0_i32 = arith.constant 0 : i32
    %c0_i32_0 = arith.constant 0 : i32
    %c0_i32_1 = arith.constant 0 : i32
    return %c0_i32, %c0_i32_0 : i32, i32
  }
  func.func @transform_8(%arg0: i32) -> (i32, i32) {
    %c0_i32 = arith.constant 0 : i32
    %c0_i32_0 = arith.constant 0 : i32
    return %arg0, %c0_i32 : i32, i32
  }
}

</mosaic_0001>

<sc_bundles>
// kernel: kernel.11.cloned.1.call-start
scs
__scs_entry_jumppad:
0x0: {  	(pc) =	sbr.rel $0x88, $3  }
0x1: {  	(tag) =	ssettag $0x0;
	lr =	simm.s32 $0x1  }
0x2: {  	[smem:$0x3F94] =	sst lr;
	_ =	strace $0xD0000000  }
0x3: {  	_ = 	snop  }
0x4: {  	_ = 	snop  }
0x5: {  	_ = 	snop  }
0x6: {  	_ = 	snop  }
0x7: {  	_ = 	snop  }
__scs_overlays_trampoline_lowered:
0x8: {  	[smem:$0x3FA3] =	sst s0  }
0x9: {  	[smem:$0x3FA4] =	sst s1  }
0xa: {  	[smem:$0x3FA5] =	sst s2  }
0xb: {  	[smem:$0x3FA6] =	sst s3  }
0xc: {  	[smem:$0x3FA7] =	sst s4  }
0xd: {  	[smem:$0x3FA8] =	sst s5  }
0xe: {  	[smem:$0x3FA9] =	sst s6  }
0xf: {  	[smem:$0x3FAA] =	sst s7  }
0x10: {  	[smem:$0x3FAB] =	sst s8  }
0x11: {  	[smem:$0x3FAC] =	sst s9;
	s0 =	simm.s32 @!p0 $0x0  }
0x12: {  	s1 =	sld [smem:$0x3F92];
	s0 =	simm.s32 @p0 $0x1  }
0x13: {  	[smem:$0x3FAD] =	sst s0;
	s0 =	simm.s32 @!p1 $0x0  }
0x14: {  	s2 =	sld [smem:$0x3F91];
	s0 =	simm.s32 @p1 $0x1  }
0x15: {  	[smem:$0x3FAE] =	sst s0;
	s0 =	simm.s32 @!p2 $0x0  }
0x16: {  	s3 =	sld [smem:$0x3FDB];
	s0 =	simm.s32 @p2 $0x1  }
0x17: {  	s4 =	simm.s32 $0x1BF5;
	[smem:$0x3FB0] =	sst s0  }
0x18: {  	s0 =	sld [smem:$0x3F93];
	_ =	swait.ge [sflag:s4], $0x0  }
0x19: {  	s7 =	sld [smem:$0x3F94]  }
0x1a: {  	s8 =	sadd.s32 $0xFFFFE003, lr  }
0x1b: {  	s9 =	sadd.s32 $0xFFFFFEF7, lr;
	s5 =	simm.s32 $0xFFFFFFFF;
	p2 =	slt.u32 s8, $0xFFFFF086  }
0x1c: {  	p1 =	slt.u32 s9, $0xF7A;
	s5 =	simm.s32 @!p2 $0x0  }
0x1d: {  	s5 =	simm.s32 @p1 $0x1;
	p0 =	seq.s32 s7, s2  }
0x1e: {  	s7 =	smul.u32 @!p0 $0xF7A, s2;
	p2 =	seq.s32 @!p0 s5, $0x0  }
0x1f: {  	s9 =	smul.u32 $0xF7A, s1;
	s8 =	simm.s32 @!p0 $0x1BF5;
	p2 =	por !p2, p0  }
0x20: {  	[sflag:s8] =	ssyncset.s32 @!p0 $0xFFFFF086;
	s6 =	sadd.s32 @!p0 s3, s7;
	s7 =	simm.s32 @!p0 $0x108  }
0x21: {  	s3 =	sadd.s32 s3, s9;
	s6 =	sadd.s32 @!p0 $0x88, s6;
	s7 =	simm.s32 @p2 $0x1082  }
0x22: {  	[simem:s7], [sflag:s8] =	dma.local @!p0 [hbm:s6], $0xF7A  }
0x23: {  	s9 =	sor.u32 $0xD0000000, s2;
	s6 =	simm.s32 $0x108;
	_ =	swait.ge @!p0 [sflag:s8], $0x0  }
0x24: {  	s3 =	sadd.s32 $0x88, s3;
	s6 =	simm.s32 @!p1 $0x1082;
	[sflag:s4] =	ssyncset.s32 $0xFFFFF086  }
0x25: {  	[simem:s6], [sflag:s4] =	dma.local [hbm:s3], $0xF7A  }
0x26: {  	[smem:$0x3F94] =	sst s1;
	(tag) =	ssettag s2;
	_ =	strace s9  }
0x27: {  	s1 =	sld [smem:$0x3FA4]  }
0x28: {  	s2 =	sld [smem:$0x3FA5]  }
0x29: {  	s4 =	sld [smem:$0x3FA7]  }
0x2a: {  	p0 =	seq.s32 s5, $0x0;
	s5 =	sld [smem:$0x3FA8]  }
0x2b: {  	s6 =	sld [smem:$0x3FA9]  }
0x2c: {  	s7 =	sld [smem:$0x3FAA]  }
0x2d: {  	s3 =	simm.s32 $0x108;
	s8 =	sld [smem:$0x3FAB]  }
0x2e: {  	s3 =	simm.s32 @!p0 $0x1082;
	s9 =	sld [smem:$0x3FAC]  }
0x2f: {  	lr =	sadd.s32 s0, s3;
	s0 =	sld [smem:$0x3FA3]  }
0x30: {  	s3 =	sld [smem:$0x3FA6]  }
0x31: {  	[smem:$0x3FAF] =	sst s10  }
0x32: {  	s10 =	sld [smem:$0x3FAD];
	_ =	sdelay $0x3  }
0x33: {  	p0 =	seq.s32 s10, $0x1;
	s10 =	sld [smem:$0x3FAF];
	_ =	sdelay $0x3  }
0x34: {  	[smem:$0x3FAF] =	sst s10  }
0x35: {  	s10 =	sld [smem:$0x3FAE];
	_ =	sdelay $0x3  }
0x36: {  	p1 =	seq.s32 s10, $0x1;
	s10 =	sld [smem:$0x3FAF];
	_ =	sdelay $0x3  }
0x37: {  	[smem:$0x3FAF] =	sst s10  }
0x38: {  	s10 =	sld [smem:$0x3FB0]  }
0x39: {  	_ = 	snop;
	(pc) =	sbr.ind lr, $3  }
0x3a: {  	_ = 	snop  }
0x3b: {  	_ = 	snop  }
0x3c: {  	p2 =	seq.s32 s10, $0x1;
	s10 =	sld [smem:$0x3FAF]  }
0x3d: {  	_ =	shalt  }
0x3e: {  	_ =	shalt  }
0x3f: {  	_ =	shalt  }
0x40: {  	_ =	shalt  }
0x41: {  	_ =	shalt  }
0x42: {  	_ =	shalt  }
0x43: {  	_ =	shalt  }
0x44: {  	_ =	shalt  }
0x45: {  	_ =	shalt  }
0x46: {  	_ =	shalt  }
0x47: {  	_ =	shalt  }
0x48: {  	_ =	shalt  }
0x49: {  	_ =	shalt  }
0x4a: {  	_ =	shalt  }
0x4b: {  	_ =	shalt  }
0x4c: {  	_ =	shalt  }
0x4d: {  	_ =	shalt  }
0x4e: {  	_ =	shalt  }
0x4f: {  	_ =	shalt  }
0x50: {  	_ =	shalt  }
0x51: {  	_ =	shalt  }
0x52: {  	_ =	shalt  }
0x53: {  	_ =	shalt  }
0x54: {  	_ =	shalt  }
0x55: {  	_ =	shalt  }
0x56: {  	_ =	shalt  }
0x57: {  	_ =	shalt  }
0x58: {  	_ =	shalt  }
0x59: {  	_ =	shalt  }
0x5a: {  	_ =	shalt  }
0x5b: {  	_ =	shalt  }
0x5c: {  	_ =	shalt  }
0x5d: {  	_ =	shalt  }
0x5e: {  	_ =	shalt  }
0x5f: {  	_ =	shalt  }
0x60: {  	_ =	shalt  }
0x61: {  	_ =	shalt  }
0x62: {  	_ =	shalt  }
0x63: {  	_ =	shalt  }
0x64: {  	_ =	shalt  }
0x65: {  	_ =	shalt  }
0x66: {  	_ =	shalt  }
0x67: {  	_ =	shalt  }
0x68: {  	_ =	shalt  }
0x69: {  	_ =	shalt  }
0x6a: {  	_ =	shalt  }
0x6b: {  	_ =	shalt  }
0x6c: {  	_ =	shalt  }
0x6d: {  	_ =	shalt  }
0x6e: {  	_ =	shalt  }
0x6f: {  	_ =	shalt  }
0x70: {  	_ =	shalt  }
0x71: {  	_ =	shalt  }
0x72: {  	_ =	shalt  }
0x73: {  	_ =	shalt  }
0x74: {  	_ =	shalt  }
0x75: {  	_ =	shalt  }
0x76: {  	_ =	shalt  }
0x77: {  	_ =	shalt  }
0x78: {  	_ =	shalt  }
0x79: {  	_ =	shalt  }
0x7a: {  	_ =	shalt  }
0x7b: {  	_ =	shalt  }
0x7c: {  	_ =	shalt  }
0x7d: {  	_ =	shalt  }
0x7e: {  	_ =	shalt  }
0x7f: {  	_ =	shalt  }
0x80: {  	_ =	shalt  }
0x81: {  	_ =	shalt  }
0x82: {  	_ =	shalt  }
0x83: {  	_ =	shalt  }
0x84: {  	_ =	shalt  }
0x85: {  	_ =	shalt  }
0x86: {  	_ =	shalt  }
0x87: {  	_ =	shalt  }
.Lfunc_end0:
.L_simem_size_0:
called_computation.1_lowered:
.L_overlay_start_0:
0x88: {  	s2 =	sld [smem:$0x3FD9]  }
0x89: {  	s3 =	sld [smem:$0x3FFE];
	_ =	sdelay $0x1  }
0x8a: {  	s1 =	srdreg.scid  }
0x8b: {  	s0 =	sand.u32 $0x1, s1  }
0x8c: {  	s17 =	sshll.u32 s0, $0xA;
	s2 =	sadd.s32 s3, s2  }
0x8d: {  	s2 =	sadd.s32 s2, s17  }
0x8e: {  	[smem:$0x3FBB] =	sst s2  }
0x8f: {  	_ = 	snop  }
0x90: {  	s2 =	sld [smem:$0x3FD0];
	(tm) =	ssettm $0x1  }
0x91: {  	s18 =	sld [smem:$0x3FFB];
	_ =	sdelay $0x3  }
0x92: {  	_ =	strace s18  }
0x93: {  	s3 =	sld [smem:$0x3FFC];
	_ =	sdelay $0x3  }
0x94: {  	_ =	strace s3  }
0x95: {  	s3 =	sld [smem:$0x3FFD];
	_ =	sdelay $0x3  }
0x96: {  	_ =	strace s3  }
0x97: {  	_ =	strace $0x8FFFFFFF  }
0x98: {  	s19 =	sld [smem:$0x3FDB];
	_ =	sdelay $0x1  }
0x99: {  	s4 =	simm.s32 $_scs_section_size  }
0x9a: {  	s5 =	simm.s32 $_size__tile_overlayer_lowered;
	s6 =	simm.s32 $_tile_overlayer_lowered  }
0x9b: {  	s22 =	simm.s32 $0x1BFF;
	s21 =	sshll.u32 s6, $0x1;
	s3 =	sadd.s32 s4, s19  }
0x9c: {  	s7 =	simm.s32 $0x0;
	s20 =	sshll.u32 s5, $0x1;
	s5 =	sadd.s32 s21, s3  }
0x9d: {  	[timem:s7], [sflag:s22] =	dma.local [hbm:s5], s20  }
0x9e: {  	_ =	swait.ge [sflag:s22], s20  }
0x9f: {  	s4 =	ssub.s32 $0x0, s20;
	[sflag:s22] =	ssyncset.done $0x0  }
0xa0: {  	[sflag:s22] =	ssyncadd.s32 s4;
	_ =	sdelay $0x1  }
0xa1: {  	s23 =	simm.s32 $0x1B8B  }
0xa2: {  	_ =	swait.ge [sflag:s23], $0x1  }
0xa3: {  	[sflag:s23] =	ssyncset.done $0x0  }
0xa4: {  	s25 =	simm.s32 $0x1B8E;
	s24 =	sld [smem:$0x3FFE];
	[sflag:s23] =	ssyncadd.s32 $0xFFFFFFFF  }
0xa5: {  	s26 =	simm.s32 $execute0_lowered;
	[smem:$0x3FD2] =	sst s25  }
0xa6: {  	s5 =	sshll.u32 s26, $0x1;
	_ =	strace $0x80000049;
	[dreg:$0x1] =	wrdreg $0xFFFFFFFF  }
0xa7: {  	s28 =	simm.s32 $_size_execute0_lowered;
	s3 =	sadd.s32 s3, s5;
	[dreg:$0x0] =	wrdreg $0x0  }
0xa8: {  	s5 =	sshll.u32 s28, $0x1;
	[dreg:$0x2] =	wrdreg s3  }
0xa9: {  	[dreg:$0x3] =	wrdreg s5  }
0xaa: {  	[dreg:$0x4] =	wrdreg $0xC0  }
0xab: {  	_ =	task [dreg:s7], $0x5FFFF  }
0xac: {  	[dreg:$0x1] =	wrdreg $0xFFFFFFFF  }
0xad: {  	[dreg:$0x0] =	wrdreg $0x60  }
0xae: {  	[dreg:$0x2] =	wrdreg s24  }
0xaf: {  	[dreg:$0x3] =	wrdreg s2  }
0xb0: {  	[dreg:$0x4] =	wrdreg $0x9  }
0xb1: {  	_ =	task.clear_ibuf [dreg:s7], $0x5FFFF;
	_ =	strace $0x90000049  }
0xb2: {  	s29 =	simm.s32 $0x9;
	_ =	strace $0x8000004B  }
0xb3: {  	_ =	swait.ge [sflag:s29], $0x1  }
0xb4: {  	[sflag:s29] =	ssyncadd.s32 $0xFFFFFFFF  }
0xb5: {  	_ =	strace $0x9000004B  }
0xb6: {  	_ =	sfence  }
0xb7: {  	s30 =	sld [smem:$0x0];
	_ =	sdelay $0x2  }
0xb8: {  	s31 =	sshll.u32 s1, $0xD;
	s1 =	sshrl.u32 s1, $0x2  }
0xb9: {  	s3 =	sand.u32 $0x4000, s31;
	s1 =	sadd.s32 s1, s30  }
0xba: {  	s0 =	sor.u32 s3, s0;
	s1 =	sshll.u32 s1, $0x11  }
0xbb: {  	s0 =	sor.u32 s1, s0  }
0xbc: {  	s0 =	sadd.s32 $0x8F2B, s0  }
0xbd: {  	[sflag:s0] =	ssyncadd.remote.s32 $0x1  }
0xbe: {  	_ =	sfence.sel $0xFFFF  }
0xbf: {  	[dreg:$0x0] =	wrdreg $0xFFFFFFFF;
	(pc) =	sbr.abs _section_cstart, $3  }
0xc0: {  	[dreg:$0x1] =	wrdreg $0xFFFFFFFF  }
0xc1: {  	_ =	task.clear_ibuf [dreg:s7], $0x2FFFF;
	_ =	strace $0x9FFFFFFF  }
0xc2: {  	(tm) =	ssettm $0x7FFFFFFF  }
0xc3: {  	_ =	shalt  }
tec
execute0_lowered:
.L_overlay_start_1:
0x0: {  	(tag) =	ssettag $0x1  }
0x1: {  	s0 =	srdreg.scid  }
0x2: {  	s7 =	stileid.u32;
	s1 =	rddreg [dreg:$0x0]  }
0x3: {  	s9 =	rddreg [dreg:$0x1];
	s28 =	simm.s32 $0x4E200;
	s30 =	simm.s32 $0x1BD50  }
0x4: {  	s31 =	simm.s32 $0x1C070;
	s29 =	simm.s32 $0x2;
	s0 =	sand.u32 $0x1, s0  }
0x5: {  	s3 =	sshll.u32 s7, $0x2;
	s5 =	sadd.s32 $0xC00, s1;
	s13 =	sadd.s32 $0x17000, s1  }
0x6: {  	s15 =	sand.u32 $0x3, s7;
	s20 =	sadd.s32 $0xAA64, s1;
	s2 =	sshll.u32 s0, $0x6  }
0x7: {  	s25 =	sshll.u32 s0, $0x4;
	s0 =	ssub.s32 $0x2, s0;
	s16 =	sshll.u32 s15, $0x1  }
0x8: {  	s10 =	sor.u32 s3, s2;
	s4 =	sor.u32 s7, s25;
	s2 =	simm.s32 $0x0  }
0x9: {  	s14 =	sshrl.u32 s0, $0x1;
	s3 =	sshrl.u32 s10, $0x1;
	s21 =	smul.u32 $0x4E2, s10  }
0xa: {  	s8 =	sshrl.u32 s4, $0x2;
	[smem:$0x7FF] =	sst s2;
	s3 =	smul.u32 $0x4E2, s3  }
0xb: {  	s4 =	sadd.s32 $0xAA00, s1;
	s0 =	ssub.s32 s0, s14;
	s6 =	smul.u32 $0x4E2, s8  }
0xc: {  	_ =	strace $0x8000004A;
	s7 =	smul.u32 $0x4E200, s8;
	s17 =	sshll.u32 s8, $0x4  }
0xd: {  	s8 =	smul.u32 $0x9C400, s15;
	[dreg:$0x5] =	wrdreg s20;
	s20 =	smax.u32 s0, $0x1  }
0xe: {  	s0 =	simm.s32 $0x1C6B0;
	s26 =	sor.u32 s16, s17;
	s11 =	sadd.s32 s3, s1  }
0xf: {  	s3 =	sadd.s32 $0xC9600, s1;
	s12 =	sadd.s32 s6, s1;
	s6 =	sadd.s32 $0x67A00, s1  }
0x10: {  	s18 =	sshrl.u32 s7, $0x3;
	s19 =	sshrl.u32 s8, $0x3;
	s16 =	smul.u32 $0x2710, s26  }
0x11: {  	s1 =	sadd.s32 $0xC64, s1;
	s23 =	smul.u32 $0x4E2, s26;
	s11 =	sadd.s32 $0xB5C00, s11  }
0x12: {  	s17 =	sadd.s32 $0x14800, s12;
	s12 =	sadd.s32 s3, s19;
	[dreg:$0x6] =	wrdreg s1  }
0x13: {  	s1 =	sadd.s32 s9, s21;
	s21 =	simm.s32 $0x3;
	[dreg:$0x3] =	wrdreg s11  }
0x14: {  	s9 =	simm.s32 $0x0;
	[dreg:$0x4] =	wrdreg s17;
	s11 =	sadd.s32 s6, s18  }
0x15: {  	s24 =	sshrl.u32 s16, $0x3;
	s25 =	sadd.s32 $0x64, s12;
	[dreg:$0x9] =	wrdreg s1  }
0x16: {  	s18 =	sadd.s32 s13, s23;
	s1 =	simm.s32 $0x1C390;
	s23 =	simm.s32 $0x4E20  }
0x17: {  	s22 =	sadd.s32 $0x64, s11;
	[dreg:$0x8] =	wrdreg s25;
	s26 =	sadd.s32 s13, s24  }
0x18: {  	s24 =	simm.s32 $0xEA60;
	s25 =	simm.s32 $0x13880;
	[dreg:$0x7] =	wrdreg s22  }
0x19: {  	v0 =	vimm.f32 $0.0e+00;
	s19 =	sadd.s32 $0x2710, s26;
	s26 =	simm.s32 $0x320;
	s22 =	simm.s32 $0x1  }
.LBB2_1:
0x1a: {  	s10 =	rddreg [dreg:$0x3]  }
0x1b: {  	[tilespmem:s2], [sflag:$0x3] =	stream.linear.gather [hbm4b:s10+s2], $0x4E20, $0x38;
	[tilespmem:$0x1CCF0] =	vst v63  }
0x1c: {  	_ =	swait.ge [sflag:s21], $0x4E20  }
0x1d: {  	[sflag:s21] =	ssyncset.done $0x0  }
0x1e: {  	s13 =	simm.s32 $0x186A0;
	s17 =	rddreg [dreg:$0x4];
	[sflag:s21] =	ssyncadd.s32 $0xFFFFB1E0  }
0x1f: {  	[tilespmem:s13], [sflag:$0x3] =	stream.linear.gather [hbm4b:s17+s2], $0x2710, $0x38;
	[tilespmem:$0x1CCF0] =	vst v63  }
0x20: {  	_ =	swait.ge [sflag:s21], $0x2710  }
0x21: {  	[sflag:s21] =	ssyncset.done $0x0  }
0x22: {  	s10 =	simm.s32 $0x0;
	s13 =	simm.s32 $0x40;
	[sflag:s21] =	ssyncadd.s32 $0xFFFFD8F0  }
.LBB2_2:
0x23: {  	p0 =	sne.s32 s13, $0x9C00;
	[tilespmem:s10+$0x15F90] =	vst v0  }
0x24: {  	[tilespmem:s10+$0x4E20] =	vst v0  }
0x25: {  	[tilespmem:s10+$0x7530] =	vst v0  }
.Ltmp0:
0x26: {  	[tilespmem:s10+$0x9C40] =	vst v0;
	(pc) =	sbr.rel @p0 .LBB2_2-.Ltmp0, $4  }
0x27: {  	[tilespmem:s10+$0xC350] =	vst v0  }
0x28: {  	[tilespmem:s10+$0xEA60] =	vst v0  }
0x29: {  	[tilespmem:s10+$0x11170] =	vst v0  }
0x2a: {  	[tilespmem:s10+$0x13880] =	vst v0;
	s10 =	sshra.s32 s13, $0x2;
	s13 =	sadd.s32 $0x40, s13  }
0x2b: {  	[tilespmem:s10+$0x15F90] =	vst v0  }
0x2c: {  	[tilespmem:s10+$0x4E20] =	vst v0  }
0x2d: {  	[tilespmem:s10+$0x7530] =	vst v0  }
0x2e: {  	[tilespmem:s10+$0x9C40] =	vst v0  }
0x2f: {  	[tilespmem:s10+$0xC350] =	vst v0  }
0x30: {  	[tilespmem:s10+$0xEA60] =	vst v0  }
0x31: {  	[tilespmem:s10+$0x11170] =	vst v0  }
0x32: {  	[tilespmem:s10+$0x13880] =	vst v0;
	s10 =	simm.s32 $0x0;
	s13 =	simm.s32 $0x1ADB0  }
0x33: {  	[tilespmem:s13], [sflag:$0x1] =	stream.linear.gather [hbm4b:s4+s10], $0x320, $0x38;
	[tilespmem:$0x1CCF0] =	vst v63  }
0x34: {  	s15 =	simm.s32 $0x1B0D0  }
0x35: {  	[tilespmem:s15], [sflag:$0x1] =	stream.linear.gather [hbm4b:s5+s10], $0x320, $0x38;
	[tilespmem:$0x1CCF0] =	vst v63  }
0x36: {  	s16 =	simm.s32 $0x1B3F0  }
0x37: {  	[tilespmem:s16], [sflag:$0x1] =	stream.linear.gather [hbm4b:s11+s10], $0x320, $0x38;
	[tilespmem:$0x1CCF0] =	vst v63  }
0x38: {  	s17 =	simm.s32 $0x1B710  }
0x39: {  	[tilespmem:s17], [sflag:$0x1] =	stream.strided.gather [hbm4b:s12+s26], $0x640, s28, s26, $0x38;
	[tilespmem:$0x1CCF0] =	vst v63  }
0x3a: {  	s14 =	rddreg [dreg:$0x5]  }
0x3b: {  	[tilespmem:s30], [sflag:$0x2] =	stream.linear.gather [hbm4b:s14+s10], $0x320, $0x38;
	[tilespmem:$0x1CCF0] =	vst v63  }
0x3c: {  	s15 =	rddreg [dreg:$0x6]  }
0x3d: {  	[tilespmem:s31], [sflag:$0x2] =	stream.linear.gather [hbm4b:s15+s10], $0x320, $0x38;
	[tilespmem:$0x1CCF0] =	vst v63  }
0x3e: {  	s16 =	rddreg [dreg:$0x7]  }
0x3f: {  	[tilespmem:s1], [sflag:$0x2] =	stream.linear.gather [hbm4b:s16+s10], $0x320, $0x38;
	[tilespmem:$0x1CCF0] =	vst v63  }
0x40: {  	s17 =	rddreg [dreg:$0x8]  }
0x41: {  	[tilespmem:s0], [sflag:$0x2] =	stream.strided.gather [hbm4b:s17+s26], $0x640, s28, s26, $0x38;
	[tilespmem:$0x1CCF0] =	vst v63  }
.LBB2_4:
0x42: {  	_ =	swait.ge [sflag:s22], $0x320  }
0x43: {  	[sflag:s22] =	ssyncset.done $0x0  }
0x44: {  	[sflag:s22] =	ssyncadd.s32 $0xFFFFFCE0  }
0x45: {  	_ =	swait.ge [sflag:s22], $0x320  }
0x46: {  	[sflag:s22] =	ssyncset.done $0x0  }
0x47: {  	[sflag:s22] =	ssyncadd.s32 $0xFFFFFCE0  }
0x48: {  	_ =	swait.ge [sflag:s22], $0x320  }
0x49: {  	[sflag:s22] =	ssyncset.done $0x0  }
0x4a: {  	[sflag:s22] =	ssyncadd.s32 $0xFFFFFCE0  }
0x4b: {  	_ =	swait.ge [sflag:s22], $0x640  }
0x4c: {  	[sflag:s22] =	ssyncset.done $0x0  }
0x4d: {  	s13 =	simm.s32 $0x0;
	[sflag:s22] =	ssyncadd.s32 $0xFFFFF9C0  }
0x4e: {  	v1 =	vld [tilespmem:s13+$0x1BA70]  }
0x4f: {  	v5 =	vld [tilespmem:s13+$0x1B100]  }
0x50: {  	v3 =	vld [tilespmem:s13+$0x1B110]  }
0x51: {  	v2 =	vld [tilespmem:s13+$0x1B430]  }
0x52: {  	v4 =	vld [tilespmem:s13+$0x1B750]  }
0x53: {  	v7 =	vld [tilespmem:s13+$0x1B3F0]  }
0x54: {  	v8 =	vld [tilespmem:s13+$0x1B0E0]  }
0x55: {  	v6 =	vld [tilespmem:s13+$0x1B420]  }
0x56: {  	v9 =	vld [tilespmem:s13+$0x1B0F0]  }
0x57: {  	v10 =	vld [tilespmem:s13+$0x1B740]  }
0x58: {  	v11 =	vld [tilespmem:s13+$0x1BA40]  }
0x59: {  	v12 =	vld [tilespmem:s13+$0x1BA50]  }
0x5a: {  	v13 =	vld [tilespmem:s13+$0x1B730]  }
0x5b: {  	v14 =	vld [tilespmem:s13+$0x1B0D0]  }
0x5c: {  	v15 =	vld [tilespmem:s13+$0x1ADE0]  }
0x5d: {  	v16 =	vld [tilespmem:s13+$0x1ADD0]  }
0x5e: {  	v17 =	vld [tilespmem:s13+$0x1ADF0]  }
0x5f: {  	v18 =	vld [tilespmem:s13+$0x1ADC0]  }
0x60: {  	v19 =	vld [tilespmem:s13+$0x1ADB0]  }
0x61: {  	v20 =	vld [tilespmem:s13+$0x1B400]  }
0x62: {  	v21 =	vld [tilespmem:s13+$0x1BA30]  }
0x63: {  	v22 =	vld [tilespmem:s13+$0x1B710]  }
0x64: {  	v26 =	vld [tilespmem:s13+$0x1B720]  }
0x65: {  	v30 =	vld [tilespmem:s13+$0x1B410]  }
0x66: {  	v32 =	vld [tilespmem:s13+$0x1BA60]  }
0x67: {  	v23 =	vadd.s32 $0x2710, v18;
	v24 =	vld.idx.msk [tilespmem:v15+s2+$0x0], $0xffff  }
0x68: {  	v25 =	vadd.s32 $0x2710, v19;
	v27 =	vld.idx.msk [tilespmem:v17+s2+$0x0], $0xffff  }
0x69: {  	v28 =	vadd.s32 $0x2710, v16;
	v19 =	vld.idx.msk [tilespmem:v19+s2+$0x0], $0xffff  }
0x6a: {  	v17 =	vadd.s32 $0x2710, v17;
	v18 =	vld.idx.msk [tilespmem:v18+s2+$0x0], $0xffff  }
0x6b: {  	v15 =	vadd.s32 $0x2710, v15;
	v16 =	vld.idx.msk [tilespmem:v16+s2+$0x0], $0xffff  }
0x6c: {  	v23 =	vld.idx.msk [tilespmem:v23+s2+$0x0], $0xffff  }
0x6d: {  	v29 =	vadd.s32 $0x2710, v14;
	v25 =	vld.idx.msk [tilespmem:v25+s2+$0x0], $0xffff  }
0x6e: {  	v28 =	vld.idx.msk [tilespmem:v28+s2+$0x0], $0xffff;
	v31 =	vshll.u32 v19, $0x10  }
0x6f: {  	v17 =	vld.idx.msk [tilespmem:v17+s2+$0x0], $0xffff;
	v19 =	vand.u32 $0xFFFF0000, v19;
	v31 =	vmul.f32 v31, v7  }
0x70: {  	v33 =	vshll.u32 v22, $0x10;
	v34 =	vadd.s32 $0x4E20, v14;
	v15 =	vld.idx.msk [tilespmem:v15+s2+$0x0], $0xffff;
	v19 =	vmul.f32 v19, v7  }
0x71: {  	v22 =	vand.u32 $0xFFFF0000, v22;
	v35 =	vadd.s32 $0x7530, v14;
	v33 =	vmul.f32 v33, v7;
	[tilespmem:v14+s23+$0x0] =	vst.idx.add.f32.msk $0xffff, v31  }
0x72: {  	v22 =	vmul.f32 v22, v7;
	v60 =	vshll.u32 v25, $0x10;
	[tilespmem:v29+s23+$0x0] =	vst.idx.add.f32.msk $0xffff, v19  }
0x73: {  	v61 =	vand.u32 $0xFFFF0000, v25;
	v62 =	vmul.f32 v60, v7;
	[tilespmem:v14+s24+$0x0] =	vst.idx.add.f32.msk $0xffff, v33  }
0x74: {  	v63 =	vshll.u32 v21, $0x10;
	v19 =	vmul.f32 v61, v7;
	[tilespmem:v14+s25+$0x0] =	vst.idx.add.f32.msk $0xffff, v22  }
0x75: {  	v21 =	vand.u32 $0xFFFF0000, v21;
	v36 =	vmul.f32 v63, v7;
	v33 =	vadd.s32 $0x2710, v8;
	[tilespmem:v34+s23+$0x0] =	vst.idx.add.f32.msk $0xffff, v62  }
0x76: {  	v37 =	vshll.u32 v18, $0x10;
	v7 =	vmul.f32 v21, v7;
	[tilespmem:v35+s23+$0x0] =	vst.idx.add.f32.msk $0xffff, v19  }
0x77: {  	v18 =	vand.u32 $0xFFFF0000, v18;
	v38 =	vmul.f32 v37, v20;
	[tilespmem:v29+s24+$0x0] =	vst.idx.add.f32.msk $0xffff, v36  }
0x78: {  	v39 =	vadd.s32 $0x4E20, v8;
	v40 =	vshll.u32 v26, $0x10;
	v18 =	vmul.f32 v18, v20;
	[tilespmem:v29+s25+$0x0] =	vst.idx.add.f32.msk $0xffff, v7  }
0x79: {  	v41 =	vand.u32 $0xFFFF0000, v26;
	v22 =	vmul.f32 v40, v20;
	v7 =	vadd.s32 $0x7530, v8;
	[tilespmem:v8+s23+$0x0] =	vst.idx.add.f32.msk $0xffff, v38  }
0x7a: {  	v42 =	vmul.f32 v41, v20;
	v43 =	vshll.u32 v23, $0x10;
	[tilespmem:v33+s23+$0x0] =	vst.idx.add.f32.msk $0xffff, v18  }
0x7b: {  	v44 =	vand.u32 $0xFFFF0000, v23;
	v45 =	vmul.f32 v43, v20;
	[tilespmem:v8+s24+$0x0] =	vst.idx.add.f32.msk $0xffff, v22  }
0x7c: {  	v46 =	vshll.u32 v11, $0x10;
	v18 =	vmul.f32 v44, v20;
	[tilespmem:v8+s25+$0x0] =	vst.idx.add.f32.msk $0xffff, v42  }
0x7d: {  	v47 =	vadd.s32 $0x2710, v9;
	v48 =	vmul.f32 v46, v20;
	v8 =	vand.u32 $0xFFFF0000, v11;
	[tilespmem:v39+s23+$0x0] =	vst.idx.add.f32.msk $0xffff, v45  }
0x7e: {  	v49 =	vshll.u32 v16, $0x10;
	v8 =	vmul.f32 v8, v20;
	[tilespmem:v7+s23+$0x0] =	vst.idx.add.f32.msk $0xffff, v18  }
0x7f: {  	v50 =	vmul.f32 v49, v30;
	v7 =	vand.u32 $0xFFFF0000, v16;
	[tilespmem:v33+s24+$0x0] =	vst.idx.add.f32.msk $0xffff, v48  }
0x80: {  	v51 =	vshll.u32 v13, $0x10;
	v7 =	vmul.f32 v7, v30;
	[tilespmem:v33+s25+$0x0] =	vst.idx.add.f32.msk $0xffff, v8;
	v8 =	vadd.s32 $0x4E20, v9  }
0x81: {  	v13 =	vand.u32 $0xFFFF0000, v13;
	v53 =	vadd.s32 $0x7530, v9;
	v52 =	vmul.f32 v51, v30;
	[tilespmem:v9+s23+$0x0] =	vst.idx.add.f32.msk $0xffff, v50  }
0x82: {  	v13 =	vmul.f32 v13, v30;
	v54 =	vshll.u32 v28, $0x10;
	[tilespmem:v47+s23+$0x0] =	vst.idx.add.f32.msk $0xffff, v7  }
0x83: {  	v18 =	vmul.f32 v54, v30;
	v7 =	vand.u32 $0xFFFF0000, v28;
	[tilespmem:v9+s24+$0x0] =	vst.idx.add.f32.msk $0xffff, v52  }
0x84: {  	v55 =	vshll.u32 v12, $0x10;
	v7 =	vmul.f32 v7, v30;
	[tilespmem:v9+s25+$0x0] =	vst.idx.add.f32.msk $0xffff, v13  }
0x85: {  	v56 =	vadd.s32 $0x2710, v5;
	v9 =	vmul.f32 v55, v30;
	[tilespmem:v8+s23+$0x0] =	vst.idx.add.f32.msk $0xffff, v18;
	v8 =	vand.u32 $0xFFFF0000, v12  }
0x86: {  	v57 =	vshll.u32 v24, $0x10;
	[tilespmem:v53+s23+$0x0] =	vst.idx.add.f32.msk $0xffff, v7;
	v7 =	vmul.f32 v8, v30  }
0x87: {  	v13 =	vmul.f32 v57, v6;
	v8 =	vand.u32 $0xFFFF0000, v24;
	[tilespmem:v47+s24+$0x0] =	vst.idx.add.f32.msk $0xffff, v9  }
0x88: {  	v58 =	vshll.u32 v10, $0x10;
	v8 =	vmul.f32 v8, v6;
	[tilespmem:v47+s25+$0x0] =	vst.idx.add.f32.msk $0xffff, v7;
	v7 =	vadd.s32 $0x4E20, v5  }
0x89: {  	v10 =	vand.u32 $0xFFFF0000, v10;
	v59 =	vadd.s32 $0x7530, v5;
	v9 =	vmul.f32 v58, v6;
	[tilespmem:v5+s23+$0x0] =	vst.idx.add.f32.msk $0xffff, v13  }
0x8a: {  	v10 =	vmul.f32 v10, v6;
	v60 =	vshll.u32 v15, $0x10;
	[tilespmem:v56+s23+$0x0] =	vst.idx.add.f32.msk $0xffff, v8  }
0x8b: {  	v13 =	vmul.f32 v60, v6;
	v8 =	vand.u32 $0xFFFF0000, v15;
	[tilespmem:v5+s24+$0x0] =	vst.idx.add.f32.msk $0xffff, v9  }
0x8c: {  	v61 =	vshll.u32 v32, $0x10;
	v8 =	vmul.f32 v8, v6;
	[tilespmem:v5+s25+$0x0] =	vst.idx.add.f32.msk $0xffff, v10  }
0x8d: {  	v9 =	vmul.f32 v61, v6;
	v5 =	vand.u32 $0xFFFF0000, v32;
	[tilespmem:v7+s23+$0x0] =	vst.idx.add.f32.msk $0xffff, v13;
	v7 =	vadd.s32 $0x2710, v3  }
0x8e: {  	v5 =	vmul.f32 v5, v6;
	v6 =	vshll.u32 v27, $0x10;
	[tilespmem:v59+s23+$0x0] =	vst.idx.add.f32.msk $0xffff, v8  }
0x8f: {  	v8 =	vand.u32 $0xFFFF0000, v27;
	v6 =	vmul.f32 v6, v2;
	[tilespmem:v56+s24+$0x0] =	vst.idx.add.f32.msk $0xffff, v9  }
0x90: {  	v62 =	vshll.u32 v4, $0x10;
	v8 =	vmul.f32 v8, v2;
	[tilespmem:v56+s25+$0x0] =	vst.idx.add.f32.msk $0xffff, v5;
	v5 =	vadd.s32 $0x4E20, v3  }
0x91: {  	v4 =	vand.u32 $0xFFFF0000, v4;
	v9 =	vmul.f32 v62, v2;
	[tilespmem:v3+s23+$0x0] =	vst.idx.add.f32.msk $0xffff, v6;
	v6 =	vadd.s32 $0x7530, v3  }
0x92: {  	v63 =	vshll.u32 v17, $0x10;
	v4 =	vmul.f32 v4, v2;
	[tilespmem:v7+s23+$0x0] =	vst.idx.add.f32.msk $0xffff, v8  }
0x93: {  	v10 =	vmul.f32 v63, v2;
	v8 =	vand.u32 $0xFFFF0000, v17;
	[tilespmem:v3+s24+$0x0] =	vst.idx.add.f32.msk $0xffff, v9  }
0x94: {  	v8 =	vmul.f32 v8, v2;
	[tilespmem:v3+s25+$0x0] =	vst.idx.add.f32.msk $0xffff, v4;
	v3 =	vshll.u32 v1, $0x10  }
0x95: {  	v1 =	vand.u32 $0xFFFF0000, v1;
	[tilespmem:v5+s23+$0x0] =	vst.idx.add.f32.msk $0xffff, v10;
	v3 =	vmul.f32 v3, v2  }
0x96: {  	v1 =	vmul.f32 v1, v2;
	[tilespmem:v6+s23+$0x0] =	vst.idx.add.f32.msk $0xffff, v8  }
0x97: {  	s13 =	simm.s32 $0x140;
	[tilespmem:v7+s24+$0x0] =	vst.idx.add.f32.msk $0xffff, v3  }
.LBB2_5:
0x98: {  	s14 =	sshra.s32 s13, $0x2;
	p0 =	sne.s32 s13, $0xB40;
	s13 =	sadd.s32 $0x140, s13;
	[tilespmem:v7+s25+$0x0] =	vst.idx.add.f32.msk $0xffff, v1  }
0x99: {  	v1 =	vld [tilespmem:s14+$0x1BA70]  }
0x9a: {  	v4 =	vld [tilespmem:s14+$0x1B100]  }
0x9b: {  	v3 =	vld [tilespmem:s14+$0x1B110]  }
0x9c: {  	v2 =	vld [tilespmem:s14+$0x1B430]  }
0x9d: {  	v5 =	vld [tilespmem:s14+$0x1B750]  }
0x9e: {  	v16 =	vld [tilespmem:s14+$0x1B3F0]  }
0x9f: {  	v11 =	vld [tilespmem:s14+$0x1B0E0]  }
0xa0: {  	v14 =	vld [tilespmem:s14+$0x1B420]  }
0xa1: {  	v8 =	vld [tilespmem:s14+$0x1B0F0]  }
0xa2: {  	v7 =	vld [tilespmem:s14+$0x1B740];
	v6 =	vshll.u32 v5, $0x10;
	v5 =	vand.u32 $0xFFFF0000, v5  }
0xa3: {  	v13 =	vld [tilespmem:s14+$0x1BA40];
	v6 =	vmul.f32 v6, v2;
	v5 =	vmul.f32 v5, v2  }
0xa4: {  	v10 =	vld [tilespmem:s14+$0x1BA50]  }
0xa5: {  	v12 =	vld [tilespmem:s14+$0x1B730]  }
0xa6: {  	v17 =	vld [tilespmem:s14+$0x1B0D0]  }
0xa7: {  	v18 =	vld [tilespmem:s14+$0x1ADE0];
	v9 =	vshll.u32 v7, $0x10;
	v7 =	vand.u32 $0xFFFF0000, v7  }
0xa8: {  	v19 =	vld [tilespmem:s14+$0x1ADD0];
	v9 =	vmul.f32 v9, v14;
	v7 =	vmul.f32 v7, v14  }
0xa9: {  	v20 =	vld [tilespmem:s14+$0x1ADF0]  }
0xaa: {  	v21 =	vld [tilespmem:s14+$0x1ADC0]  }
0xab: {  	v22 =	vld [tilespmem:s14+$0x1ADB0]  }
0xac: {  	v23 =	vld [tilespmem:s14+$0x1B400]  }
0xad: {  	v24 =	vld [tilespmem:s14+$0x1BA30]  }
0xae: {  	v15 =	vadd.s32 $0x2710, v11;
	v25 =	vld [tilespmem:s14+$0x1B710]  }
0xaf: {  	v26 =	vadd.s32 $0x2710, v21;
	v27 =	vld.idx.msk [tilespmem:v18+s2+$0x0], $0xffff  }
0xb0: {  	v28 =	vadd.s32 $0x2710, v22;
	v29 =	vld [tilespmem:s14+$0x1B720]  }
0xb1: {  	v30 =	vadd.s32 $0x2710, v19;
	v31 =	vld.idx.msk [tilespmem:v20+s2+$0x0], $0xffff;
	v20 =	vadd.s32 $0x2710, v20  }
0xb2: {  	v21 =	vld.idx.msk [tilespmem:v21+s2+$0x0], $0xffff  }
0xb3: {  	v32 =	vadd.s32 $0x2710, v17;
	v34 =	vand.u32 $0xFFFF0000, v24;
	v22 =	vld.idx.msk [tilespmem:v22+s2+$0x0], $0xffff;
	v33 =	vshll.u32 v25, $0x10  }
0xb4: {  	v35 =	vadd.s32 $0x4E20, v11;
	v18 =	vadd.s32 $0x2710, v18;
	v26 =	vld.idx.msk [tilespmem:v26+s2+$0x0], $0xffff;
	v33 =	vmul.f32 v33, v16  }
0xb5: {  	v24 =	vshll.u32 v24, $0x10;
	v36 =	vshll.u32 v27, $0x10;
	v27 =	vand.u32 $0xFFFF0000, v27;
	v28 =	vld.idx.msk [tilespmem:v28+s2+$0x0], $0xffff  }
0xb6: {  	v25 =	vand.u32 $0xFFFF0000, v25;
	v24 =	vmul.f32 v24, v16;
	v36 =	vmul.f32 v36, v14;
	v20 =	vld.idx.msk [tilespmem:v20+s2+$0x0], $0xffff  }
0xb7: {  	v37 =	vadd.s32 $0x4E20, v17;
	v38 =	vadd.s32 $0x7530, v17;
	v25 =	vmul.f32 v25, v16;
	v30 =	vld.idx.msk [tilespmem:v30+s2+$0x0], $0xffff  }
0xb8: {  	v41 =	vadd.s32 $0x7530, v11;
	v34 =	vmul.f32 v34, v16;
	v40 =	vshll.u32 v21, $0x10;
	v39 =	vld [tilespmem:s14+$0x1B410]  }
0xb9: {  	v43 =	vshll.u32 v29, $0x10;
	v42 =	vshll.u32 v22, $0x10;
	v22 =	vand.u32 $0xFFFF0000, v22;
	v18 =	vld.idx.msk [tilespmem:v18+s2+$0x0], $0xffff  }
0xba: {  	v29 =	vand.u32 $0xFFFF0000, v29;
	v43 =	vmul.f32 v43, v23;
	v42 =	vmul.f32 v42, v16;
	v44 =	vld [tilespmem:s14+$0x1BA60]  }
0xbb: {  	v29 =	vmul.f32 v29, v23;
	v22 =	vmul.f32 v22, v16;
	v45 =	vshll.u32 v28, $0x10;
	v19 =	vld.idx.msk [tilespmem:v19+s2+$0x0], $0xffff  }
0xbc: {  	v40 =	vmul.f32 v40, v23;
	v28 =	vand.u32 $0xFFFF0000, v28;
	[tilespmem:v17+s23+$0x0] =	vst.idx.add.f32.msk $0xffff, v42;
	v42 =	vmul.f32 v45, v16  }
0xbd: {  	v21 =	vand.u32 $0xFFFF0000, v21;
	v16 =	vmul.f32 v28, v16;
	[tilespmem:v32+s23+$0x0] =	vst.idx.add.f32.msk $0xffff, v22;
	v22 =	vshll.u32 v26, $0x10  }
0xbe: {  	v21 =	vmul.f32 v21, v23;
	v26 =	vand.u32 $0xFFFF0000, v26;
	[tilespmem:v17+s24+$0x0] =	vst.idx.add.f32.msk $0xffff, v33;
	v22 =	vmul.f32 v22, v23  }
0xbf: {  	[tilespmem:v17+s25+$0x0] =	vst.idx.add.f32.msk $0xffff, v25;
	v17 =	vmul.f32 v26, v23;
	v25 =	vshll.u32 v30, $0x10;
	v26 =	vand.u32 $0xFFFF0000, v30  }
0xc0: {  	v28 =	vshll.u32 v18, $0x10;
	[tilespmem:v37+s23+$0x0] =	vst.idx.add.f32.msk $0xffff, v42;
	v25 =	vmul.f32 v25, v39;
	v26 =	vmul.f32 v26, v39  }
0xc1: {  	[tilespmem:v38+s23+$0x0] =	vst.idx.add.f32.msk $0xffff, v16;
	v16 =	vand.u32 $0xFFFF0000, v18;
	v18 =	vmul.f32 v28, v14;
	v28 =	vshll.u32 v44, $0x10  }
0xc2: {  	[tilespmem:v32+s24+$0x0] =	vst.idx.add.f32.msk $0xffff, v24;
	v16 =	vmul.f32 v16, v14;
	v24 =	vand.u32 $0xFFFF0000, v44;
	v28 =	vmul.f32 v28, v14  }
0xc3: {  	v27 =	vmul.f32 v27, v14;
	[tilespmem:v32+s25+$0x0] =	vst.idx.add.f32.msk $0xffff, v34;
	v14 =	vmul.f32 v24, v14;
	v24 =	vshll.u32 v20, $0x10  }
0xc4: {  	v30 =	vshll.u32 v31, $0x10;
	v20 =	vand.u32 $0xFFFF0000, v20;
	[tilespmem:v11+s23+$0x0] =	vst.idx.add.f32.msk $0xffff, v40;
	v24 =	vmul.f32 v24, v2  }
0xc5: {  	v30 =	vmul.f32 v30, v2;
	v20 =	vmul.f32 v20, v2;
	[tilespmem:v15+s23+$0x0] =	vst.idx.add.f32.msk $0xffff, v21;
	v21 =	vand.u32 $0xFFFF0000, v31  }
0xc6: {  	v32 =	vadd.s32 $0x2710, v8;
	v31 =	vshll.u32 v13, $0x10;
	v13 =	vand.u32 $0xFFFF0000, v13;
	[tilespmem:v11+s24+$0x0] =	vst.idx.add.f32.msk $0xffff, v43  }
0xc7: {  	[tilespmem:v11+s25+$0x0] =	vst.idx.add.f32.msk $0xffff, v29;
	v11 =	vmul.f32 v13, v23;
	v13 =	vshll.u32 v19, $0x10;
	v29 =	vshll.u32 v12, $0x10  }
0xc8: {  	v19 =	vand.u32 $0xFFFF0000, v19;
	[tilespmem:v35+s23+$0x0] =	vst.idx.add.f32.msk $0xffff, v22;
	v22 =	vmul.f32 v31, v23;
	v13 =	vmul.f32 v13, v39  }
0xc9: {  	v12 =	vand.u32 $0xFFFF0000, v12;
	[tilespmem:v41+s23+$0x0] =	vst.idx.add.f32.msk $0xffff, v17;
	v17 =	vmul.f32 v19, v39;
	v19 =	vmul.f32 v29, v39  }
0xca: {  	v21 =	vmul.f32 v21, v2;
	v12 =	vmul.f32 v12, v39;
	[tilespmem:v15+s24+$0x0] =	vst.idx.add.f32.msk $0xffff, v22  }
0xcb: {  	[tilespmem:v15+s25+$0x0] =	vst.idx.add.f32.msk $0xffff, v11;
	v11 =	vadd.s32 $0x4E20, v8  }
0xcc: {  	[tilespmem:v8+s23+$0x0] =	vst.idx.add.f32.msk $0xffff, v13;
	v13 =	vadd.s32 $0x7530, v8  }
0xcd: {  	[tilespmem:v32+s23+$0x0] =	vst.idx.add.f32.msk $0xffff, v17  }
0xce: {  	[tilespmem:v8+s24+$0x0] =	vst.idx.add.f32.msk $0xffff, v19  }
0xcf: {  	[tilespmem:v8+s25+$0x0] =	vst.idx.add.f32.msk $0xffff, v12;
	v8 =	vshll.u32 v10, $0x10  }
0xd0: {  	v10 =	vand.u32 $0xFFFF0000, v10;
	[tilespmem:v11+s23+$0x0] =	vst.idx.add.f32.msk $0xffff, v25;
	v8 =	vmul.f32 v8, v39;
	v11 =	vadd.s32 $0x2710, v4  }
0xd1: {  	v10 =	vmul.f32 v10, v39;
	[tilespmem:v13+s23+$0x0] =	vst.idx.add.f32.msk $0xffff, v26  }
0xd2: {  	[tilespmem:v32+s24+$0x0] =	vst.idx.add.f32.msk $0xffff, v8  }
0xd3: {  	v8 =	vadd.s32 $0x4E20, v4;
	[tilespmem:v32+s25+$0x0] =	vst.idx.add.f32.msk $0xffff, v10  }
0xd4: {  	v10 =	vadd.s32 $0x7530, v4;
	[tilespmem:v4+s23+$0x0] =	vst.idx.add.f32.msk $0xffff, v36  }
0xd5: {  	[tilespmem:v11+s23+$0x0] =	vst.idx.add.f32.msk $0xffff, v27  }
0xd6: {  	[tilespmem:v4+s24+$0x0] =	vst.idx.add.f32.msk $0xffff, v9  }
0xd7: {  	[tilespmem:v4+s25+$0x0] =	vst.idx.add.f32.msk $0xffff, v7  }
0xd8: {  	v7 =	vadd.s32 $0x2710, v3;
	[tilespmem:v8+s23+$0x0] =	vst.idx.add.f32.msk $0xffff, v18  }
0xd9: {  	[tilespmem:v10+s23+$0x0] =	vst.idx.add.f32.msk $0xffff, v16  }
0xda: {  	[tilespmem:v11+s24+$0x0] =	vst.idx.add.f32.msk $0xffff, v28  }
0xdb: {  	v4 =	vadd.s32 $0x4E20, v3;
	[tilespmem:v11+s25+$0x0] =	vst.idx.add.f32.msk $0xffff, v14  }
0xdc: {  	v8 =	vadd.s32 $0x7530, v3;
	[tilespmem:v3+s23+$0x0] =	vst.idx.add.f32.msk $0xffff, v30  }
0xdd: {  	[tilespmem:v7+s23+$0x0] =	vst.idx.add.f32.msk $0xffff, v21  }
.Ltmp1:
0xde: {  	[tilespmem:v3+s24+$0x0] =	vst.idx.add.f32.msk $0xffff, v6;
	(pc) =	sbr.rel @p0 .LBB2_5-.Ltmp1, $4  }
0xdf: {  	[tilespmem:v3+s25+$0x0] =	vst.idx.add.f32.msk $0xffff, v5;
	v3 =	vshll.u32 v1, $0x10  }
0xe0: {  	v1 =	vand.u32 $0xFFFF0000, v1;
	[tilespmem:v4+s23+$0x0] =	vst.idx.add.f32.msk $0xffff, v24;
	v3 =	vmul.f32 v3, v2  }
0xe1: {  	v1 =	vmul.f32 v1, v2;
	[tilespmem:v8+s23+$0x0] =	vst.idx.add.f32.msk $0xffff, v20  }
0xe2: {  	[tilespmem:v7+s24+$0x0] =	vst.idx.add.f32.msk $0xffff, v3  }
0xe3: {  	p0 =	seq.s32 s10, $0xC7  }
0xe4: {  	s13 =	smul.u32 @!p0 $0x640, s10;
	_ =	sdelay $0x1  }
0xe5: {  	s13 =	sadd.s32 @!p0 $0x640, s13  }
0xe6: {  	s14 =	sshrl.u32 @!p0 s13, $0x3  }
0xe7: {  	[tilespmem:v7+s25+$0x0] =	vst.idx.add.f32.msk $0xffff, v1;
	s16 =	simm.s32 @!p0 $0x0;
	s17 =	simm.s32 @!p0 $0x1ADB0;
	s15 =	sadd.s32 @!p0 s4, s14  }
0xe8: {  	[tilespmem:s17], [sflag:$0x1] =	stream.linear.gather @!p0 [hbm4b:s15+s16], $0x320, $0x38;
	[tilespmem:$0x1CCF0] =	vst v63  }
0xe9: {  	s14 =	sadd.s32 @!p0 s5, s14;
	s15 =	simm.s32 @!p0 $0x1B0D0  }
0xea: {  	[tilespmem:s15], [sflag:$0x1] =	stream.linear.gather @!p0 [hbm4b:s14+s16], $0x320, $0x38;
	[tilespmem:$0x1CCF0] =	vst v63  }
0xeb: {  	s14 =	sadd.s32 @!p0 s7, s13;
	s13 =	sadd.s32 @!p0 s8, s13  }
0xec: {  	s14 =	sshrl.u32 @!p0 s14, $0x3;
	s13 =	sshrl.u32 @!p0 s13, $0x3  }
0xed: {  	s15 =	simm.s32 @!p0 $0x1B3F0;
	s14 =	sadd.s32 @!p0 s6, s14;
	s13 =	sadd.s32 @!p0 s3, s13  }
0xee: {  	[tilespmem:s15], [sflag:$0x1] =	stream.linear.gather @!p0 [hbm4b:s14+s16], $0x320, $0x38;
	[tilespmem:$0x1CCF0] =	vst v63  }
0xef: {  	s14 =	simm.s32 @!p0 $0x320;
	s15 =	simm.s32 @!p0 $0x4E200;
	s16 =	simm.s32 @!p0 $0x1B710  }
0xf0: {  	[tilespmem:s16], [sflag:$0x1] =	stream.strided.gather @!p0 [hbm4b:s13+s14], $0x640, s15, s14, $0x38;
	[tilespmem:$0x1CCF0] =	vst v63  }
0xf1: {  	_ =	swait.ge [sflag:s29], $0x320  }
0xf2: {  	[sflag:s29] =	ssyncset.done $0x0  }
0xf3: {  	[sflag:s29] =	ssyncadd.s32 $0xFFFFFCE0  }
0xf4: {  	_ =	swait.ge [sflag:s29], $0x320  }
0xf5: {  	[sflag:s29] =	ssyncset.done $0x0  }
0xf6: {  	[sflag:s29] =	ssyncadd.s32 $0xFFFFFCE0  }
0xf7: {  	_ =	swait.ge [sflag:s29], $0x320  }
0xf8: {  	[sflag:s29] =	ssyncset.done $0x0  }
0xf9: {  	[sflag:s29] =	ssyncadd.s32 $0xFFFFFCE0  }
0xfa: {  	_ =	swait.ge [sflag:s29], $0x640  }
0xfb: {  	[sflag:s29] =	ssyncset.done $0x0  }
0xfc: {  	s17 =	simm.s32 $0x0;
	[sflag:s29] =	ssyncadd.s32 $0xFFFFF9C0  }
0xfd: {  	v1 =	vld [tilespmem:s17+$0x1CA10]  }
0xfe: {  	v5 =	vld [tilespmem:s17+$0x1C0A0]  }
0xff: {  	v3 =	vld [tilespmem:s17+$0x1C0B0]  }
0x100: {  	v2 =	vld [tilespmem:s17+$0x1C3D0]  }
0x101: {  	v4 =	vld [tilespmem:s17+$0x1C6F0]  }
0x102: {  	v7 =	vld [tilespmem:s17+$0x1C390]  }
0x103: {  	v8 =	vld [tilespmem:s17+$0x1C080]  }
0x104: {  	v6 =	vld [tilespmem:s17+$0x1C3C0]  }
0x105: {  	v9 =	vld [tilespmem:s17+$0x1C090]  }
0x106: {  	v10 =	vld [tilespmem:s17+$0x1C6E0]  }
0x107: {  	v11 =	vld [tilespmem:s17+$0x1C9E0]  }
0x108: {  	v12 =	vld [tilespmem:s17+$0x1C9F0]  }
0x109: {  	v13 =	vld [tilespmem:s17+$0x1C6D0]  }
0x10a: {  	v14 =	vld [tilespmem:s17+$0x1C070]  }
0x10b: {  	v15 =	vld [tilespmem:s17+$0x1BD80]  }
0x10c: {  	v16 =	vld [tilespmem:s17+$0x1BD70]  }
0x10d: {  	v17 =	vld [tilespmem:s17+$0x1BD90]  }
0x10e: {  	v18 =	vld [tilespmem:s17+$0x1BD60]  }
0x10f: {  	v19 =	vld [tilespmem:s17+$0x1BD50]  }
0x110: {  	v20 =	vld [tilespmem:s17+$0x1C3A0]  }
0x111: {  	v21 =	vld [tilespmem:s17+$0x1C9D0]  }
0x112: {  	v22 =	vld [tilespmem:s17+$0x1C6B0]  }
0x113: {  	v26 =	vld [tilespmem:s17+$0x1C6C0]  }
0x114: {  	v30 =	vld [tilespmem:s17+$0x1C3B0]  }
0x115: {  	v32 =	vld [tilespmem:s17+$0x1CA00]  }
0x116: {  	v23 =	vadd.s32 $0x2710, v18;
	v24 =	vld.idx.msk [tilespmem:v15+s2+$0x0], $0xffff  }
0x117: {  	v25 =	vadd.s32 $0x2710, v19;
	v27 =	vld.idx.msk [tilespmem:v17+s2+$0x0], $0xffff  }
0x118: {  	v28 =	vadd.s32 $0x2710, v16;
	v19 =	vld.idx.msk [tilespmem:v19+s2+$0x0], $0xffff  }
0x119: {  	v17 =	vadd.s32 $0x2710, v17;
	v18 =	vld.idx.msk [tilespmem:v18+s2+$0x0], $0xffff  }
0x11a: {  	v15 =	vadd.s32 $0x2710, v15;
	v16 =	vld.idx.msk [tilespmem:v16+s2+$0x0], $0xffff  }
0x11b: {  	v23 =	vld.idx.msk [tilespmem:v23+s2+$0x0], $0xffff  }
0x11c: {  	v29 =	vadd.s32 $0x2710, v14;
	v25 =	vld.idx.msk [tilespmem:v25+s2+$0x0], $0xffff  }
0x11d: {  	v28 =	vld.idx.msk [tilespmem:v28+s2+$0x0], $0xffff;
	v31 =	vshll.u32 v19, $0x10  }
0x11e: {  	v17 =	vld.idx.msk [tilespmem:v17+s2+$0x0], $0xffff;
	v19 =	vand.u32 $0xFFFF0000, v19;
	v31 =	vmul.f32 v31, v7  }
0x11f: {  	v33 =	vshll.u32 v22, $0x10;
	v34 =	vadd.s32 $0x4E20, v14;
	v15 =	vld.idx.msk [tilespmem:v15+s2+$0x0], $0xffff;
	v19 =	vmul.f32 v19, v7  }
0x120: {  	v22 =	vand.u32 $0xFFFF0000, v22;
	v35 =	vadd.s32 $0x7530, v14;
	v33 =	vmul.f32 v33, v7;
	[tilespmem:v14+s23+$0x0] =	vst.idx.add.f32.msk $0xffff, v31  }
0x121: {  	v22 =	vmul.f32 v22, v7;
	v60 =	vshll.u32 v25, $0x10;
	[tilespmem:v29+s23+$0x0] =	vst.idx.add.f32.msk $0xffff, v19  }
0x122: {  	v61 =	vand.u32 $0xFFFF0000, v25;
	v62 =	vmul.f32 v60, v7;
	[tilespmem:v14+s24+$0x0] =	vst.idx.add.f32.msk $0xffff, v33  }
0x123: {  	v63 =	vshll.u32 v21, $0x10;
	v19 =	vmul.f32 v61, v7;
	[tilespmem:v14+s25+$0x0] =	vst.idx.add.f32.msk $0xffff, v22  }
0x124: {  	v21 =	vand.u32 $0xFFFF0000, v21;
	v36 =	vmul.f32 v63, v7;
	v33 =	vadd.s32 $0x2710, v8;
	[tilespmem:v34+s23+$0x0] =	vst.idx.add.f32.msk $0xffff, v62  }
0x125: {  	v37 =	vshll.u32 v18, $0x10;
	v7 =	vmul.f32 v21, v7;
	[tilespmem:v35+s23+$0x0] =	vst.idx.add.f32.msk $0xffff, v19  }
0x126: {  	v18 =	vand.u32 $0xFFFF0000, v18;
	v38 =	vmul.f32 v37, v20;
	[tilespmem:v29+s24+$0x0] =	vst.idx.add.f32.msk $0xffff, v36  }
0x127: {  	v39 =	vadd.s32 $0x4E20, v8;
	v40 =	vshll.u32 v26, $0x10;
	v18 =	vmul.f32 v18, v20;
	[tilespmem:v29+s25+$0x0] =	vst.idx.add.f32.msk $0xffff, v7  }
0x128: {  	v41 =	vand.u32 $0xFFFF0000, v26;
	v22 =	vmul.f32 v40, v20;
	v7 =	vadd.s32 $0x7530, v8;
	[tilespmem:v8+s23+$0x0] =	vst.idx.add.f32.msk $0xffff, v38  }
0x129: {  	v42 =	vmul.f32 v41, v20;
	v43 =	vshll.u32 v23, $0x10;
	[tilespmem:v33+s23+$0x0] =	vst.idx.add.f32.msk $0xffff, v18  }
0x12a: {  	v44 =	vand.u32 $0xFFFF0000, v23;
	v45 =	vmul.f32 v43, v20;
	[tilespmem:v8+s24+$0x0] =	vst.idx.add.f32.msk $0xffff, v22  }
0x12b: {  	v46 =	vshll.u32 v11, $0x10;
	v18 =	vmul.f32 v44, v20;
	[tilespmem:v8+s25+$0x0] =	vst.idx.add.f32.msk $0xffff, v42  }
0x12c: {  	v47 =	vadd.s32 $0x2710, v9;
	v48 =	vmul.f32 v46, v20;
	v8 =	vand.u32 $0xFFFF0000, v11;
	[tilespmem:v39+s23+$0x0] =	vst.idx.add.f32.msk $0xffff, v45  }
0x12d: {  	v49 =	vshll.u32 v16, $0x10;
	v8 =	vmul.f32 v8, v20;
	[tilespmem:v7+s23+$0x0] =	vst.idx.add.f32.msk $0xffff, v18  }
0x12e: {  	v50 =	vmul.f32 v49, v30;
	v7 =	vand.u32 $0xFFFF0000, v16;
	[tilespmem:v33+s24+$0x0] =	vst.idx.add.f32.msk $0xffff, v48  }
0x12f: {  	v51 =	vshll.u32 v13, $0x10;
	v7 =	vmul.f32 v7, v30;
	[tilespmem:v33+s25+$0x0] =	vst.idx.add.f32.msk $0xffff, v8;
	v8 =	vadd.s32 $0x4E20, v9  }
0x130: {  	v13 =	vand.u32 $0xFFFF0000, v13;
	v53 =	vadd.s32 $0x7530, v9;
	v52 =	vmul.f32 v51, v30;
	[tilespmem:v9+s23+$0x0] =	vst.idx.add.f32.msk $0xffff, v50  }
0x131: {  	v13 =	vmul.f32 v13, v30;
	v54 =	vshll.u32 v28, $0x10;
	[tilespmem:v47+s23+$0x0] =	vst.idx.add.f32.msk $0xffff, v7  }
0x132: {  	v18 =	vmul.f32 v54, v30;
	v7 =	vand.u32 $0xFFFF0000, v28;
	[tilespmem:v9+s24+$0x0] =	vst.idx.add.f32.msk $0xffff, v52  }
0x133: {  	v55 =	vshll.u32 v12, $0x10;
	v7 =	vmul.f32 v7, v30;
	[tilespmem:v9+s25+$0x0] =	vst.idx.add.f32.msk $0xffff, v13  }
0x134: {  	v56 =	vadd.s32 $0x2710, v5;
	v9 =	vmul.f32 v55, v30;
	[tilespmem:v8+s23+$0x0] =	vst.idx.add.f32.msk $0xffff, v18;
	v8 =	vand.u32 $0xFFFF0000, v12  }
0x135: {  	v57 =	vshll.u32 v24, $0x10;
	[tilespmem:v53+s23+$0x0] =	vst.idx.add.f32.msk $0xffff, v7;
	v7 =	vmul.f32 v8, v30  }
0x136: {  	v13 =	vmul.f32 v57, v6;
	v8 =	vand.u32 $0xFFFF0000, v24;
	[tilespmem:v47+s24+$0x0] =	vst.idx.add.f32.msk $0xffff, v9  }
0x137: {  	v58 =	vshll.u32 v10, $0x10;
	v8 =	vmul.f32 v8, v6;
	[tilespmem:v47+s25+$0x0] =	vst.idx.add.f32.msk $0xffff, v7;
	v7 =	vadd.s32 $0x4E20, v5  }
0x138: {  	v10 =	vand.u32 $0xFFFF0000, v10;
	v59 =	vadd.s32 $0x7530, v5;
	v9 =	vmul.f32 v58, v6;
	[tilespmem:v5+s23+$0x0] =	vst.idx.add.f32.msk $0xffff, v13  }
0x139: {  	v10 =	vmul.f32 v10, v6;
	v60 =	vshll.u32 v15, $0x10;
	[tilespmem:v56+s23+$0x0] =	vst.idx.add.f32.msk $0xffff, v8  }
0x13a: {  	v13 =	vmul.f32 v60, v6;
	v8 =	vand.u32 $0xFFFF0000, v15;
	[tilespmem:v5+s24+$0x0] =	vst.idx.add.f32.msk $0xffff, v9  }
0x13b: {  	v61 =	vshll.u32 v32, $0x10;
	v8 =	vmul.f32 v8, v6;
	[tilespmem:v5+s25+$0x0] =	vst.idx.add.f32.msk $0xffff, v10  }
0x13c: {  	v9 =	vmul.f32 v61, v6;
	v5 =	vand.u32 $0xFFFF0000, v32;
	[tilespmem:v7+s23+$0x0] =	vst.idx.add.f32.msk $0xffff, v13;
	v7 =	vadd.s32 $0x2710, v3  }
0x13d: {  	v5 =	vmul.f32 v5, v6;
	v6 =	vshll.u32 v27, $0x10;
	[tilespmem:v59+s23+$0x0] =	vst.idx.add.f32.msk $0xffff, v8  }
0x13e: {  	v8 =	vand.u32 $0xFFFF0000, v27;
	v6 =	vmul.f32 v6, v2;
	[tilespmem:v56+s24+$0x0] =	vst.idx.add.f32.msk $0xffff, v9  }
0x13f: {  	v62 =	vshll.u32 v4, $0x10;
	v8 =	vmul.f32 v8, v2;
	[tilespmem:v56+s25+$0x0] =	vst.idx.add.f32.msk $0xffff, v5;
	v5 =	vadd.s32 $0x4E20, v3  }
0x140: {  	v4 =	vand.u32 $0xFFFF0000, v4;
	v9 =	vmul.f32 v62, v2;
	[tilespmem:v3+s23+$0x0] =	vst.idx.add.f32.msk $0xffff, v6;
	v6 =	vadd.s32 $0x7530, v3  }
0x141: {  	v63 =	vshll.u32 v17, $0x10;
	v4 =	vmul.f32 v4, v2;
	[tilespmem:v7+s23+$0x0] =	vst.idx.add.f32.msk $0xffff, v8  }
0x142: {  	v10 =	vmul.f32 v63, v2;
	v8 =	vand.u32 $0xFFFF0000, v17;
	[tilespmem:v3+s24+$0x0] =	vst.idx.add.f32.msk $0xffff, v9  }
0x143: {  	v8 =	vmul.f32 v8, v2;
	[tilespmem:v3+s25+$0x0] =	vst.idx.add.f32.msk $0xffff, v4;
	v3 =	vshll.u32 v1, $0x10  }
0x144: {  	v1 =	vand.u32 $0xFFFF0000, v1;
	[tilespmem:v5+s23+$0x0] =	vst.idx.add.f32.msk $0xffff, v10;
	v3 =	vmul.f32 v3, v2  }
0x145: {  	v1 =	vmul.f32 v1, v2;
	[tilespmem:v6+s23+$0x0] =	vst.idx.add.f32.msk $0xffff, v8  }
0x146: {  	s13 =	simm.s32 $0x140;
	[tilespmem:v7+s24+$0x0] =	vst.idx.add.f32.msk $0xffff, v3  }
.LBB2_7:
0x147: {  	s14 =	sshra.s32 s13, $0x2;
	p1 =	sne.s32 s13, $0xB40;
	s13 =	sadd.s32 $0x140, s13;
	[tilespmem:v7+s25+$0x0] =	vst.idx.add.f32.msk $0xffff, v1  }
0x148: {  	v1 =	vld [tilespmem:s14+$0x1CA10]  }
0x149: {  	v4 =	vld [tilespmem:s14+$0x1C0A0]  }
0x14a: {  	v3 =	vld [tilespmem:s14+$0x1C0B0]  }
0x14b: {  	v2 =	vld [tilespmem:s14+$0x1C3D0]  }
0x14c: {  	v5 =	vld [tilespmem:s14+$0x1C6F0]  }
0x14d: {  	v16 =	vld [tilespmem:s14+$0x1C390]  }
0x14e: {  	v11 =	vld [tilespmem:s14+$0x1C080]  }
0x14f: {  	v14 =	vld [tilespmem:s14+$0x1C3C0]  }
0x150: {  	v8 =	vld [tilespmem:s14+$0x1C090]  }
0x151: {  	v7 =	vld [tilespmem:s14+$0x1C6E0];
	v6 =	vshll.u32 v5, $0x10;
	v5 =	vand.u32 $0xFFFF0000, v5  }
0x152: {  	v13 =	vld [tilespmem:s14+$0x1C9E0];
	v6 =	vmul.f32 v6, v2;
	v5 =	vmul.f32 v5, v2  }
0x153: {  	v10 =	vld [tilespmem:s14+$0x1C9F0]  }
0x154: {  	v12 =	vld [tilespmem:s14+$0x1C6D0]  }
0x155: {  	v17 =	vld [tilespmem:s14+$0x1C070]  }
0x156: {  	v18 =	vld [tilespmem:s14+$0x1BD80];
	v9 =	vshll.u32 v7, $0x10;
	v7 =	vand.u32 $0xFFFF0000, v7  }
0x157: {  	v19 =	vld [tilespmem:s14+$0x1BD70];
	v9 =	vmul.f32 v9, v14;
	v7 =	vmul.f32 v7, v14  }
0x158: {  	v20 =	vld [tilespmem:s14+$0x1BD90]  }
0x159: {  	v21 =	vld [tilespmem:s14+$0x1BD60]  }
0x15a: {  	v22 =	vld [tilespmem:s14+$0x1BD50]  }
0x15b: {  	v23 =	vld [tilespmem:s14+$0x1C3A0]  }
0x15c: {  	v24 =	vld [tilespmem:s14+$0x1C9D0]  }
0x15d: {  	v15 =	vadd.s32 $0x2710, v11;
	v25 =	vld [tilespmem:s14+$0x1C6B0]  }
0x15e: {  	v26 =	vadd.s32 $0x2710, v21;
	v27 =	vld.idx.msk [tilespmem:v18+s2+$0x0], $0xffff  }
0x15f: {  	v28 =	vadd.s32 $0x2710, v22;
	v29 =	vld [tilespmem:s14+$0x1C6C0]  }
0x160: {  	v30 =	vadd.s32 $0x2710, v19;
	v31 =	vld.idx.msk [tilespmem:v20+s2+$0x0], $0xffff;
	v20 =	vadd.s32 $0x2710, v20  }
0x161: {  	v21 =	vld.idx.msk [tilespmem:v21+s2+$0x0], $0xffff  }
0x162: {  	v32 =	vadd.s32 $0x2710, v17;
	v34 =	vand.u32 $0xFFFF0000, v24;
	v22 =	vld.idx.msk [tilespmem:v22+s2+$0x0], $0xffff;
	v33 =	vshll.u32 v25, $0x10  }
0x163: {  	v35 =	vadd.s32 $0x4E20, v11;
	v18 =	vadd.s32 $0x2710, v18;
	v26 =	vld.idx.msk [tilespmem:v26+s2+$0x0], $0xffff;
	v33 =	vmul.f32 v33, v16  }
0x164: {  	v24 =	vshll.u32 v24, $0x10;
	v36 =	vshll.u32 v27, $0x10;
	v27 =	vand.u32 $0xFFFF0000, v27;
	v28 =	vld.idx.msk [tilespmem:v28+s2+$0x0], $0xffff  }
0x165: {  	v25 =	vand.u32 $0xFFFF0000, v25;
	v24 =	vmul.f32 v24, v16;
	v36 =	vmul.f32 v36, v14;
	v20 =	vld.idx.msk [tilespmem:v20+s2+$0x0], $0xffff  }
0x166: {  	v37 =	vadd.s32 $0x4E20, v17;
	v38 =	vadd.s32 $0x7530, v17;
	v25 =	vmul.f32 v25, v16;
	v30 =	vld.idx.msk [tilespmem:v30+s2+$0x0], $0xffff  }
0x167: {  	v41 =	vadd.s32 $0x7530, v11;
	v34 =	vmul.f32 v34, v16;
	v40 =	vshll.u32 v21, $0x10;
	v39 =	vld [tilespmem:s14+$0x1C3B0]  }
0x168: {  	v43 =	vshll.u32 v29, $0x10;
	v42 =	vshll.u32 v22, $0x10;
	v22 =	vand.u32 $0xFFFF0000, v22;
	v18 =	vld.idx.msk [tilespmem:v18+s2+$0x0], $0xffff  }
0x169: {  	v29 =	vand.u32 $0xFFFF0000, v29;
	v43 =	vmul.f32 v43, v23;
	v42 =	vmul.f32 v42, v16;
	v44 =	vld [tilespmem:s14+$0x1CA00]  }
0x16a: {  	v29 =	vmul.f32 v29, v23;
	v22 =	vmul.f32 v22, v16;
	v45 =	vshll.u32 v28, $0x10;
	v19 =	vld.idx.msk [tilespmem:v19+s2+$0x0], $0xffff  }
0x16b: {  	v40 =	vmul.f32 v40, v23;
	v28 =	vand.u32 $0xFFFF0000, v28;
	[tilespmem:v17+s23+$0x0] =	vst.idx.add.f32.msk $0xffff, v42;
	v42 =	vmul.f32 v45, v16  }
0x16c: {  	v21 =	vand.u32 $0xFFFF0000, v21;
	v16 =	vmul.f32 v28, v16;
	[tilespmem:v32+s23+$0x0] =	vst.idx.add.f32.msk $0xffff, v22;
	v22 =	vshll.u32 v26, $0x10  }
0x16d: {  	v21 =	vmul.f32 v21, v23;
	v26 =	vand.u32 $0xFFFF0000, v26;
	[tilespmem:v17+s24+$0x0] =	vst.idx.add.f32.msk $0xffff, v33;
	v22 =	vmul.f32 v22, v23  }
0x16e: {  	[tilespmem:v17+s25+$0x0] =	vst.idx.add.f32.msk $0xffff, v25;
	v17 =	vmul.f32 v26, v23;
	v25 =	vshll.u32 v30, $0x10;
	v26 =	vand.u32 $0xFFFF0000, v30  }
0x16f: {  	v28 =	vshll.u32 v18, $0x10;
	[tilespmem:v37+s23+$0x0] =	vst.idx.add.f32.msk $0xffff, v42;
	v25 =	vmul.f32 v25, v39;
	v26 =	vmul.f32 v26, v39  }
0x170: {  	[tilespmem:v38+s23+$0x0] =	vst.idx.add.f32.msk $0xffff, v16;
	v16 =	vand.u32 $0xFFFF0000, v18;
	v18 =	vmul.f32 v28, v14;
	v28 =	vshll.u32 v44, $0x10  }
0x171: {  	[tilespmem:v32+s24+$0x0] =	vst.idx.add.f32.msk $0xffff, v24;
	v16 =	vmul.f32 v16, v14;
	v24 =	vand.u32 $0xFFFF0000, v44;
	v28 =	vmul.f32 v28, v14  }
0x172: {  	v27 =	vmul.f32 v27, v14;
	[tilespmem:v32+s25+$0x0] =	vst.idx.add.f32.msk $0xffff, v34;
	v14 =	vmul.f32 v24, v14;
	v24 =	vshll.u32 v20, $0x10  }
0x173: {  	v30 =	vshll.u32 v31, $0x10;
	v20 =	vand.u32 $0xFFFF0000, v20;
	[tilespmem:v11+s23+$0x0] =	vst.idx.add.f32.msk $0xffff, v40;
	v24 =	vmul.f32 v24, v2  }
0x174: {  	v30 =	vmul.f32 v30, v2;
	v20 =	vmul.f32 v20, v2;
	[tilespmem:v15+s23+$0x0] =	vst.idx.add.f32.msk $0xffff, v21;
	v21 =	vand.u32 $0xFFFF0000, v31  }
0x175: {  	v32 =	vadd.s32 $0x2710, v8;
	v31 =	vshll.u32 v13, $0x10;
	v13 =	vand.u32 $0xFFFF0000, v13;
	[tilespmem:v11+s24+$0x0] =	vst.idx.add.f32.msk $0xffff, v43  }
0x176: {  	[tilespmem:v11+s25+$0x0] =	vst.idx.add.f32.msk $0xffff, v29;
	v11 =	vmul.f32 v13, v23;
	v13 =	vshll.u32 v19, $0x10;
	v29 =	vshll.u32 v12, $0x10  }
0x177: {  	v19 =	vand.u32 $0xFFFF0000, v19;
	[tilespmem:v35+s23+$0x0] =	vst.idx.add.f32.msk $0xffff, v22;
	v22 =	vmul.f32 v31, v23;
	v13 =	vmul.f32 v13, v39  }
0x178: {  	v12 =	vand.u32 $0xFFFF0000, v12;
	[tilespmem:v41+s23+$0x0] =	vst.idx.add.f32.msk $0xffff, v17;
	v17 =	vmul.f32 v19, v39;
	v19 =	vmul.f32 v29, v39  }
0x179: {  	v21 =	vmul.f32 v21, v2;
	v12 =	vmul.f32 v12, v39;
	[tilespmem:v15+s24+$0x0] =	vst.idx.add.f32.msk $0xffff, v22  }
0x17a: {  	[tilespmem:v15+s25+$0x0] =	vst.idx.add.f32.msk $0xffff, v11;
	v11 =	vadd.s32 $0x4E20, v8  }
0x17b: {  	[tilespmem:v8+s23+$0x0] =	vst.idx.add.f32.msk $0xffff, v13;
	v13 =	vadd.s32 $0x7530, v8  }
0x17c: {  	[tilespmem:v32+s23+$0x0] =	vst.idx.add.f32.msk $0xffff, v17  }
0x17d: {  	[tilespmem:v8+s24+$0x0] =	vst.idx.add.f32.msk $0xffff, v19  }
0x17e: {  	[tilespmem:v8+s25+$0x0] =	vst.idx.add.f32.msk $0xffff, v12;
	v8 =	vshll.u32 v10, $0x10  }
0x17f: {  	v10 =	vand.u32 $0xFFFF0000, v10;
	[tilespmem:v11+s23+$0x0] =	vst.idx.add.f32.msk $0xffff, v25;
	v8 =	vmul.f32 v8, v39;
	v11 =	vadd.s32 $0x2710, v4  }
0x180: {  	v10 =	vmul.f32 v10, v39;
	[tilespmem:v13+s23+$0x0] =	vst.idx.add.f32.msk $0xffff, v26  }
0x181: {  	[tilespmem:v32+s24+$0x0] =	vst.idx.add.f32.msk $0xffff, v8  }
0x182: {  	v8 =	vadd.s32 $0x4E20, v4;
	[tilespmem:v32+s25+$0x0] =	vst.idx.add.f32.msk $0xffff, v10  }
0x183: {  	v10 =	vadd.s32 $0x7530, v4;
	[tilespmem:v4+s23+$0x0] =	vst.idx.add.f32.msk $0xffff, v36  }
0x184: {  	[tilespmem:v11+s23+$0x0] =	vst.idx.add.f32.msk $0xffff, v27  }
0x185: {  	[tilespmem:v4+s24+$0x0] =	vst.idx.add.f32.msk $0xffff, v9  }
0x186: {  	[tilespmem:v4+s25+$0x0] =	vst.idx.add.f32.msk $0xffff, v7  }
0x187: {  	v7 =	vadd.s32 $0x2710, v3;
	[tilespmem:v8+s23+$0x0] =	vst.idx.add.f32.msk $0xffff, v18  }
0x188: {  	[tilespmem:v10+s23+$0x0] =	vst.idx.add.f32.msk $0xffff, v16  }
0x189: {  	[tilespmem:v11+s24+$0x0] =	vst.idx.add.f32.msk $0xffff, v28  }
0x18a: {  	v4 =	vadd.s32 $0x4E20, v3;
	[tilespmem:v11+s25+$0x0] =	vst.idx.add.f32.msk $0xffff, v14  }
0x18b: {  	v8 =	vadd.s32 $0x7530, v3;
	[tilespmem:v3+s23+$0x0] =	vst.idx.add.f32.msk $0xffff, v30  }
0x18c: {  	[tilespmem:v7+s23+$0x0] =	vst.idx.add.f32.msk $0xffff, v21  }
.Ltmp2:
0x18d: {  	[tilespmem:v3+s24+$0x0] =	vst.idx.add.f32.msk $0xffff, v6;
	(pc) =	sbr.rel @p1 .LBB2_7-.Ltmp2, $4  }
0x18e: {  	[tilespmem:v3+s25+$0x0] =	vst.idx.add.f32.msk $0xffff, v5;
	v3 =	vshll.u32 v1, $0x10  }
0x18f: {  	v1 =	vand.u32 $0xFFFF0000, v1;
	[tilespmem:v4+s23+$0x0] =	vst.idx.add.f32.msk $0xffff, v24;
	v3 =	vmul.f32 v3, v2  }
0x190: {  	v1 =	vmul.f32 v1, v2;
	[tilespmem:v8+s23+$0x0] =	vst.idx.add.f32.msk $0xffff, v20  }
0x191: {  	[tilespmem:v7+s24+$0x0] =	vst.idx.add.f32.msk $0xffff, v3  }
.Ltmp3:
0x192: {  	_ = 	snop;
	(pc) =	sbr.rel @p0 .LBB2_10-.Ltmp3, $2  }
0x193: {  	_ =	sdelay $0x2  }
0x194: {  	[tilespmem:v7+s25+$0x0] =	vst.idx.add.f32.msk $0xffff, v1  }
0x195: {  	s13 =	smul.u32 $0x640, s10;
	_ =	sdelay $0x1  }
0x196: {  	s13 =	sadd.s32 $0x960, s13  }
0x197: {  	s14 =	sshrl.u32 s13, $0x3  }
0x198: {  	s15 =	sadd.s32 s4, s14  }
0x199: {  	[tilespmem:s30], [sflag:$0x2] =	stream.linear.gather [hbm4b:s15+s2], $0x320, $0x38;
	[tilespmem:$0x1CCF0] =	vst v63  }
0x19a: {  	s17 =	sadd.s32 s7, s13;
	s14 =	sadd.s32 s5, s14  }
0x19b: {  	[tilespmem:s31], [sflag:$0x2] =	stream.linear.gather [hbm4b:s14+s2], $0x320, $0x38;
	[tilespmem:$0x1CCF0] =	vst v63  }
.Ltmp4:
0x19c: {  	s13 =	sadd.s32 s8, s13;
	s14 =	sshrl.u32 s17, $0x3;
	(pc) =	sbr.rel .LBB2_4-.Ltmp4, $4  }
0x19d: {  	s13 =	sshrl.u32 s13, $0x3;
	s14 =	sadd.s32 s6, s14  }
0x19e: {  	[tilespmem:s1], [sflag:$0x2] =	stream.linear.gather [hbm4b:s14+s2], $0x320, $0x38;
	[tilespmem:$0x1CCF0] =	vst v63  }
0x19f: {  	s10 =	sadd.s32 $0x1, s10;
	s13 =	sadd.s32 s3, s13  }
0x1a0: {  	[tilespmem:s0], [sflag:$0x2] =	stream.strided.gather [hbm4b:s13+s26], $0x640, s28, s26, $0x38;
	[tilespmem:$0x1CCF0] =	vst v63  }
.LBB2_10:
0x1a1: {  	s10 =	simm.s32 $0x0  }
0x1a2: {  	v1 =	vld [tilespmem:s10+$0x186A0]  }
0x1a3: {  	v5 =	vld [tilespmem:s10+$0x4E20]  }
0x1a4: {  	v7 =	vld [tilespmem:s10+$0x7530]  }
0x1a5: {  	v6 =	vld [tilespmem:s10+$0x9C40]  }
0x1a6: {  	v4 =	vld [tilespmem:s10+$0xC350]  }
0x1a7: {  	v2 =	vld [tilespmem:s10+$0xEA60]  }
0x1a8: {  	v3 =	vld [tilespmem:s10+$0x13880];
	v8 =	vmul.f32 v5, v1  }
0x1a9: {  	s13 =	simm.s32 $0x40;
	v7 =	vmul.f32 v7, v1;
	v5 =	vld [tilespmem:s10+$0x11170]  }
.LBB2_11:
0x1aa: {  	s14 =	sshra.s32 s13, $0x2;
	p0 =	sne.s32 s13, $0x9C00;
	[tilespmem:s10+$0x4E20] =	vst v8;
	v6 =	vmul.f32 v6, v1;
	v8 =	vld [tilespmem:s10+$0x15F90]  }
0x1ab: {  	v9 =	vld [tilespmem:s14+$0x186A0];
	[tilespmem:s10+$0x7530] =	vst v7;
	v4 =	vmul.f32 v4, v1  }
0x1ac: {  	v7 =	vld [tilespmem:s14+$0x4E20];
	[tilespmem:s10+$0x9C40] =	vst v6;
	v2 =	vmul.f32 v2, v1  }
0x1ad: {  	v10 =	vld [tilespmem:s14+$0x7530];
	[tilespmem:s10+$0xC350] =	vst v4;
	v3 =	vmul.f32 v3, v1  }
.Ltmp5:
0x1ae: {  	v6 =	vld [tilespmem:s14+$0x9C40];
	[tilespmem:s10+$0xEA60] =	vst v2;
	v5 =	vmul.f32 v5, v1;
	(pc) =	sbr.rel @p0 .LBB2_11-.Ltmp5, $4  }
0x1af: {  	v4 =	vld [tilespmem:s14+$0xC350];
	[tilespmem:s10+$0x13880] =	vst v3;
	v11 =	vmul.f32 v8, v1  }
0x1b0: {  	v2 =	vld [tilespmem:s14+$0xEA60];
	[tilespmem:s10+$0x11170] =	vst v5;
	v1 =	vmov v9  }
0x1b1: {  	v8 =	vmul.f32 v7, v1;
	v3 =	vld [tilespmem:s14+$0x13880];
	[tilespmem:s10+$0x15F90] =	vst v11;
	s10 =	smov.u32 s14  }
0x1b2: {  	s13 =	sadd.s32 $0x40, s13;
	v7 =	vmul.f32 v10, v1;
	v5 =	vld [tilespmem:s10+$0x11170]  }
0x1b3: {  	[tilespmem:s10+$0x4E20] =	vst v8;
	v6 =	vmul.f32 v6, v1;
	v63 =	vld [tilespmem:s10+$0x15F90]  }
0x1b4: {  	[tilespmem:s10+$0x7530] =	vst v7;
	v4 =	vmul.f32 v4, v1  }
0x1b5: {  	[tilespmem:s10+$0x9C40] =	vst v6;
	v2 =	vmul.f32 v2, v1  }
0x1b6: {  	[tilespmem:s10+$0xC350] =	vst v4;
	v3 =	vmul.f32 v3, v1  }
0x1b7: {  	[tilespmem:s10+$0xEA60] =	vst v2;
	v2 =	vmul.f32 v5, v1  }
0x1b8: {  	[tilespmem:s10+$0x13880] =	vst v3;
	v1 =	vmul.f32 v63, v1  }
0x1b9: {  	[tilespmem:s10+$0x11170] =	vst v2  }
0x1ba: {  	s17 =	rddreg [dreg:$0x9];
	[tilespmem:s10+$0x15F90] =	vst v1  }
0x1bb: {  	[hbm4b:s17+s2] =	stream.linear.scatter [tilespmem:s23], [sflag:$0x3], $0x9C40, $0x38;
	[tilespmem:$0x1CCF0] =	vst v63  }
0x1bc: {  	_ =	swait.ge [sflag:s21], $0x9C40  }
0x1bd: {  	[sflag:s21] =	ssyncset.done $0x0  }
0x1be: {  	[sflag:s21] =	ssyncadd.s32 $0xFFFF63C0  }
0x1bf: {  	[hbm4b:s18+s2] =	stream.linear.scatter [tilespmem:s24], [sflag:$0x3], $0x4E20, $0x38;
	[tilespmem:$0x1CCF0] =	vst v63  }
0x1c0: {  	s9 =	sadd.s32 $0x1, s9;
	_ =	swait.ge [sflag:s21], $0x4E20  }
0x1c1: {  	p0 =	sne.s32 s9, s20;
	[sflag:s21] =	ssyncset.done $0x0  }
.Ltmp6:
0x1c2: {  	[sflag:s21] =	ssyncadd.s32 $0xFFFFB1E0;
	(pc) =	sbr.rel @p0 .LBB2_1-.Ltmp6, $4  }
0x1c3: {  	[hbm4b:s19+s2] =	stream.linear.scatter [tilespmem:s25], [sflag:$0x3], $0x4E20, $0x38;
	[tilespmem:$0x1CCF0] =	vst v63  }
0x1c4: {  	_ =	swait.ge [sflag:s21], $0x4E20  }
0x1c5: {  	[sflag:s21] =	ssyncset.done $0x0  }
0x1c6: {  	[sflag:s21] =	ssyncadd.s32 $0xFFFFB1E0  }
0x1c7: {  	_ =	sfence.sel $0x180000  }
0x1c8: {  	[bflag:$0x0] =	sbarrier.arrive $0xFFFF  }
0x1c9: {  	_ =	strace $0x9000004A  }
0x1ca: {  	s0 =	stileid.u32;
	[bflag:$0x2] =	sbarrier.arrive $0xFFFF  }
0x1cb: {  	p0 =	sne.s32 s0, $0x0;
	s0 =	rddreg [dreg:$0x2]  }
0x1cc: {  	s0 =	sadd.s32 @!p0 $0x100000, s0  }
0x1cd: {  	[sflag:s0] =	ssyncadd.tile.s32 @!p0 $0x1;
	_ =	shalt  }
.Lfunc_end2:
_tile_overlayer_lowered:
.L_overlay_start_2:
0x1ce: {  	(tag) =	ssettag $0x2  }
0x1cf: {  	s0 =	rddreg [dreg:$0x0];
	s2 =	stileid.u32  }
0x1d0: {  	s1 =	rddreg [dreg:$0x1];
	p0 =	sne.s32 s2, $0x0  }
0x1d1: {  	s3 =	rddreg [dreg:$0x2];
	[bflag:$0x3] =	sbarrier.arrive $0xFFFF;
	s2 =	simm.s32 @!p0 $0x1C03  }
0x1d2: {  	[timem:s3], [sflag:s2] =	dma.local @!p0 [hbm:s0], s1  }
0x1d3: {  	s0 =	simm.s32 @!p0 $0x3  }
0x1d4: {  	_ =	swait.ge @!p0 [sflag:s0], s1  }
0x1d5: {  	s1 =	ssub.s32 @!p0 $0x0, s1;
	[sflag:s0] =	ssyncset.done @!p0 $0x0  }
0x1d6: {  	[sflag:s0] =	ssyncadd.s32 @!p0 s1  }
0x1d7: {  	[bflag:$0x3] =	sbarrier.arrive $0xFFFF  }
0x1d8: {  	_ =	shalt  }

// kernel: kernel.8.cloned.1.call-start
scs
__scs_entry_jumppad:
0x0: {  	(pc) =	sbr.rel $0x88, $3  }
0x1: {  	(tag) =	ssettag $0x0;
	lr =	simm.s32 $0x1  }
0x2: {  	[smem:$0x3F94] =	sst lr;
	_ =	strace $0xD0000000  }
0x3: {  	_ = 	snop  }
0x4: {  	_ = 	snop  }
0x5: {  	_ = 	snop  }
0x6: {  	_ = 	snop  }
0x7: {  	_ = 	snop  }
__scs_overlays_trampoline_lowered:
0x8: {  	[smem:$0x3FA3] =	sst s0  }
0x9: {  	[smem:$0x3FA4] =	sst s1  }
0xa: {  	[smem:$0x3FA5] =	sst s2  }
0xb: {  	[smem:$0x3FA6] =	sst s3  }
0xc: {  	[smem:$0x3FA7] =	sst s4  }
0xd: {  	[smem:$0x3FA8] =	sst s5  }
0xe: {  	[smem:$0x3FA9] =	sst s6  }
0xf: {  	[smem:$0x3FAA] =	sst s7  }
0x10: {  	[smem:$0x3FAB] =	sst s8  }
0x11: {  	[smem:$0x3FAC] =	sst s9;
	s0 =	simm.s32 @!p0 $0x0  }
0x12: {  	s1 =	sld [smem:$0x3F92];
	s0 =	simm.s32 @p0 $0x1  }
0x13: {  	[smem:$0x3FAD] =	sst s0;
	s0 =	simm.s32 @!p1 $0x0  }
0x14: {  	s2 =	sld [smem:$0x3F91];
	s0 =	simm.s32 @p1 $0x1  }
0x15: {  	[smem:$0x3FAE] =	sst s0;
	s0 =	simm.s32 @!p2 $0x0  }
0x16: {  	s3 =	sld [smem:$0x3FDB];
	s0 =	simm.s32 @p2 $0x1  }
0x17: {  	s4 =	simm.s32 $0x1BF5;
	[smem:$0x3FB0] =	sst s0  }
0x18: {  	s0 =	sld [smem:$0x3F93];
	_ =	swait.ge [sflag:s4], $0x0  }
0x19: {  	s7 =	sld [smem:$0x3F94]  }
0x1a: {  	s8 =	sadd.s32 $0xFFFFE003, lr  }
0x1b: {  	s9 =	sadd.s32 $0xFFFFFEF7, lr;
	s5 =	simm.s32 $0xFFFFFFFF;
	p2 =	slt.u32 s8, $0xFFFFF086  }
0x1c: {  	p1 =	slt.u32 s9, $0xF7A;
	s5 =	simm.s32 @!p2 $0x0  }
0x1d: {  	s5 =	simm.s32 @p1 $0x1;
	p0 =	seq.s32 s7, s2  }
0x1e: {  	s7 =	smul.u32 @!p0 $0xF7A, s2;
	p2 =	seq.s32 @!p0 s5, $0x0  }
0x1f: {  	s9 =	smul.u32 $0xF7A, s1;
	s8 =	simm.s32 @!p0 $0x1BF5;
	p2 =	por !p2, p0  }
0x20: {  	[sflag:s8] =	ssyncset.s32 @!p0 $0xFFFFF086;
	s6 =	sadd.s32 @!p0 s3, s7;
	s7 =	simm.s32 @!p0 $0x108  }
0x21: {  	s3 =	sadd.s32 s3, s9;
	s6 =	sadd.s32 @!p0 $0x88, s6;
	s7 =	simm.s32 @p2 $0x1082  }
0x22: {  	[simem:s7], [sflag:s8] =	dma.local @!p0 [hbm:s6], $0xF7A  }
0x23: {  	s9 =	sor.u32 $0xD0000000, s2;
	s6 =	simm.s32 $0x108;
	_ =	swait.ge @!p0 [sflag:s8], $0x0  }
0x24: {  	s3 =	sadd.s32 $0x88, s3;
	s6 =	simm.s32 @!p1 $0x1082;
	[sflag:s4] =	ssyncset.s32 $0xFFFFF086  }
0x25: {  	[simem:s6], [sflag:s4] =	dma.local [hbm:s3], $0xF7A  }
0x26: {  	[smem:$0x3F94] =	sst s1;
	(tag) =	ssettag s2;
	_ =	strace s9  }
0x27: {  	s1 =	sld [smem:$0x3FA4]  }
0x28: {  	s2 =	sld [smem:$0x3FA5]  }
0x29: {  	s4 =	sld [smem:$0x3FA7]  }
0x2a: {  	p0 =	seq.s32 s5, $0x0;
	s5 =	sld [smem:$0x3FA8]  }
0x2b: {  	s6 =	sld [smem:$0x3FA9]  }
0x2c: {  	s7 =	sld [smem:$0x3FAA]  }
0x2d: {  	s3 =	simm.s32 $0x108;
	s8 =	sld [smem:$0x3FAB]  }
0x2e: {  	s3 =	simm.s32 @!p0 $0x1082;
	s9 =	sld [smem:$0x3FAC]  }
0x2f: {  	lr =	sadd.s32 s0, s3;
	s0 =	sld [smem:$0x3FA3]  }
0x30: {  	s3 =	sld [smem:$0x3FA6]  }
0x31: {  	[smem:$0x3FAF] =	sst s10  }
0x32: {  	s10 =	sld [smem:$0x3FAD];
	_ =	sdelay $0x3  }
0x33: {  	p0 =	seq.s32 s10, $0x1;
	s10 =	sld [smem:$0x3FAF];
	_ =	sdelay $0x3  }
0x34: {  	[smem:$0x3FAF] =	sst s10  }
0x35: {  	s10 =	sld [smem:$0x3FAE];
	_ =	sdelay $0x3  }
0x36: {  	p1 =	seq.s32 s10, $0x1;
	s10 =	sld [smem:$0x3FAF];
	_ =	sdelay $0x3  }
0x37: {  	[smem:$0x3FAF] =	sst s10  }
0x38: {  	s10 =	sld [smem:$0x3FB0]  }
0x39: {  	_ = 	snop;
	(pc) =	sbr.ind lr, $3  }
0x3a: {  	_ = 	snop  }
0x3b: {  	_ = 	snop  }
0x3c: {  	p2 =	seq.s32 s10, $0x1;
	s10 =	sld [smem:$0x3FAF]  }
0x3d: {  	_ =	shalt  }
0x3e: {  	_ =	shalt  }
0x3f: {  	_ =	shalt  }
0x40: {  	_ =	shalt  }
0x41: {  	_ =	shalt  }
0x42: {  	_ =	shalt  }
0x43: {  	_ =	shalt  }
0x44: {  	_ =	shalt  }
0x45: {  	_ =	shalt  }
0x46: {  	_ =	shalt  }
0x47: {  	_ =	shalt  }
0x48: {  	_ =	shalt  }
0x49: {  	_ =	shalt  }
0x4a: {  	_ =	shalt  }
0x4b: {  	_ =	shalt  }
0x4c: {  	_ =	shalt  }
0x4d: {  	_ =	shalt  }
0x4e: {  	_ =	shalt  }
0x4f: {  	_ =	shalt  }
0x50: {  	_ =	shalt  }
0x51: {  	_ =	shalt  }
0x52: {  	_ =	shalt  }
0x53: {  	_ =	shalt  }
0x54: {  	_ =	shalt  }
0x55: {  	_ =	shalt  }
0x56: {  	_ =	shalt  }
0x57: {  	_ =	shalt  }
0x58: {  	_ =	shalt  }
0x59: {  	_ =	shalt  }
0x5a: {  	_ =	shalt  }
0x5b: {  	_ =	shalt  }
0x5c: {  	_ =	shalt  }
0x5d: {  	_ =	shalt  }
0x5e: {  	_ =	shalt  }
0x5f: {  	_ =	shalt  }
0x60: {  	_ =	shalt  }
0x61: {  	_ =	shalt  }
0x62: {  	_ =	shalt  }
0x63: {  	_ =	shalt  }
0x64: {  	_ =	shalt  }
0x65: {  	_ =	shalt  }
0x66: {  	_ =	shalt  }
0x67: {  	_ =	shalt  }
0x68: {  	_ =	shalt  }
0x69: {  	_ =	shalt  }
0x6a: {  	_ =	shalt  }
0x6b: {  	_ =	shalt  }
0x6c: {  	_ =	shalt  }
0x6d: {  	_ =	shalt  }
0x6e: {  	_ =	shalt  }
0x6f: {  	_ =	shalt  }
0x70: {  	_ =	shalt  }
0x71: {  	_ =	shalt  }
0x72: {  	_ =	shalt  }
0x73: {  	_ =	shalt  }
0x74: {  	_ =	shalt  }
0x75: {  	_ =	shalt  }
0x76: {  	_ =	shalt  }
0x77: {  	_ =	shalt  }
0x78: {  	_ =	shalt  }
0x79: {  	_ =	shalt  }
0x7a: {  	_ =	shalt  }
0x7b: {  	_ =	shalt  }
0x7c: {  	_ =	shalt  }
0x7d: {  	_ =	shalt  }
0x7e: {  	_ =	shalt  }
0x7f: {  	_ =	shalt  }
0x80: {  	_ =	shalt  }
0x81: {  	_ =	shalt  }
0x82: {  	_ =	shalt  }
0x83: {  	_ =	shalt  }
0x84: {  	_ =	shalt  }
0x85: {  	_ =	shalt  }
0x86: {  	_ =	shalt  }
0x87: {  	_ =	shalt  }
.Lfunc_end0:
.L_simem_size_0:
called_computation_lowered:
.L_overlay_start_0:
0x88: {  	s2 =	sld [smem:$0x3FD9]  }
0x89: {  	s3 =	sld [smem:$0x3FFE];
	_ =	sdelay $0x1  }
0x8a: {  	s1 =	srdreg.scid  }
0x8b: {  	s0 =	sand.u32 $0x1, s1  }
0x8c: {  	s17 =	sshll.u32 s0, $0xA;
	s2 =	sadd.s32 s3, s2  }
0x8d: {  	s2 =	sadd.s32 s2, s17  }
0x8e: {  	[smem:$0x3FBB] =	sst s2  }
0x8f: {  	_ = 	snop  }
0x90: {  	s2 =	sld [smem:$0x3FD0];
	(tm) =	ssettm $0x1  }
0x91: {  	s18 =	sld [smem:$0x3FFB];
	_ =	sdelay $0x3  }
0x92: {  	_ =	strace s18  }
0x93: {  	s3 =	sld [smem:$0x3FFC];
	_ =	sdelay $0x3  }
0x94: {  	_ =	strace s3  }
0x95: {  	s3 =	sld [smem:$0x3FFD];
	_ =	sdelay $0x3  }
0x96: {  	_ =	strace s3  }
0x97: {  	_ =	strace $0x8FFFFFFF  }
0x98: {  	s19 =	sld [smem:$0x3FDB];
	_ =	sdelay $0x1  }
0x99: {  	s4 =	simm.s32 $_scs_section_size  }
0x9a: {  	s5 =	simm.s32 $_size__tile_overlayer_lowered;
	s6 =	simm.s32 $_tile_overlayer_lowered  }
0x9b: {  	s22 =	simm.s32 $0x1BFF;
	s21 =	sshll.u32 s6, $0x1;
	s3 =	sadd.s32 s4, s19  }
0x9c: {  	s7 =	simm.s32 $0x0;
	s20 =	sshll.u32 s5, $0x1;
	s5 =	sadd.s32 s21, s3  }
0x9d: {  	[timem:s7], [sflag:s22] =	dma.local [hbm:s5], s20  }
0x9e: {  	_ =	swait.ge [sflag:s22], s20  }
0x9f: {  	s4 =	ssub.s32 $0x0, s20;
	[sflag:s22] =	ssyncset.done $0x0  }
0xa0: {  	[sflag:s22] =	ssyncadd.s32 s4;
	_ =	sdelay $0x1  }
0xa1: {  	s23 =	simm.s32 $0x1B8B  }
0xa2: {  	_ =	swait.ge [sflag:s23], $0x1  }
0xa3: {  	[sflag:s23] =	ssyncset.done $0x0  }
0xa4: {  	s25 =	simm.s32 $0x1B8E;
	s24 =	sld [smem:$0x3FFE];
	[sflag:s23] =	ssyncadd.s32 $0xFFFFFFFF  }
0xa5: {  	s26 =	simm.s32 $execute0_lowered;
	[smem:$0x3FD2] =	sst s25  }
0xa6: {  	s5 =	sshll.u32 s26, $0x1;
	_ =	strace $0x80000046;
	[dreg:$0x1] =	wrdreg $0xFFFFFFFF  }
0xa7: {  	s28 =	simm.s32 $_size_execute0_lowered;
	s3 =	sadd.s32 s3, s5;
	[dreg:$0x0] =	wrdreg $0x0  }
0xa8: {  	s5 =	sshll.u32 s28, $0x1;
	[dreg:$0x2] =	wrdreg s3  }
0xa9: {  	[dreg:$0x3] =	wrdreg s5  }
0xaa: {  	[dreg:$0x4] =	wrdreg $0xC0  }
0xab: {  	_ =	task [dreg:s7], $0x5FFFF  }
0xac: {  	[dreg:$0x1] =	wrdreg $0xFFFFFFFF  }
0xad: {  	[dreg:$0x0] =	wrdreg $0x60  }
0xae: {  	[dreg:$0x2] =	wrdreg s24  }
0xaf: {  	[dreg:$0x3] =	wrdreg s2  }
0xb0: {  	[dreg:$0x4] =	wrdreg $0x9  }
0xb1: {  	_ =	task.clear_ibuf [dreg:s7], $0x5FFFF;
	_ =	strace $0x90000046  }
0xb2: {  	s29 =	simm.s32 $0x9;
	_ =	strace $0x80000048  }
0xb3: {  	_ =	swait.ge [sflag:s29], $0x1  }
0xb4: {  	[sflag:s29] =	ssyncadd.s32 $0xFFFFFFFF  }
0xb5: {  	_ =	strace $0x90000048  }
0xb6: {  	_ =	sfence  }
0xb7: {  	s30 =	sld [smem:$0x0];
	_ =	sdelay $0x2  }
0xb8: {  	s31 =	sshll.u32 s1, $0xD;
	s1 =	sshrl.u32 s1, $0x2  }
0xb9: {  	s3 =	sand.u32 $0x4000, s31;
	s1 =	sadd.s32 s1, s30  }
0xba: {  	s0 =	sor.u32 s3, s0;
	s1 =	sshll.u32 s1, $0x11  }
0xbb: {  	s0 =	sor.u32 s1, s0  }
0xbc: {  	s0 =	sadd.s32 $0x8F2B, s0  }
0xbd: {  	[sflag:s0] =	ssyncadd.remote.s32 $0x1  }
0xbe: {  	_ =	sfence.sel $0xFFFF  }
0xbf: {  	[dreg:$0x0] =	wrdreg $0xFFFFFFFF;
	(pc) =	sbr.abs _section_cstart, $3  }
0xc0: {  	[dreg:$0x1] =	wrdreg $0xFFFFFFFF  }
0xc1: {  	_ =	task.clear_ibuf [dreg:s7], $0x2FFFF;
	_ =	strace $0x9FFFFFFF  }
0xc2: {  	(tm) =	ssettm $0x7FFFFFFF  }
0xc3: {  	_ =	shalt  }
tec
execute0_lowered:
.L_overlay_start_1:
0x0: {  	(tag) =	ssettag $0x1  }
0x1: {  	s0 =	rddreg [dreg:$0x0]  }
0x2: {  	s1 =	rddreg [dreg:$0x1];
	s3 =	srdreg.scid;
	s2 =	simm.s32 $0x0  }
0x3: {  	s14 =	stileid.u32;
	s28 =	simm.s32 $0x87F0;
	s29 =	simm.s32 $0x8E30  }
0x4: {  	s30 =	simm.s32 $0x9470;
	s31 =	simm.s32 $0x1;
	s8 =	sand.u32 $0x1, s3  }
0x5: {  	[smem:$0x7FF] =	sst s2;
	s4 =	sand.u32 $0x3, s14;
	s9 =	sadd.s32 $0x14800, s0  }
0x6: {  	s5 =	sadd.s32 $0xC00, s0;
	s11 =	sshrl.u32 s14, $0x2;
	s18 =	smul.u32 $0x2710, s14  }
0x7: {  	s6 =	sadd.s32 $0x67A00, s0;
	s3 =	sshll.u32 s8, $0x2;
	s11 =	smul.u32 $0x13880, s11  }
0x8: {  	s21 =	ssub.s32 $0x2, s8;
	s8 =	smul.u32 $0x27100, s8;
	s7 =	sor.u32 s4, s3  }
0x9: {  	_ =	strace $0x80000047;
	s3 =	sadd.s32 $0x19800, s0;
	s10 =	smul.u32 $0x4E2, s7  }
0xa: {  	s4 =	sadd.s32 $0xAA00, s0;
	s13 =	sshrl.u32 s21, $0x1;
	s12 =	smul.u32 $0x2710, s7  }
0xb: {  	s7 =	smul.u32 $0x4E200, s7;
	s0 =	ssub.s32 s21, s13;
	s22 =	sshrl.u32 s11, $0x3  }
0xc: {  	s25 =	sadd.s32 $0x640, s11;
	s17 =	sadd.s32 $0xC80, s11;
	s8 =	sadd.s32 s18, s8  }
0xd: {  	s19 =	sadd.s32 $0x12C0, s11;
	s23 =	sadd.s32 s4, s22;
	s15 =	sshrl.u32 s25, $0x3  }
0xe: {  	s8 =	sshrl.u32 s8, $0x3;
	s21 =	smax.u32 s0, $0x1;
	s0 =	simm.s32 $0x4E20  }
0xf: {  	s12 =	sshrl.u32 s12, $0x3;
	s10 =	sadd.s32 s9, s10;
	[dreg:$0x5] =	wrdreg s23  }
0x10: {  	s26 =	sadd.s32 s4, s15;
	s15 =	sadd.s32 s5, s15;
	s20 =	sadd.s32 s1, s8  }
0x11: {  	[dreg:$0x3] =	wrdreg s10;
	s9 =	sadd.s32 s9, s12;
	s10 =	sadd.s32 s11, s7  }
0x12: {  	[dreg:$0x8] =	wrdreg s26;
	s9 =	sadd.s32 $0x2710, s9;
	s24 =	sshrl.u32 s10, $0x3  }
.Ltmp0:
0x13: {  	[dreg:$0x4] =	wrdreg s9;
	s9 =	sadd.s32 s5, s22;
	(pc) =	sbr.rel .LBB2_1-.Ltmp0, $4  }
0x14: {  	s23 =	simm.s32 $0x2710;
	[dreg:$0x6] =	wrdreg s9;
	s9 =	sadd.s32 s3, s24  }
0x15: {  	s1 =	simm.s32 $0x9AB0;
	[dreg:$0x7] =	wrdreg s9;
	s9 =	sadd.s32 s25, s7  }
0x16: {  	s18 =	sadd.s32 $0x640, s10;
	s22 =	simm.s32 $0x3;
	s9 =	sshrl.u32 s9, $0x3  }
0x17: {  	v0 =	vimm.f32 $0.0e+00;
	s24 =	simm.s32 $0x2;
	s25 =	simm.s32 $0x0;
	s16 =	sadd.s32 s3, s9  }
.LBB2_10:
0x18: {  	s25 =	sadd.s32 $0x1, s25  }
0x19: {  	p0 =	sne.s32 s25, s21  }
.Ltmp1:
0x1a: {  	_ = 	snop;
	(pc) =	sbr.rel @!p0 .LBB2_11-.Ltmp1, $4  }
0x1b: {  	[hbm4b:s20+s2] =	stream.linear.scatter [tilespmem:s0], [sflag:$0x3], $0x2710, $0x38;
	[tilespmem:$0xA0F0] =	vst v63  }
0x1c: {  	_ =	swait.ge [sflag:s22], $0x2710  }
0x1d: {  	[sflag:s22] =	ssyncset.done $0x0  }
0x1e: {  	[sflag:s22] =	ssyncadd.s32 $0xFFFFD8F0  }
.LBB2_1:
0x1f: {  	s8 =	rddreg [dreg:$0x3]  }
0x20: {  	[tilespmem:s2], [sflag:$0x3] =	stream.linear.gather [hbm4b:s8+s2], $0x2710, $0x38;
	[tilespmem:$0xA0F0] =	vst v63  }
0x21: {  	_ =	swait.ge [sflag:s22], $0x2710  }
0x22: {  	[sflag:s22] =	ssyncset.done $0x0  }
0x23: {  	s26 =	rddreg [dreg:$0x4];
	[sflag:s22] =	ssyncadd.s32 $0xFFFFD8F0  }
0x24: {  	[tilespmem:s23], [sflag:$0x3] =	stream.linear.gather [hbm4b:s26+s2], $0x2710, $0x38;
	[tilespmem:$0xA0F0] =	vst v63  }
0x25: {  	_ =	swait.ge [sflag:s22], $0x2710  }
0x26: {  	[sflag:s22] =	ssyncset.done $0x0  }
0x27: {  	s9 =	simm.s32 $0x0;
	s8 =	simm.s32 $0x40;
	[sflag:s22] =	ssyncadd.s32 $0xFFFFD8F0  }
.LBB2_2:
0x28: {  	p0 =	sne.s32 s8, $0x9C00;
	[tilespmem:s9+$0x4E20] =	vst v0;
	s9 =	smov.u32 s8;
	s8 =	sadd.s32 $0x40, s8  }
.Ltmp2:
0x29: {  	(pc) =	sbr.rel @p0 .LBB2_2-.Ltmp2, $2  }
0x2a: {  	_ =	sdelay $0x2  }
0x2b: {  	s9 =	sshra.s32 s9, $0x2  }
0x2c: {  	[tilespmem:s9+$0x4E20] =	vst v0;
	s26 =	simm.s32 $0x0;
	s8 =	rddreg [dreg:$0x5];
	s14 =	simm.s32 $0x7530  }
0x2d: {  	[tilespmem:s14], [sflag:$0x1] =	stream.linear.gather [hbm4b:s8+s26], $0x640, $0x38;
	[tilespmem:$0xA0F0] =	vst v63  }
0x2e: {  	s9 =	rddreg [dreg:$0x6];
	s11 =	simm.s32 $0x7B70  }
0x2f: {  	[tilespmem:s11], [sflag:$0x1] =	stream.linear.gather [hbm4b:s9+s26], $0x640, $0x38;
	[tilespmem:$0xA0F0] =	vst v63  }
0x30: {  	s12 =	rddreg [dreg:$0x7];
	s13 =	simm.s32 $0x81B0  }
0x31: {  	[tilespmem:s13], [sflag:$0x1] =	stream.linear.gather [hbm4b:s12+s26], $0x640, $0x38;
	[tilespmem:$0xA0F0] =	vst v63  }
0x32: {  	s14 =	rddreg [dreg:$0x8]  }
0x33: {  	[tilespmem:s28], [sflag:$0x2] =	stream.linear.gather [hbm4b:s14+s26], $0x640, $0x38;
	[tilespmem:$0xA0F0] =	vst v63  }
0x34: {  	_ = 	snop  }
0x35: {  	[tilespmem:s29], [sflag:$0x2] =	stream.linear.gather [hbm4b:s15+s26], $0x640, $0x38;
	[tilespmem:$0xA0F0] =	vst v63  }
0x36: {  	_ = 	snop  }
0x37: {  	[tilespmem:s30], [sflag:$0x2] =	stream.linear.gather [hbm4b:s16+s26], $0x640, $0x38;
	[tilespmem:$0xA0F0] =	vst v63  }
.LBB2_4:
0x38: {  	_ =	swait.ge [sflag:s31], $0x640  }
0x39: {  	[sflag:s31] =	ssyncset.done $0x0  }
0x3a: {  	[sflag:s31] =	ssyncadd.s32 $0xFFFFF9C0  }
0x3b: {  	_ =	swait.ge [sflag:s31], $0x640  }
0x3c: {  	[sflag:s31] =	ssyncset.done $0x0  }
0x3d: {  	[sflag:s31] =	ssyncadd.s32 $0xFFFFF9C0  }
0x3e: {  	_ =	swait.ge [sflag:s31], $0x640  }
0x3f: {  	[sflag:s31] =	ssyncset.done $0x0  }
0x40: {  	s9 =	simm.s32 $0x0;
	[sflag:s31] =	ssyncadd.s32 $0xFFFFF9C0  }
0x41: {  	v5 =	vld [tilespmem:s9+$0x7550]  }
0x42: {  	v2 =	vld [tilespmem:s9+$0x7B80]  }
0x43: {  	v6 =	vld [tilespmem:s9+$0x7530]  }
0x44: {  	v4 =	vld [tilespmem:s9+$0x7B70]  }
0x45: {  	v7 =	vld [tilespmem:s9+$0x7540]  }
0x46: {  	v3 =	vld [tilespmem:s9+$0x7B90]  }
0x47: {  	v1 =	vld [tilespmem:s9+$0x7BA0]  }
0x48: {  	v8 =	vld [tilespmem:s9+$0x7560]  }
0x49: {  	v9 =	vld [tilespmem:s9+$0x81B0]  }
0x4a: {  	v12 =	vld [tilespmem:s9+$0x81C0]  }
0x4b: {  	v10 =	vld.idx.msk [tilespmem:v2+s23+$0x0], $0xffff  }
0x4c: {  	v6 =	vld.idx.msk [tilespmem:v6+s2+$0x0], $0xffff  }
0x4d: {  	v11 =	vld.idx.msk [tilespmem:v4+s23+$0x0], $0xffff  }
0x4e: {  	v7 =	vld.idx.msk [tilespmem:v7+s2+$0x0], $0xffff  }
0x4f: {  	v5 =	vld.idx.msk [tilespmem:v5+s2+$0x0], $0xffff  }
0x50: {  	v13 =	vld.idx.msk [tilespmem:v3+s23+$0x0], $0xffff  }
0x51: {  	v14 =	vld.idx.msk [tilespmem:v1+s23+$0x0], $0xffff  }
0x52: {  	v8 =	vld.idx.msk [tilespmem:v8+s2+$0x0], $0xffff;
	v6 =	vadd.f32 v11, v6  }
0x53: {  	v15 =	vld [tilespmem:s9+$0x81D0]  }
0x54: {  	v7 =	vadd.f32 v10, v7;
	v6 =	vadd.f32 v6, v9  }
0x55: {  	v60 =	vld [tilespmem:s9+$0x81E0]  }
0x56: {  	v5 =	vadd.f32 v13, v5;
	v7 =	vadd.f32 v7, v12;
	v9 =	vmul.f32 $2.000000030e-01, v6  }
0x57: {  	v8 =	vadd.f32 v14, v8  }
0x58: {  	v5 =	vadd.f32 v5, v15;
	v61 =	vmul.f32 $2.000000030e-01, v7;
	v6 =	vmax.f32 v6, v9  }
0x59: {  	v6 =	vmul.f32 $1.442695020e+00, v6  }
0x5a: {  	v8 =	vadd.f32 v8, v60;
	v62 =	vmul.f32 $2.000000030e-01, v5;
	v7 =	vmax.f32 v7, v61  }
0x5b: {  	v7 =	vmul.f32 $1.442695020e+00, v7;
	(erf) = vpow2.f32 v6  }
0x5c: {  	v63 =	vmul.f32 $2.000000030e-01, v8;
	v5 =	vmax.f32 v5, v62  }
0x5d: {  	v5 =	vmul.f32 $1.442695020e+00, v5;
	(erf) = vpow2.f32 v7  }
0x5e: {  	v6 =	vmax.f32 v8, v63  }
0x5f: {  	v6 =	vmul.f32 $1.442695020e+00, v6;
	(erf) = vpow2.f32 v5;
	_ =	sdelay $0x1  }
0x60: {  	s8 =	simm.s32 $0x100;
	(erf) = vpow2.f32 v6  }
.LBB2_5:
0x61: {  	_ = 	snop  }
0x62: {  	p0 =	sne.s32 s8, $0x1800;
	s11 =	smov.u32 s8;
	s8 =	sadd.s32 $0x100, s8  }
0x63: {  	v5 =	vpop (erf)  }
0x64: {  	[tilespmem:s9+$0x9AB0] =	vst v5  }
0x65: {  	s11 =	sshra.s32 s11, $0x2;
	[tilespmem:v4+s0+$0x0] =	vst.idx.add.f32.msk $0xffff, v5;
	v4 =	vpop (erf)  }
0x66: {  	[tilespmem:s9+$0x9AC0] =	vst v4  }
0x67: {  	[tilespmem:v2+s0+$0x0] =	vst.idx.add.f32.msk $0xffff, v4;
	v2 =	vpop (erf)  }
0x68: {  	[tilespmem:s9+$0x9AD0] =	vst v2  }
0x69: {  	[tilespmem:v3+s0+$0x0] =	vst.idx.add.f32.msk $0xffff, v2;
	v2 =	vpop (erf)  }
0x6a: {  	[tilespmem:s9+$0x9AE0] =	vst v2;
	s9 =	smov.u32 s11  }
0x6b: {  	[tilespmem:v1+s0+$0x0] =	vst.idx.add.f32.msk $0xffff, v2  }
0x6c: {  	v5 =	vld [tilespmem:s9+$0x7550]  }
0x6d: {  	v2 =	vld [tilespmem:s9+$0x7B80]  }
0x6e: {  	v6 =	vld [tilespmem:s9+$0x7530]  }
0x6f: {  	v4 =	vld [tilespmem:s9+$0x7B70]  }
0x70: {  	v7 =	vld [tilespmem:s9+$0x7540]  }
0x71: {  	v3 =	vld [tilespmem:s9+$0x7B90]  }
0x72: {  	v1 =	vld [tilespmem:s9+$0x7BA0]  }
0x73: {  	v8 =	vld [tilespmem:s9+$0x7560]  }
0x74: {  	v9 =	vld [tilespmem:s9+$0x81B0]  }
0x75: {  	v10 =	vld.idx.msk [tilespmem:v2+s23+$0x0], $0xffff  }
0x76: {  	v6 =	vld.idx.msk [tilespmem:v6+s2+$0x0], $0xffff  }
0x77: {  	v11 =	vld.idx.msk [tilespmem:v4+s23+$0x0], $0xffff  }
0x78: {  	v7 =	vld.idx.msk [tilespmem:v7+s2+$0x0], $0xffff  }
0x79: {  	v12 =	vld [tilespmem:s9+$0x81C0]  }
0x7a: {  	v5 =	vld.idx.msk [tilespmem:v5+s2+$0x0], $0xffff  }
0x7b: {  	v13 =	vld.idx.msk [tilespmem:v3+s23+$0x0], $0xffff  }
0x7c: {  	v14 =	vld.idx.msk [tilespmem:v1+s23+$0x0], $0xffff  }
0x7d: {  	v6 =	vadd.f32 v11, v6;
	v8 =	vld.idx.msk [tilespmem:v8+s2+$0x0], $0xffff  }
0x7e: {  	v7 =	vadd.f32 v10, v7;
	v11 =	vld [tilespmem:s9+$0x81D0]  }
0x7f: {  	v6 =	vadd.f32 v6, v9  }
0x80: {  	v7 =	vadd.f32 v7, v12;
	v9 =	vld [tilespmem:s9+$0x81E0]  }
0x81: {  	v10 =	vmul.f32 $2.000000030e-01, v6;
	v5 =	vadd.f32 v13, v5  }
0x82: {  	v12 =	vmul.f32 $2.000000030e-01, v7  }
0x83: {  	v6 =	vmax.f32 v6, v10;
	v8 =	vadd.f32 v14, v8;
	v5 =	vadd.f32 v5, v11  }
0x84: {  	v6 =	vmul.f32 $1.442695020e+00, v6;
	v7 =	vmax.f32 v7, v12  }
0x85: {  	v7 =	vmul.f32 $1.442695020e+00, v7;
	v10 =	vmul.f32 $2.000000030e-01, v5;
	v8 =	vadd.f32 v8, v9  }
0x86: {  	(erf) = vpow2.f32 v6  }
0x87: {  	v5 =	vmax.f32 v5, v10;
	v6 =	vmul.f32 $2.000000030e-01, v8  }
.Ltmp3:
0x88: {  	v5 =	vmul.f32 $1.442695020e+00, v5;
	(erf) = vpow2.f32 v7;
	(pc) =	sbr.rel @p0 .LBB2_5-.Ltmp3, $3  }
0x89: {  	v6 =	vmax.f32 v8, v6  }
0x8a: {  	v6 =	vmul.f32 $1.442695020e+00, v6;
	(erf) = vpow2.f32 v5;
	_ =	sdelay $0x1  }
0x8b: {  	(erf) = vpow2.f32 v6  }
0x8c: {  	_ =	sdelay $0x1  }
0x8d: {  	v5 =	vpop (erf)  }
0x8e: {  	[tilespmem:s9+$0x9AB0] =	vst v5  }
0x8f: {  	[tilespmem:v4+s0+$0x0] =	vst.idx.add.f32.msk $0xffff, v5;
	v4 =	vpop (erf)  }
0x90: {  	[tilespmem:s9+$0x9AC0] =	vst v4  }
0x91: {  	s8 =	smul.u32 $0xC80, s26;
	[tilespmem:v2+s0+$0x0] =	vst.idx.add.f32.msk $0xffff, v4;
	v2 =	vpop (erf)  }
0x92: {  	[tilespmem:s9+$0x9AD0] =	vst v2  }
0x93: {  	s11 =	sadd.s32 s8, s10;
	[tilespmem:v3+s0+$0x0] =	vst.idx.add.f32.msk $0xffff, v2;
	v2 =	vpop (erf)  }
0x94: {  	s14 =	sshrl.u32 s11, $0x3;
	[tilespmem:s9+$0x9AE0] =	vst v2  }
0x95: {  	p0 =	seq.s32 s26, $0x18;
	s9 =	sadd.s32 s6, s14;
	[tilespmem:v1+s0+$0x0] =	vst.idx.add.f32.msk $0xffff, v2  }
0x96: {  	[hbm4b:s9+s2] =	stream.linear.scatter [tilespmem:s1], [sflag:$0x3], $0x640, $0x38;
	[tilespmem:$0xA0F0] =	vst v63  }
0x97: {  	s13 =	simm.s32 @!p0 $0x0;
	s9 =	sadd.s32 @!p0 s8, s17;
	_ =	swait.ge [sflag:s22], $0x640  }
0x98: {  	s14 =	simm.s32 @!p0 $0x7530;
	s11 =	sshrl.u32 @!p0 s9, $0x3;
	[sflag:s22] =	ssyncset.done $0x0  }
0x99: {  	s9 =	sadd.s32 @!p0 s7, s9;
	s12 =	sadd.s32 @!p0 s4, s11;
	[sflag:s22] =	ssyncadd.s32 $0xFFFFF9C0  }
0x9a: {  	[tilespmem:s14], [sflag:$0x1] =	stream.linear.gather @!p0 [hbm4b:s12+s13], $0x640, $0x38;
	[tilespmem:$0xA0F0] =	vst v63  }
0x9b: {  	s11 =	sadd.s32 @!p0 s5, s11;
	s9 =	sshrl.u32 @!p0 s9, $0x3;
	s12 =	simm.s32 @!p0 $0x7B70  }
0x9c: {  	[tilespmem:s12], [sflag:$0x1] =	stream.linear.gather @!p0 [hbm4b:s11+s13], $0x640, $0x38;
	[tilespmem:$0xA0F0] =	vst v63  }
0x9d: {  	s9 =	sadd.s32 @!p0 s3, s9;
	s11 =	simm.s32 @!p0 $0x81B0  }
0x9e: {  	[tilespmem:s11], [sflag:$0x1] =	stream.linear.gather @!p0 [hbm4b:s9+s13], $0x640, $0x38;
	[tilespmem:$0xA0F0] =	vst v63  }
0x9f: {  	_ =	swait.ge [sflag:s24], $0x640  }
0xa0: {  	[sflag:s24] =	ssyncset.done $0x0  }
0xa1: {  	[sflag:s24] =	ssyncadd.s32 $0xFFFFF9C0  }
0xa2: {  	_ =	swait.ge [sflag:s24], $0x640  }
0xa3: {  	[sflag:s24] =	ssyncset.done $0x0  }
0xa4: {  	[sflag:s24] =	ssyncadd.s32 $0xFFFFF9C0  }
0xa5: {  	_ =	swait.ge [sflag:s24], $0x640  }
0xa6: {  	[sflag:s24] =	ssyncset.done $0x0  }
0xa7: {  	s9 =	simm.s32 $0x0;
	[sflag:s24] =	ssyncadd.s32 $0xFFFFF9C0  }
0xa8: {  	v5 =	vld [tilespmem:s9+$0x8810]  }
0xa9: {  	v2 =	vld [tilespmem:s9+$0x8E40]  }
0xaa: {  	v6 =	vld [tilespmem:s9+$0x87F0]  }
0xab: {  	v4 =	vld [tilespmem:s9+$0x8E30]  }
0xac: {  	v7 =	vld [tilespmem:s9+$0x8800]  }
0xad: {  	v3 =	vld [tilespmem:s9+$0x8E50]  }
0xae: {  	v1 =	vld [tilespmem:s9+$0x8E60]  }
0xaf: {  	v8 =	vld [tilespmem:s9+$0x8820]  }
0xb0: {  	v9 =	vld [tilespmem:s9+$0x9470]  }
0xb1: {  	v12 =	vld [tilespmem:s9+$0x9480]  }
0xb2: {  	v10 =	vld.idx.msk [tilespmem:v2+s23+$0x0], $0xffff  }
0xb3: {  	v6 =	vld.idx.msk [tilespmem:v6+s2+$0x0], $0xffff  }
0xb4: {  	v11 =	vld.idx.msk [tilespmem:v4+s23+$0x0], $0xffff  }
0xb5: {  	v7 =	vld.idx.msk [tilespmem:v7+s2+$0x0], $0xffff  }
0xb6: {  	v5 =	vld.idx.msk [tilespmem:v5+s2+$0x0], $0xffff  }
0xb7: {  	v13 =	vld.idx.msk [tilespmem:v3+s23+$0x0], $0xffff  }
0xb8: {  	v14 =	vld.idx.msk [tilespmem:v1+s23+$0x0], $0xffff  }
0xb9: {  	v8 =	vld.idx.msk [tilespmem:v8+s2+$0x0], $0xffff;
	v6 =	vadd.f32 v11, v6  }
0xba: {  	v15 =	vld [tilespmem:s9+$0x9490]  }
0xbb: {  	v7 =	vadd.f32 v10, v7;
	v6 =	vadd.f32 v6, v9  }
0xbc: {  	v60 =	vld [tilespmem:s9+$0x94A0]  }
0xbd: {  	v5 =	vadd.f32 v13, v5;
	v7 =	vadd.f32 v7, v12;
	v9 =	vmul.f32 $2.000000030e-01, v6  }
0xbe: {  	v8 =	vadd.f32 v14, v8  }
0xbf: {  	v5 =	vadd.f32 v5, v15;
	v61 =	vmul.f32 $2.000000030e-01, v7;
	v6 =	vmax.f32 v6, v9  }
0xc0: {  	v6 =	vmul.f32 $1.442695020e+00, v6  }
0xc1: {  	v8 =	vadd.f32 v8, v60;
	v62 =	vmul.f32 $2.000000030e-01, v5;
	v7 =	vmax.f32 v7, v61  }
0xc2: {  	v7 =	vmul.f32 $1.442695020e+00, v7;
	(erf) = vpow2.f32 v6  }
0xc3: {  	v63 =	vmul.f32 $2.000000030e-01, v8;
	v5 =	vmax.f32 v5, v62  }
0xc4: {  	v5 =	vmul.f32 $1.442695020e+00, v5;
	(erf) = vpow2.f32 v7  }
0xc5: {  	v6 =	vmax.f32 v8, v63  }
0xc6: {  	v6 =	vmul.f32 $1.442695020e+00, v6;
	(erf) = vpow2.f32 v5;
	_ =	sdelay $0x1  }
0xc7: {  	s11 =	simm.s32 $0x100;
	(erf) = vpow2.f32 v6  }
.LBB2_7:
0xc8: {  	_ = 	snop  }
0xc9: {  	p1 =	sne.s32 s11, $0x1800;
	s12 =	smov.u32 s11;
	s11 =	sadd.s32 $0x100, s11  }
0xca: {  	v5 =	vpop (erf)  }
0xcb: {  	[tilespmem:s9+$0x9AB0] =	vst v5  }
0xcc: {  	s12 =	sshra.s32 s12, $0x2;
	[tilespmem:v4+s0+$0x0] =	vst.idx.add.f32.msk $0xffff, v5;
	v4 =	vpop (erf)  }
0xcd: {  	[tilespmem:s9+$0x9AC0] =	vst v4  }
0xce: {  	[tilespmem:v2+s0+$0x0] =	vst.idx.add.f32.msk $0xffff, v4;
	v2 =	vpop (erf)  }
0xcf: {  	[tilespmem:s9+$0x9AD0] =	vst v2  }
0xd0: {  	[tilespmem:v3+s0+$0x0] =	vst.idx.add.f32.msk $0xffff, v2;
	v2 =	vpop (erf)  }
0xd1: {  	[tilespmem:s9+$0x9AE0] =	vst v2;
	s9 =	smov.u32 s12  }
0xd2: {  	[tilespmem:v1+s0+$0x0] =	vst.idx.add.f32.msk $0xffff, v2  }
0xd3: {  	v5 =	vld [tilespmem:s9+$0x8810]  }
0xd4: {  	v2 =	vld [tilespmem:s9+$0x8E40]  }
0xd5: {  	v6 =	vld [tilespmem:s9+$0x87F0]  }
0xd6: {  	v4 =	vld [tilespmem:s9+$0x8E30]  }
0xd7: {  	v7 =	vld [tilespmem:s9+$0x8800]  }
0xd8: {  	v3 =	vld [tilespmem:s9+$0x8E50]  }
0xd9: {  	v1 =	vld [tilespmem:s9+$0x8E60]  }
0xda: {  	v8 =	vld [tilespmem:s9+$0x8820]  }
0xdb: {  	v9 =	vld [tilespmem:s9+$0x9470]  }
0xdc: {  	v10 =	vld.idx.msk [tilespmem:v2+s23+$0x0], $0xffff  }
0xdd: {  	v6 =	vld.idx.msk [tilespmem:v6+s2+$0x0], $0xffff  }
0xde: {  	v11 =	vld.idx.msk [tilespmem:v4+s23+$0x0], $0xffff  }
0xdf: {  	v7 =	vld.idx.msk [tilespmem:v7+s2+$0x0], $0xffff  }
0xe0: {  	v12 =	vld [tilespmem:s9+$0x9480]  }
0xe1: {  	v5 =	vld.idx.msk [tilespmem:v5+s2+$0x0], $0xffff  }
0xe2: {  	v13 =	vld.idx.msk [tilespmem:v3+s23+$0x0], $0xffff  }
0xe3: {  	v14 =	vld.idx.msk [tilespmem:v1+s23+$0x0], $0xffff  }
0xe4: {  	v6 =	vadd.f32 v11, v6;
	v8 =	vld.idx.msk [tilespmem:v8+s2+$0x0], $0xffff  }
0xe5: {  	v7 =	vadd.f32 v10, v7;
	v11 =	vld [tilespmem:s9+$0x9490]  }
0xe6: {  	v6 =	vadd.f32 v6, v9  }
0xe7: {  	v7 =	vadd.f32 v7, v12;
	v9 =	vld [tilespmem:s9+$0x94A0]  }
0xe8: {  	v10 =	vmul.f32 $2.000000030e-01, v6;
	v5 =	vadd.f32 v13, v5  }
0xe9: {  	v12 =	vmul.f32 $2.000000030e-01, v7  }
0xea: {  	v6 =	vmax.f32 v6, v10;
	v8 =	vadd.f32 v14, v8;
	v5 =	vadd.f32 v5, v11  }
0xeb: {  	v6 =	vmul.f32 $1.442695020e+00, v6;
	v7 =	vmax.f32 v7, v12  }
0xec: {  	v7 =	vmul.f32 $1.442695020e+00, v7;
	v10 =	vmul.f32 $2.000000030e-01, v5;
	v8 =	vadd.f32 v8, v9  }
0xed: {  	(erf) = vpow2.f32 v6  }
0xee: {  	v5 =	vmax.f32 v5, v10;
	v6 =	vmul.f32 $2.000000030e-01, v8  }
.Ltmp4:
0xef: {  	v5 =	vmul.f32 $1.442695020e+00, v5;
	(erf) = vpow2.f32 v7;
	(pc) =	sbr.rel @p1 .LBB2_7-.Ltmp4, $3  }
0xf0: {  	v6 =	vmax.f32 v8, v6  }
0xf1: {  	v6 =	vmul.f32 $1.442695020e+00, v6;
	(erf) = vpow2.f32 v5;
	_ =	sdelay $0x1  }
0xf2: {  	(erf) = vpow2.f32 v6  }
0xf3: {  	_ =	sdelay $0x1  }
0xf4: {  	v5 =	vpop (erf)  }
0xf5: {  	[tilespmem:s9+$0x9AB0] =	vst v5  }
0xf6: {  	[tilespmem:v4+s0+$0x0] =	vst.idx.add.f32.msk $0xffff, v5;
	v63 =	vpop (erf)  }
0xf7: {  	[tilespmem:s9+$0x9AC0] =	vst v63  }
0xf8: {  	[tilespmem:v2+s0+$0x0] =	vst.idx.add.f32.msk $0xffff, v63;
	v2 =	vpop (erf)  }
0xf9: {  	[tilespmem:s9+$0x9AD0] =	vst v2  }
0xfa: {  	s11 =	sadd.s32 s8, s18;
	[tilespmem:v3+s0+$0x0] =	vst.idx.add.f32.msk $0xffff, v2;
	v2 =	vpop (erf)  }
0xfb: {  	s14 =	sshrl.u32 s11, $0x3;
	[tilespmem:s9+$0x9AE0] =	vst v2  }
.Ltmp5:
0xfc: {  	s9 =	sadd.s32 s6, s14;
	[tilespmem:v1+s0+$0x0] =	vst.idx.add.f32.msk $0xffff, v2;
	(pc) =	sbr.rel @p0 .LBB2_10-.Ltmp5, $4  }
0xfd: {  	[hbm4b:s9+s2] =	stream.linear.scatter [tilespmem:s1], [sflag:$0x3], $0x640, $0x38;
	[tilespmem:$0xA0F0] =	vst v63  }
0xfe: {  	_ =	swait.ge [sflag:s22], $0x640  }
0xff: {  	[sflag:s22] =	ssyncset.done $0x0  }
0x100: {  	[sflag:s22] =	ssyncadd.s32 $0xFFFFF9C0  }
0x101: {  	s8 =	sadd.s32 s8, s19  }
0x102: {  	s9 =	sshrl.u32 s8, $0x3  }
0x103: {  	s11 =	sadd.s32 s4, s9  }
0x104: {  	[tilespmem:s28], [sflag:$0x2] =	stream.linear.gather [hbm4b:s11+s2], $0x640, $0x38;
	[tilespmem:$0xA0F0] =	vst v63  }
.Ltmp6:
0x105: {  	s8 =	sadd.s32 s7, s8;
	(pc) =	sbr.rel .LBB2_4-.Ltmp6, $4  }
0x106: {  	s9 =	sadd.s32 s5, s9;
	s8 =	sshrl.u32 s8, $0x3  }
0x107: {  	[tilespmem:s29], [sflag:$0x2] =	stream.linear.gather [hbm4b:s9+s2], $0x640, $0x38;
	[tilespmem:$0xA0F0] =	vst v63  }
0x108: {  	s26 =	sadd.s32 $0x1, s26;
	s8 =	sadd.s32 s3, s8  }
0x109: {  	[tilespmem:s30], [sflag:$0x2] =	stream.linear.gather [hbm4b:s8+s2], $0x640, $0x38;
	[tilespmem:$0xA0F0] =	vst v63  }
.LBB2_11:
0x10a: {  	_ =	sfence.sel $0x180000  }
0x10b: {  	[bflag:$0x0] =	sbarrier.arrive $0xFFFF  }
0x10c: {  	_ =	strace $0x90000047  }
0x10d: {  	s0 =	stileid.u32;
	[bflag:$0x2] =	sbarrier.arrive $0xFFFF  }
0x10e: {  	p0 =	sne.s32 s0, $0x0;
	s0 =	rddreg [dreg:$0x2]  }
0x10f: {  	s0 =	sadd.s32 @!p0 $0x100000, s0  }
0x110: {  	[sflag:s0] =	ssyncadd.tile.s32 @!p0 $0x1;
	_ =	shalt  }
.Lfunc_end2:
_tile_overlayer_lowered:
.L_overlay_start_2:
0x111: {  	(tag) =	ssettag $0x2  }
0x112: {  	s0 =	rddreg [dreg:$0x0];
	s2 =	stileid.u32  }
0x113: {  	s1 =	rddreg [dreg:$0x1];
	p0 =	sne.s32 s2, $0x0  }
0x114: {  	s3 =	rddreg [dreg:$0x2];
	[bflag:$0x3] =	sbarrier.arrive $0xFFFF;
	s2 =	simm.s32 @!p0 $0x1C03  }
0x115: {  	[timem:s3], [sflag:s2] =	dma.local @!p0 [hbm:s0], s1  }
0x116: {  	s0 =	simm.s32 @!p0 $0x3  }
0x117: {  	_ =	swait.ge @!p0 [sflag:s0], s1  }
0x118: {  	s1 =	ssub.s32 @!p0 $0x0, s1;
	[sflag:s0] =	ssyncset.done @!p0 $0x0  }
0x119: {  	[sflag:s0] =	ssyncadd.s32 @!p0 s1  }
0x11a: {  	[bflag:$0x3] =	sbarrier.arrive $0xFFFF  }
0x11b: {  	_ =	shalt  }

</sc_bundles>
